<compile_context>
chip_gen: v7x
topology: tpu7x:2x2x1
jax: 0.10.2.dev20260603
libtpu: 0.0.44.dev20260713+nightly
codegen_flags: <defaults>
</compile_context>

<pallas_src>
import functools

import jax
import jax.numpy as jnp
from jax import lax
from jax.experimental import pallas as pl
from jax.experimental.pallas import tpu as pltpu
from jax.experimental.pallas import tpu_sc as plsc

B, S, D_RHO, D_C, HID = 16, 2048, 256, 128, 512
GRID = 17
NBINS = GRID * GRID
NBINS_PAD = 304
HALF = S // 2
CHUNKS = HALF // 16

_SELU_ALPHA = 1.6732632423543772
_SELU_SCALE = 1.0507009873554805


def _sc_histogram(lat_idx, lon_idx):
    mesh = plsc.VectorSubcoreMesh(core_axis_name="c", subcore_axis_name="s")

    @functools.partial(
        pl.kernel,
        mesh=mesh,
        out_type=jax.ShapeDtypeStruct((32, NBINS_PAD), jnp.float32),
        compiler_params=pltpu.CompilerParams(needs_layout_passes=False),
        scratch_types=[
            pltpu.VMEM((HALF,), jnp.int32),
            pltpu.VMEM((HALF,), jnp.int32),
            pltpu.VMEM((16 * NBINS_PAD,), jnp.float32),
            pltpu.VMEM((NBINS_PAD,), jnp.float32),
        ],
    )
    def hist(lat_hbm, lon_hbm, out_hbm, lat_v, lon_v, cnt_v, row_v):
        cid = lax.axis_index("c")
        sid = lax.axis_index("s")
        pltpu.sync_copy(lat_hbm.at[sid, pl.ds(cid * HALF, HALF)], lat_v)
        pltpu.sync_copy(lon_hbm.at[sid, pl.ds(cid * HALF, HALF)], lon_v)

        zeros16 = jnp.zeros((16,), jnp.float32)
        for k in range(16 * NBINS_PAD // 16):
            cnt_v[pl.ds(k * 16, 16)] = zeros16

        lane_base = lax.iota(jnp.int32, 16) * NBINS_PAD
        ones16 = jnp.ones((16,), jnp.float32)

        def body(j, carry):
            off = pl.multiple_of(j * 16, 16)
            la = lat_v[pl.ds(off, 16)]
            lo = lon_v[pl.ds(off, 16)]
            binv = la * GRID + lo
            plsc.addupdate_scatter(cnt_v, [lane_base + binv], ones16)
            return carry

        lax.fori_loop(0, CHUNKS, body, 0, unroll=8)

        for k in range(NBINS_PAD // 16):
            acc = cnt_v[pl.ds(k * 16, 16)]
            for ln in range(1, 16):
                acc = acc + cnt_v[pl.ds(ln * NBINS_PAD + k * 16, 16)]
            row_v[pl.ds(k * 16, 16)] = acc
        pltpu.sync_copy(row_v, out_hbm.at[cid * 16 + sid])

    return hist(lat_idx, lon_idx)


def _main_body(rho_ref, w_ref, wc_ref, c2_ref, W1_ref, b1_ref, W2_ref,
               b2_ref, Wf1_ref, bf1_ref, Wmv_ref, bmv_ref, l_ref,
               mu_ref, lam_ref, bias_v, Wfb_v, Wmvb_v, hf_v):
    i = pl.program_id(0)

    @pl.when(i == 0)
    def _prep():
        counts = wc_ref[0:16, 0:NBINS] + wc_ref[16:32, 0:NBINS]
        mean_c = lax.dot_general(
            counts, c2_ref[...], (((1,), (1,)), ((), ())),
            preferred_element_type=jnp.float32) * (1.0 / S)
        h = jnp.dot(mean_c, W1_ref[...],
                    preferred_element_type=jnp.float32) + b1_ref[...]
        h = _SELU_SCALE * jnp.where(h > 0.0, h,
                                    _SELU_ALPHA * (jnp.exp(h) - 1.0))
        c_tr = jnp.dot(h, W2_ref[...],
                       preferred_element_type=jnp.float32) + b2_ref[...]
        bias_v[...] = jnp.dot(c_tr, Wf1_ref[D_RHO:D_RHO + D_C, :],
                              preferred_element_type=jnp.float32) + bf1_ref[...]
        Wfb_v[...] = Wf1_ref[0:D_RHO, :].astype(jnp.bfloat16)
        Wmvb_v[...] = Wmv_ref[...].astype(jnp.bfloat16)

    par = lax.rem(i, 2)

    hf = hf_v[1 - par]
    aT = lax.dot_general(
        Wmvb_v[...], hf, (((0,), (1,)), ((), ())),
        preferred_element_type=jnp.float32)
    logw = jnp.log(w_ref[0])
    a1 = aT[0:1, :] + logw
    a2 = aT[1:2, :] + 2.0 * logw
    m1 = jnp.max(a1, axis=1, keepdims=True)
    l1 = m1 + jnp.log(jnp.sum(jnp.exp(a1 - m1), axis=1, keepdims=True))
    m2 = jnp.max(a2, axis=1, keepdims=True)
    l2 = m2 + jnp.log(jnp.sum(jnp.exp(a2 - m2), axis=1, keepdims=True))
    logm_agg = l1 + bmv_ref[0:1, 0:1]
    logv_agg = l2 + bmv_ref[1:2, 0:1]
    logl = jnp.log(l_ref[pl.ds(jnp.maximum(i - 1, 0), 1), 0:1])
    mu = logl - logm_agg
    lam = logl - 3.0 * logm_agg - logv_agg
    mu_ref[...] = jnp.broadcast_to(mu[:, :, None], (1, 8, 128))
    lam_ref[...] = jnp.broadcast_to(lam[:, :, None], (1, 8, 128))

    x = rho_ref[0].astype(jnp.bfloat16)
    hf32 = jnp.dot(x, Wfb_v[...],
                   preferred_element_type=jnp.float32)
    bias_b = bias_v[pl.ds(jnp.minimum(i, B - 1), 1), :].astype(jnp.bfloat16)
    hf_v[par] = jnp.maximum(hf32.astype(jnp.bfloat16) + bias_b,
                            jnp.bfloat16(0.0))


def _run_main(rho, w3, wc, c2, W1, b1, W2, b2, Wf1, bf1, Wmv, bmv, l2):
    return pl.pallas_call(
        _main_body,
        grid=(B + 1,),
        in_specs=[
            pl.BlockSpec((1, S, D_RHO), lambda i: (jnp.minimum(i, B - 1), 0, 0)),
            pl.BlockSpec((1, 1, S), lambda i: (jnp.maximum(i - 1, 0), 0, 0)),
            pl.BlockSpec((32, NBINS_PAD), lambda i: (0, 0)),
            pl.BlockSpec((D_C, NBINS), lambda i: (0, 0)),
            pl.BlockSpec((D_C, 2 * D_C), lambda i: (0, 0)),
            pl.BlockSpec((1, 2 * D_C), lambda i: (0, 0)),
            pl.BlockSpec((2 * D_C, D_C), lambda i: (0, 0)),
            pl.BlockSpec((1, D_C), lambda i: (0, 0)),
            pl.BlockSpec((D_RHO + D_C, HID), lambda i: (0, 0)),
            pl.BlockSpec((1, HID), lambda i: (0, 0)),
            pl.BlockSpec((HID, 2), lambda i: (0, 0)),
            pl.BlockSpec((2, 1), lambda i: (0, 0)),
            pl.BlockSpec((B, 1), lambda i: (0, 0)),
        ],
        out_specs=[
            pl.BlockSpec((1, 8, 128), lambda i: (jnp.maximum(i - 1, 0), 0, 0)),
            pl.BlockSpec((1, 8, 128), lambda i: (jnp.maximum(i - 1, 0), 0, 0)),
        ],
        out_shape=[
            jax.ShapeDtypeStruct((B, 8, 128), jnp.float32),
            jax.ShapeDtypeStruct((B, 8, 128), jnp.float32),
        ],
        scratch_shapes=[pltpu.VMEM((B, HID), jnp.float32),
                        pltpu.VMEM((D_RHO, HID), jnp.bfloat16),
                        pltpu.VMEM((HID, 2), jnp.bfloat16),
                        pltpu.VMEM((2, S, HID), jnp.bfloat16)],
    )(rho, w3, wc, c2, W1, b1, W2, b2, Wf1, bf1, Wmv, bmv, l2)


def kernel(rho, c, w, l, roads, lon_idx, lat_idx, W1, b1, W2, b2, Wf1, bf1,
           W21, b21, W22, b22):
    wc = _sc_histogram(lat_idx.astype(jnp.int32), lon_idx.astype(jnp.int32))

    c2 = c.reshape(D_C, NBINS)
    w3 = w.reshape(B, 1, S)
    Wmv = jnp.concatenate([W21, W22], axis=1)
    bmv = jnp.concatenate([b21, b22]).reshape(2, 1)

    mu, lam = _run_main(rho, w3, wc, c2, W1, b1.reshape(1, -1), W2,
                        b2.reshape(1, -1), Wf1, bf1.reshape(1, -1),
                        Wmv, bmv, l.reshape(B, 1))
    return (mu[:, 0, 0], lam[:, 0, 0])

# --- scband reference (transcript-rebuilt; emitter-appended) ---
"""Pipeline reference for scband-prob-travel-time-spatial-25134148616286 (READ-ONLY COPY).

The authoritative reference and input builder live on the scoring server;
editing this copy changes nothing except your own understanding.
"""

import jax, jax.numpy as jnp
import numpy as np

B, S, D_RHO, D_C, HID = 16, 2048, 256, 128, 512
GRID = 17

def setup_inputs(seed: int = 0) -> dict:
    key = jax.random.key(seed)
    ks = jax.random.split(key, 20)
    inp = {}
    inp['rho'] = jax.random.normal(ks[0], (B, S, D_RHO), dtype=jnp.float32)
    inp['c'] = jax.random.normal(ks[1], (1, D_C, GRID, GRID), dtype=jnp.float32)
    inp['w'] = jax.random.uniform(ks[2], (B, S), dtype=jnp.float32, minval=1e-4, maxval=1.0)
    inp['l'] = jax.random.uniform(ks[3], (B,), dtype=jnp.float32, minval=1e-2, maxval=10.0)
    inp['roads'] = jax.random.randint(ks[4], (B, S), 0, GRID * GRID, dtype=jnp.int64) if jax.config.jax_enable_x64 else jax.random.randint(ks[4], (B, S), 0, GRID * GRID, dtype=jnp.int32)
    inp['lon_idx'] = jax.random.randint(ks[5], (B, S), 0, GRID, dtype=jnp.int32)
    inp['lat_idx'] = jax.random.randint(ks[6], (B, S), 0, GRID, dtype=jnp.int32)
    # f2 = MLP(128, 256, 128, dropout=0.2, use_selu=True)  (dropout = identity in eval)
    inp['W1'] = 0.05 * jax.random.normal(ks[7], (128, 256), dtype=jnp.float32)
    inp['b1'] = jnp.zeros((256,), dtype=jnp.float32)
    inp['W2'] = 0.05 * jax.random.normal(ks[8], (256, 128), dtype=jnp.float32)
    inp['b2'] = jnp.zeros((128,), dtype=jnp.float32)
    # f = MLP2(dim_rho + dim_c, hidden_size, 1, dropout, use_selu=False -> relu)
    inp['Wf1'] = 0.05 * jax.random.normal(ks[9], (D_RHO + D_C, HID), dtype=jnp.float32)
    inp['bf1'] = jnp.zeros((HID,), dtype=jnp.float32)
    inp['W21'] = 0.05 * jax.random.normal(ks[10], (HID, 1), dtype=jnp.float32)
    inp['b21'] = jnp.zeros((1,), dtype=jnp.float32)
    inp['W22'] = 0.05 * jax.random.normal(ks[11], (HID, 1), dtype=jnp.float32)
    inp['b22'] = jnp.zeros((1,), dtype=jnp.float32)
    return inp


def reference(rho, c, w, l, roads, lon_idx, lat_idx, W1, b1, W2, b2, Wf1, bf1, W21, b21, W22, b22):
    # c: (1, dim_c, H, W) -> squeeze -> (dim_c, H, W) -> permute(1,2,0) -> (H, W, dim_c)
    cc = jnp.squeeze(c, axis=0)
    cc = jnp.transpose(cc, (1, 2, 0))
    c_flat = cc.reshape(-1, cc.shape[-1])  # (H*W, dim_c)
    # per-trajectory spatial gather: idx = lat*17 + lon
    idx = lat_idx.astype(jnp.int32) * GRID + lon_idx.astype(jnp.int32)  # (B, R)
    embed = jnp.take(c_flat, idx, axis=0)  # (B, R, dim_c)
    c_stack = jnp.mean(embed, axis=1)  # (B, dim_c)
    # f2: selu MLP (dropout identity in eval)
    h2 = jax.nn.selu(c_stack @ W1 + b1)
    c_tr = h2 @ W2 + b2  # (B, 128)
    c_exp = jnp.broadcast_to(c_tr[:, None, :], (rho.shape[0], rho.shape[1], c_tr.shape[-1]))
    x = jnp.concatenate((rho, c_exp), axis=2)  # (B, S, dim_rho + dim_c)
    # f: MLP2 with relu
    hf = jax.nn.relu(x @ Wf1 + bf1)
    logm = (hf @ W21 + b21)[..., 0]  # (B, S)
    logv = (hf @ W22 + b22)[..., 0]  # (B, S)
    logm_agg = jax.scipy.special.logsumexp(logm + jnp.log(w), axis=1)
    logv_agg = jax.scipy.special.logsumexp(logv + 2.0 * jnp.log(w), axis=1)
    logl = jnp.log(l)
    logmu = logl - logm_agg
    loglam = logl - 3.0 * logm_agg - logv_agg
    return (logmu, loglam)

if __name__ == "__main__":
    import jax
    _d = setup_inputs()
    print(jax.jit(kernel)(*tuple(_d.values())))

</pallas_src>

<mosaic_0001>
#map = affine_map<(d0, d1) -> (0, 0)>
module attributes {stable_mosaic.version = 14 : i64} {
  func.func @hist(%arg0: i32, %arg1: i32, %arg2: memref<16x2048xi32, #tpu.memory_space<hbm>>, %arg3: memref<16x2048xi32, #tpu.memory_space<hbm>>, %arg4: memref<32x304xf32, #tpu.memory_space<hbm>>, %arg5: memref<1024xi32, #tpu.memory_space<vmem>>, %arg6: memref<1024xi32, #tpu.memory_space<vmem>>, %arg7: memref<4864xf32, #tpu.memory_space<vmem>>, %arg8: memref<304xf32, #tpu.memory_space<vmem>>) attributes {dimension_semantics = [#tpu.dimension_semantics<core_parallel>, #tpu.dimension_semantics<subcore_parallel>], iteration_bounds = array<i64: 2, 16>, scalar_prefetch = 0 : i64, scratch_operands = 4 : i64, tpu.core_type = #tpu.core_type<sc_vector_subcore>, window_params = [{transform_indices = #map}, {transform_indices = #map}, {transform_indices = #map}]} {
    %mul3A = arith.constant 1024 : i32
    %mul3A_0 = arith.muli %arg0, %mul3A : i32
    "tpu.region"() ({
      %run_scoped3A = tpu.sem_alloc : memref<!tpu.dma_semaphore, #tpu.memory_space<semaphore_mem>>
      %dma_start3A = tpu.memref_slice %arg2[%arg1, %mul3A_0] : memref<16x2048xi32, #tpu.memory_space<hbm>> -> memref<1x1024xi32, #tpu.memory_space<hbm>>
      %dma_start3A_1553 = tpu.memref_squeeze %dma_start3A : memref<1x1024xi32, #tpu.memory_space<hbm>> -> memref<1024xi32, #tpu.memory_space<hbm>>
      %dma_start3A_1554 = tpu.memref_slice %arg2[%arg1, %mul3A_0] : memref<16x2048xi32, #tpu.memory_space<hbm>> -> memref<1x1024xi32, #tpu.memory_space<hbm>>
      %dma_start3A_1555 = tpu.memref_squeeze %dma_start3A_1554 : memref<1x1024xi32, #tpu.memory_space<hbm>> -> memref<1024xi32, #tpu.memory_space<hbm>>
      tpu.enqueue_dma source(%dma_start3A_1555 : memref<1024xi32, #tpu.memory_space<hbm>>) target(%arg5 : memref<1024xi32, #tpu.memory_space<vmem>>) target_semaphore(%run_scoped3A : memref<!tpu.dma_semaphore, #tpu.memory_space<semaphore_mem>>)
      %dma_wait3A = tpu.memref_slice %arg2[%arg1, %mul3A_0] : memref<16x2048xi32, #tpu.memory_space<hbm>> -> memref<1x1024xi32, #tpu.memory_space<hbm>>
      %dma_wait3A_1556 = tpu.memref_squeeze %dma_wait3A : memref<1x1024xi32, #tpu.memory_space<hbm>> -> memref<1024xi32, #tpu.memory_space<hbm>>
      %dma_wait3A_1557 = tpu.memref_slice %arg2[%arg1, %mul3A_0] : memref<16x2048xi32, #tpu.memory_space<hbm>> -> memref<1x1024xi32, #tpu.memory_space<hbm>>
      %dma_wait3A_1558 = tpu.memref_squeeze %dma_wait3A_1557 : memref<1x1024xi32, #tpu.memory_space<hbm>> -> memref<1024xi32, #tpu.memory_space<hbm>>
      tpu.wait_dma2 semaphore(%run_scoped3A : memref<!tpu.dma_semaphore, #tpu.memory_space<semaphore_mem>>) src(%dma_wait3A_1558 : memref<1024xi32, #tpu.memory_space<hbm>>) dst(%arg5 : memref<1024xi32, #tpu.memory_space<vmem>>)
      tpu.yield
    }) : () -> ()
    %mul3A_1 = arith.constant 1024 : i32
    %mul3A_2 = arith.muli %arg0, %mul3A_1 : i32
    "tpu.region"() ({
      %run_scoped3A = tpu.sem_alloc : memref<!tpu.dma_semaphore, #tpu.memory_space<semaphore_mem>>
      %dma_start3A = tpu.memref_slice %arg3[%arg1, %mul3A_2] : memref<16x2048xi32, #tpu.memory_space<hbm>> -> memref<1x1024xi32, #tpu.memory_space<hbm>>
      %dma_start3A_1553 = tpu.memref_squeeze %dma_start3A : memref<1x1024xi32, #tpu.memory_space<hbm>> -> memref<1024xi32, #tpu.memory_space<hbm>>
      %dma_start3A_1554 = tpu.memref_slice %arg3[%arg1, %mul3A_2] : memref<16x2048xi32, #tpu.memory_space<hbm>> -> memref<1x1024xi32, #tpu.memory_space<hbm>>
      %dma_start3A_1555 = tpu.memref_squeeze %dma_start3A_1554 : memref<1x1024xi32, #tpu.memory_space<hbm>> -> memref<1024xi32, #tpu.memory_space<hbm>>
      tpu.enqueue_dma source(%dma_start3A_1555 : memref<1024xi32, #tpu.memory_space<hbm>>) target(%arg6 : memref<1024xi32, #tpu.memory_space<vmem>>) target_semaphore(%run_scoped3A : memref<!tpu.dma_semaphore, #tpu.memory_space<semaphore_mem>>)
      %dma_wait3A = tpu.memref_slice %arg3[%arg1, %mul3A_2] : memref<16x2048xi32, #tpu.memory_space<hbm>> -> memref<1x1024xi32, #tpu.memory_space<hbm>>
      %dma_wait3A_1556 = tpu.memref_squeeze %dma_wait3A : memref<1x1024xi32, #tpu.memory_space<hbm>> -> memref<1024xi32, #tpu.memory_space<hbm>>
      %dma_wait3A_1557 = tpu.memref_slice %arg3[%arg1, %mul3A_2] : memref<16x2048xi32, #tpu.memory_space<hbm>> -> memref<1x1024xi32, #tpu.memory_space<hbm>>
      %dma_wait3A_1558 = tpu.memref_squeeze %dma_wait3A_1557 : memref<1x1024xi32, #tpu.memory_space<hbm>> -> memref<1024xi32, #tpu.memory_space<hbm>>
      tpu.wait_dma2 semaphore(%run_scoped3A : memref<!tpu.dma_semaphore, #tpu.memory_space<semaphore_mem>>) src(%dma_wait3A_1558 : memref<1024xi32, #tpu.memory_space<hbm>>) dst(%arg6 : memref<1024xi32, #tpu.memory_space<vmem>>)
      tpu.yield
    }) : () -> ()
    %broadcast_in_dim3A = arith.constant 0.000000e+00 : f32
    %broadcast_in_dim3A_3 = vector.broadcast %broadcast_in_dim3A : f32 to vector<16xf32>
    %swap3A = arith.constant 0 : index
    %swap3A_4 = tpu.vector_load %arg7[%swap3A] {strides = array<i32>} : memref<4864xf32, #tpu.memory_space<vmem>>, vector<16xf32>,
    tpu.vector_store %arg7[%swap3A], %broadcast_in_dim3A_3 {strides = array<i32>} : memref<4864xf32, #tpu.memory_space<vmem>>, vector<16xf32>,
    %swap3A_5 = arith.constant 16 : index
    %swap3A_6 = tpu.vector_load %arg7[%swap3A_5] {strides = array<i32>} : memref<4864xf32, #tpu.memory_space<vmem>>, vector<16xf32>,
    tpu.vector_store %arg7[%swap3A_5], %broadcast_in_dim3A_3 {strides = array<i32>} : memref<4864xf32, #tpu.memory_space<vmem>>, vector<16xf32>,
    %swap3A_7 = arith.constant 32 : index
    %swap3A_8 = tpu.vector_load %arg7[%swap3A_7] {strides = array<i32>} : memref<4864xf32, #tpu.memory_space<vmem>>, vector<16xf32>,
    tpu.vector_store %arg7[%swap3A_7], %broadcast_in_dim3A_3 {strides = array<i32>} : memref<4864xf32, #tpu.memory_space<vmem>>, vector<16xf32>,
    %swap3A_9 = arith.constant 48 : index
    %swap3A_10 = tpu.vector_load %arg7[%swap3A_9] {strides = array<i32>} : memref<4864xf32, #tpu.memory_space<vmem>>, vector<16xf32>,
    tpu.vector_store %arg7[%swap3A_9], %broadcast_in_dim3A_3 {strides = array<i32>} : memref<4864xf32, #tpu.memory_space<vmem>>, vector<16xf32>,
    %swap3A_11 = arith.constant 64 : index
    %swap3A_12 = tpu.vector_load %arg7[%swap3A_11] {strides = array<i32>} : memref<4864xf32, #tpu.memory_space<vmem>>, vector<16xf32>,
    tpu.vector_store %arg7[%swap3A_11], %broadcast_in_dim3A_3 {strides = array<i32>} : memref<4864xf32, #tpu.memory_space<vmem>>, vector<16xf32>,
    %swap3A_13 = arith.constant 80 : index
    %swap3A_14 = tpu.vector_load %arg7[%swap3A_13] {strides = array<i32>} : memref<4864xf32, #tpu.memory_space<vmem>>, vector<16xf32>,
    tpu.vector_store %arg7[%swap3A_13], %broadcast_in_dim3A_3 {strides = array<i32>} : memref<4864xf32, #tpu.memory_space<vmem>>, vector<16xf32>,
    %swap3A_15 = arith.constant 96 : index
    %swap3A_16 = tpu.vector_load %arg7[%swap3A_15] {strides = array<i32>} : memref<4864xf32, #tpu.memory_space<vmem>>, vector<16xf32>,
    tpu.vector_store %arg7[%swap3A_15], %broadcast_in_dim3A_3 {strides = array<i32>} : memref<4864xf32, #tpu.memory_space<vmem>>, vector<16xf32>,
    %swap3A_17 = arith.constant 112 : index
    %swap3A_18 = tpu.vector_load %arg7[%swap3A_17] {strides = array<i32>} : memref<4864xf32, #tpu.memory_space<vmem>>, vector<16xf32>,
    tpu.vector_store %arg7[%swap3A_17], %broadcast_in_dim3A_3 {strides = array<i32>} : memref<4864xf32, #tpu.memory_space<vmem>>, vector<16xf32>,
    %swap3A_19 = arith.constant 128 : index
    %swap3A_20 = tpu.vector_load %arg7[%swap3A_19] {strides = array<i32>} : memref<4864xf32, #tpu.memory_space<vmem>>, vector<16xf32>,
    tpu.vector_store %arg7[%swap3A_19], %broadcast_in_dim3A_3 {strides = array<i32>} : memref<4864xf32, #tpu.memory_space<vmem>>, vector<16xf32>,
    %swap3A_21 = arith.constant 144 : index
    %swap3A_22 = tpu.vector_load %arg7[%swap3A_21] {strides = array<i32>} : memref<4864xf32, #tpu.memory_space<vmem>>, vector<16xf32>,
    tpu.vector_store %arg7[%swap3A_21], %broadcast_in_dim3A_3 {strides = array<i32>} : memref<4864xf32, #tpu.memory_space<vmem>>, vector<16xf32>,
    %swap3A_23 = arith.constant 160 : index
    %swap3A_24 = tpu.vector_load %arg7[%swap3A_23] {strides = array<i32>} : memref<4864xf32, #tpu.memory_space<vmem>>, vector<16xf32>,
    tpu.vector_store %arg7[%swap3A_23], %broadcast_in_dim3A_3 {strides = array<i32>} : memref<4864xf32, #tpu.memory_space<vmem>>, vector<16xf32>,
    %swap3A_25 = arith.constant 176 : index
    %swap3A_26 = tpu.vector_load %arg7[%swap3A_25] {strides = array<i32>} : memref<4864xf32, #tpu.memory_space<vmem>>, vector<16xf32>,
    tpu.vector_store %arg7[%swap3A_25], %broadcast_in_dim3A_3 {strides = array<i32>} : memref<4864xf32, #tpu.memory_space<vmem>>, vector<16xf32>,
    %swap3A_27 = arith.constant 192 : index
    %swap3A_28 = tpu.vector_load %arg7[%swap3A_27] {strides = array<i32>} : memref<4864xf32, #tpu.memory_space<vmem>>, vector<16xf32>,
    tpu.vector_store %arg7[%swap3A_27], %broadcast_in_dim3A_3 {strides = array<i32>} : memref<4864xf32, #tpu.memory_space<vmem>>, vector<16xf32>,
    %swap3A_29 = arith.constant 208 : index
    %swap3A_30 = tpu.vector_load %arg7[%swap3A_29] {strides = array<i32>} : memref<4864xf32, #tpu.memory_space<vmem>>, vector<16xf32>,
    tpu.vector_store %arg7[%swap3A_29], %broadcast_in_dim3A_3 {strides = array<i32>} : memref<4864xf32, #tpu.memory_space<vmem>>, vector<16xf32>,
    %swap3A_31 = arith.constant 224 : index
    %swap3A_32 = tpu.vector_load %arg7[%swap3A_31] {strides = array<i32>} : memref<4864xf32, #tpu.memory_space<vmem>>, vector<16xf32>,
    tpu.vector_store %arg7[%swap3A_31], %broadcast_in_dim3A_3 {strides = array<i32>} : memref<4864xf32, #tpu.memory_space<vmem>>, vector<16xf32>,
    %swap3A_33 = arith.constant 240 : index
    %swap3A_34 = tpu.vector_load %arg7[%swap3A_33] {strides = array<i32>} : memref<4864xf32, #tpu.memory_space<vmem>>, vector<16xf32>,
    tpu.vector_store %arg7[%swap3A_33], %broadcast_in_dim3A_3 {strides = array<i32>} : memref<4864xf32, #tpu.memory_space<vmem>>, vector<16xf32>,
    %swap3A_35 = arith.constant 256 : index
    %swap3A_36 = tpu.vector_load %arg7[%swap3A_35] {strides = array<i32>} : memref<4864xf32, #tpu.memory_space<vmem>>, vector<16xf32>,
    tpu.vector_store %arg7[%swap3A_35], %broadcast_in_dim3A_3 {strides = array<i32>} : memref<4864xf32, #tpu.memory_space<vmem>>, vector<16xf32>,
    %swap3A_37 = arith.constant 272 : index
    %swap3A_38 = tpu.vector_load %arg7[%swap3A_37] {strides = array<i32>} : memref<4864xf32, #tpu.memory_space<vmem>>, vector<16xf32>,
    tpu.vector_store %arg7[%swap3A_37], %broadcast_in_dim3A_3 {strides = array<i32>} : memref<4864xf32, #tpu.memory_space<vmem>>, vector<16xf32>,
    %swap3A_39 = arith.constant 288 : index
    %swap3A_40 = tpu.vector_load %arg7[%swap3A_39] {strides = array<i32>} : memref<4864xf32, #tpu.memory_space<vmem>>, vector<16xf32>,
    tpu.vector_store %arg7[%swap3A_39], %broadcast_in_dim3A_3 {strides = array<i32>} : memref<4864xf32, #tpu.memory_space<vmem>>, vector<16xf32>,
    %swap3A_41 = arith.constant 304 : index
    %swap3A_42 = tpu.vector_load %arg7[%swap3A_41] {strides = array<i32>} : memref<4864xf32, #tpu.memory_space<vmem>>, vector<16xf32>,
    tpu.vector_store %arg7[%swap3A_41], %broadcast_in_dim3A_3 {strides = array<i32>} : memref<4864xf32, #tpu.memory_space<vmem>>, vector<16xf32>,
    %swap3A_43 = arith.constant 320 : index
    %swap3A_44 = tpu.vector_load %arg7[%swap3A_43] {strides = array<i32>} : memref<4864xf32, #tpu.memory_space<vmem>>, vector<16xf32>,
    tpu.vector_store %arg7[%swap3A_43], %broadcast_in_dim3A_3 {strides = array<i32>} : memref<4864xf32, #tpu.memory_space<vmem>>, vector<16xf32>,
    %swap3A_45 = arith.constant 336 : index
    %swap3A_46 = tpu.vector_load %arg7[%swap3A_45] {strides = array<i32>} : memref<4864xf32, #tpu.memory_space<vmem>>, vector<16xf32>,
    tpu.vector_store %arg7[%swap3A_45], %broadcast_in_dim3A_3 {strides = array<i32>} : memref<4864xf32, #tpu.memory_space<vmem>>, vector<16xf32>,
    %swap3A_47 = arith.constant 352 : index
    %swap3A_48 = tpu.vector_load %arg7[%swap3A_47] {strides = array<i32>} : memref<4864xf32, #tpu.memory_space<vmem>>, vector<16xf32>,
    tpu.vector_store %arg7[%swap3A_47], %broadcast_in_dim3A_3 {strides = array<i32>} : memref<4864xf32, #tpu.memory_space<vmem>>, vector<16xf32>,
    %swap3A_49 = arith.constant 368 : index
    %swap3A_50 = tpu.vector_load %arg7[%swap3A_49] {strides = array<i32>} : memref<4864xf32, #tpu.memory_space<vmem>>, vector<16xf32>,
    tpu.vector_store %arg7[%swap3A_49], %broadcast_in_dim3A_3 {strides = array<i32>} : memref<4864xf32, #tpu.memory_space<vmem>>, vector<16xf32>,
    %swap3A_51 = arith.constant 384 : index
    %swap3A_52 = tpu.vector_load %arg7[%swap3A_51] {strides = array<i32>} : memref<4864xf32, #tpu.memory_space<vmem>>, vector<16xf32>,
    tpu.vector_store %arg7[%swap3A_51], %broadcast_in_dim3A_3 {strides = array<i32>} : memref<4864xf32, #tpu.memory_space<vmem>>, vector<16xf32>,
    %swap3A_53 = arith.constant 400 : index
    %swap3A_54 = tpu.vector_load %arg7[%swap3A_53] {strides = array<i32>} : memref<4864xf32, #tpu.memory_space<vmem>>, vector<16xf32>,
    tpu.vector_store %arg7[%swap3A_53], %broadcast_in_dim3A_3 {strides = array<i32>} : memref<4864xf32, #tpu.memory_space<vmem>>, vector<16xf32>,
    %swap3A_55 = arith.constant 416 : index
    %swap3A_56 = tpu.vector_load %arg7[%swap3A_55] {strides = array<i32>} : memref<4864xf32, #tpu.memory_space<vmem>>, vector<16xf32>,
    tpu.vector_store %arg7[%swap3A_55], %broadcast_in_dim3A_3 {strides = array<i32>} : memref<4864xf32, #tpu.memory_space<vmem>>, vector<16xf32>,
    %swap3A_57 = arith.constant 432 : index
    %swap3A_58 = tpu.vector_load %arg7[%swap3A_57] {strides = array<i32>} : memref<4864xf32, #tpu.memory_space<vmem>>, vector<16xf32>,
    tpu.vector_store %arg7[%swap3A_57], %broadcast_in_dim3A_3 {strides = array<i32>} : memref<4864xf32, #tpu.memory_space<vmem>>, vector<16xf32>,
    %swap3A_59 = arith.constant 448 : index
    %swap3A_60 = tpu.vector_load %arg7[%swap3A_59] {strides = array<i32>} : memref<4864xf32, #tpu.memory_space<vmem>>, vector<16xf32>,
    tpu.vector_store %arg7[%swap3A_59], %broadcast_in_dim3A_3 {strides = array<i32>} : memref<4864xf32, #tpu.memory_space<vmem>>, vector<16xf32>,
    %swap3A_61 = arith.constant 464 : index
    %swap3A_62 = tpu.vector_load %arg7[%swap3A_61] {strides = array<i32>} : memref<4864xf32, #tpu.memory_space<vmem>>, vector<16xf32>,
    tpu.vector_store %arg7[%swap3A_61], %broadcast_in_dim3A_3 {strides = array<i32>} : memref<4864xf32, #tpu.memory_space<vmem>>, vector<16xf32>,
    %swap3A_63 = arith.constant 480 : index
    %swap3A_64 = tpu.vector_load %arg7[%swap3A_63] {strides = array<i32>} : memref<4864xf32, #tpu.memory_space<vmem>>, vector<16xf32>,
    tpu.vector_store %arg7[%swap3A_63], %broadcast_in_dim3A_3 {strides = array<i32>} : memref<4864xf32, #tpu.memory_space<vmem>>, vector<16xf32>,
    %swap3A_65 = arith.constant 496 : index
    %swap3A_66 = tpu.vector_load %arg7[%swap3A_65] {strides = array<i32>} : memref<4864xf32, #tpu.memory_space<vmem>>, vector<16xf32>,
    tpu.vector_store %arg7[%swap3A_65], %broadcast_in_dim3A_3 {strides = array<i32>} : memref<4864xf32, #tpu.memory_space<vmem>>, vector<16xf32>,
    %swap3A_67 = arith.constant 512 : index
    %swap3A_68 = tpu.vector_load %arg7[%swap3A_67] {strides = array<i32>} : memref<4864xf32, #tpu.memory_space<vmem>>, vector<16xf32>,
    tpu.vector_store %arg7[%swap3A_67], %broadcast_in_dim3A_3 {strides = array<i32>} : memref<4864xf32, #tpu.memory_space<vmem>>, vector<16xf32>,
    %swap3A_69 = arith.constant 528 : index
    %swap3A_70 = tpu.vector_load %arg7[%swap3A_69] {strides = array<i32>} : memref<4864xf32, #tpu.memory_space<vmem>>, vector<16xf32>,
    tpu.vector_store %arg7[%swap3A_69], %broadcast_in_dim3A_3 {strides = array<i32>} : memref<4864xf32, #tpu.memory_space<vmem>>, vector<16xf32>,
    %swap3A_71 = arith.constant 544 : index
    %swap3A_72 = tpu.vector_load %arg7[%swap3A_71] {strides = array<i32>} : memref<4864xf32, #tpu.memory_space<vmem>>, vector<16xf32>,
    tpu.vector_store %arg7[%swap3A_71], %broadcast_in_dim3A_3 {strides = array<i32>} : memref<4864xf32, #tpu.memory_space<vmem>>, vector<16xf32>,
    %swap3A_73 = arith.constant 560 : index
    %swap3A_74 = tpu.vector_load %arg7[%swap3A_73] {strides = array<i32>} : memref<4864xf32, #tpu.memory_space<vmem>>, vector<16xf32>,
    tpu.vector_store %arg7[%swap3A_73], %broadcast_in_dim3A_3 {strides = array<i32>} : memref<4864xf32, #tpu.memory_space<vmem>>, vector<16xf32>,
    %swap3A_75 = arith.constant 576 : index
    %swap3A_76 = tpu.vector_load %arg7[%swap3A_75] {strides = array<i32>} : memref<4864xf32, #tpu.memory_space<vmem>>, vector<16xf32>,
    tpu.vector_store %arg7[%swap3A_75], %broadcast_in_dim3A_3 {strides = array<i32>} : memref<4864xf32, #tpu.memory_space<vmem>>, vector<16xf32>,
    %swap3A_77 = arith.constant 592 : index
    %swap3A_78 = tpu.vector_load %arg7[%swap3A_77] {strides = array<i32>} : memref<4864xf32, #tpu.memory_space<vmem>>, vector<16xf32>,
    tpu.vector_store %arg7[%swap3A_77], %broadcast_in_dim3A_3 {strides = array<i32>} : memref<4864xf32, #tpu.memory_space<vmem>>, vector<16xf32>,
    %swap3A_79 = arith.constant 608 : index
    %swap3A_80 = tpu.vector_load %arg7[%swap3A_79] {strides = array<i32>} : memref<4864xf32, #tpu.memory_space<vmem>>, vector<16xf32>,
    tpu.vector_store %arg7[%swap3A_79], %broadcast_in_dim3A_3 {strides = array<i32>} : memref<4864xf32, #tpu.memory_space<vmem>>, vector<16xf32>,
    %swap3A_81 = arith.constant 624 : index
    %swap3A_82 = tpu.vector_load %arg7[%swap3A_81] {strides = array<i32>} : memref<4864xf32, #tpu.memory_space<vmem>>, vector<16xf32>,
    tpu.vector_store %arg7[%swap3A_81], %broadcast_in_dim3A_3 {strides = array<i32>} : memref<4864xf32, #tpu.memory_space<vmem>>, vector<16xf32>,
    %swap3A_83 = arith.constant 640 : index
    %swap3A_84 = tpu.vector_load %arg7[%swap3A_83] {strides = array<i32>} : memref<4864xf32, #tpu.memory_space<vmem>>, vector<16xf32>,
    tpu.vector_store %arg7[%swap3A_83], %broadcast_in_dim3A_3 {strides = array<i32>} : memref<4864xf32, #tpu.memory_space<vmem>>, vector<16xf32>,
    %swap3A_85 = arith.constant 656 : index
    %swap3A_86 = tpu.vector_load %arg7[%swap3A_85] {strides = array<i32>} : memref<4864xf32, #tpu.memory_space<vmem>>, vector<16xf32>,
    tpu.vector_store %arg7[%swap3A_85], %broadcast_in_dim3A_3 {strides = array<i32>} : memref<4864xf32, #tpu.memory_space<vmem>>, vector<16xf32>,
    %swap3A_87 = arith.constant 672 : index
    %swap3A_88 = tpu.vector_load %arg7[%swap3A_87] {strides = array<i32>} : memref<4864xf32, #tpu.memory_space<vmem>>, vector<16xf32>,
    tpu.vector_store %arg7[%swap3A_87], %broadcast_in_dim3A_3 {strides = array<i32>} : memref<4864xf32, #tpu.memory_space<vmem>>, vector<16xf32>,
    %swap3A_89 = arith.constant 688 : index
    %swap3A_90 = tpu.vector_load %arg7[%swap3A_89] {strides = array<i32>} : memref<4864xf32, #tpu.memory_space<vmem>>, vector<16xf32>,
    tpu.vector_store %arg7[%swap3A_89], %broadcast_in_dim3A_3 {strides = array<i32>} : memref<4864xf32, #tpu.memory_space<vmem>>, vector<16xf32>,
    %swap3A_91 = arith.constant 704 : index
    %swap3A_92 = tpu.vector_load %arg7[%swap3A_91] {strides = array<i32>} : memref<4864xf32, #tpu.memory_space<vmem>>, vector<16xf32>,
    tpu.vector_store %arg7[%swap3A_91], %broadcast_in_dim3A_3 {strides = array<i32>} : memref<4864xf32, #tpu.memory_space<vmem>>, vector<16xf32>,
    %swap3A_93 = arith.constant 720 : index
    %swap3A_94 = tpu.vector_load %arg7[%swap3A_93] {strides = array<i32>} : memref<4864xf32, #tpu.memory_space<vmem>>, vector<16xf32>,
    tpu.vector_store %arg7[%swap3A_93], %broadcast_in_dim3A_3 {strides = array<i32>} : memref<4864xf32, #tpu.memory_space<vmem>>, vector<16xf32>,
    %swap3A_95 = arith.constant 736 : index
    %swap3A_96 = tpu.vector_load %arg7[%swap3A_95] {strides = array<i32>} : memref<4864xf32, #tpu.memory_space<vmem>>, vector<16xf32>,
    tpu.vector_store %arg7[%swap3A_95], %broadcast_in_dim3A_3 {strides = array<i32>} : memref<4864xf32, #tpu.memory_space<vmem>>, vector<16xf32>,
    %swap3A_97 = arith.constant 752 : index
    %swap3A_98 = tpu.vector_load %arg7[%swap3A_97] {strides = array<i32>} : memref<4864xf32, #tpu.memory_space<vmem>>, vector<16xf32>,
    tpu.vector_store %arg7[%swap3A_97], %broadcast_in_dim3A_3 {strides = array<i32>} : memref<4864xf32, #tpu.memory_space<vmem>>, vector<16xf32>,
    %swap3A_99 = arith.constant 768 : index
    %swap3A_100 = tpu.vector_load %arg7[%swap3A_99] {strides = array<i32>} : memref<4864xf32, #tpu.memory_space<vmem>>, vector<16xf32>,
    tpu.vector_store %arg7[%swap3A_99], %broadcast_in_dim3A_3 {strides = array<i32>} : memref<4864xf32, #tpu.memory_space<vmem>>, vector<16xf32>,
    %swap3A_101 = arith.constant 784 : index
    %swap3A_102 = tpu.vector_load %arg7[%swap3A_101] {strides = array<i32>} : memref<4864xf32, #tpu.memory_space<vmem>>, vector<16xf32>,
    tpu.vector_store %arg7[%swap3A_101], %broadcast_in_dim3A_3 {strides = array<i32>} : memref<4864xf32, #tpu.memory_space<vmem>>, vector<16xf32>,
    %swap3A_103 = arith.constant 800 : index
    %swap3A_104 = tpu.vector_load %arg7[%swap3A_103] {strides = array<i32>} : memref<4864xf32, #tpu.memory_space<vmem>>, vector<16xf32>,
    tpu.vector_store %arg7[%swap3A_103], %broadcast_in_dim3A_3 {strides = array<i32>} : memref<4864xf32, #tpu.memory_space<vmem>>, vector<16xf32>,
    %swap3A_105 = arith.constant 816 : index
    %swap3A_106 = tpu.vector_load %arg7[%swap3A_105] {strides = array<i32>} : memref<4864xf32, #tpu.memory_space<vmem>>, vector<16xf32>,
    tpu.vector_store %arg7[%swap3A_105], %broadcast_in_dim3A_3 {strides = array<i32>} : memref<4864xf32, #tpu.memory_space<vmem>>, vector<16xf32>,
    %swap3A_107 = arith.constant 832 : index
    %swap3A_108 = tpu.vector_load %arg7[%swap3A_107] {strides = array<i32>} : memref<4864xf32, #tpu.memory_space<vmem>>, vector<16xf32>,
    tpu.vector_store %arg7[%swap3A_107], %broadcast_in_dim3A_3 {strides = array<i32>} : memref<4864xf32, #tpu.memory_space<vmem>>, vector<16xf32>,
    %swap3A_109 = arith.constant 848 : index
    %swap3A_110 = tpu.vector_load %arg7[%swap3A_109] {strides = array<i32>} : memref<4864xf32, #tpu.memory_space<vmem>>, vector<16xf32>,
    tpu.vector_store %arg7[%swap3A_109], %broadcast_in_dim3A_3 {strides = array<i32>} : memref<4864xf32, #tpu.memory_space<vmem>>, vector<16xf32>,
    %swap3A_111 = arith.constant 864 : index
    %swap3A_112 = tpu.vector_load %arg7[%swap3A_111] {strides = array<i32>} : memref<4864xf32, #tpu.memory_space<vmem>>, vector<16xf32>,
    tpu.vector_store %arg7[%swap3A_111], %broadcast_in_dim3A_3 {strides = array<i32>} : memref<4864xf32, #tpu.memory_space<vmem>>, vector<16xf32>,
    %swap3A_113 = arith.constant 880 : index
    %swap3A_114 = tpu.vector_load %arg7[%swap3A_113] {strides = array<i32>} : memref<4864xf32, #tpu.memory_space<vmem>>, vector<16xf32>,
    tpu.vector_store %arg7[%swap3A_113], %broadcast_in_dim3A_3 {strides = array<i32>} : memref<4864xf32, #tpu.memory_space<vmem>>, vector<16xf32>,
    %swap3A_115 = arith.constant 896 : index
    %swap3A_116 = tpu.vector_load %arg7[%swap3A_115] {strides = array<i32>} : memref<4864xf32, #tpu.memory_space<vmem>>, vector<16xf32>,
    tpu.vector_store %arg7[%swap3A_115], %broadcast_in_dim3A_3 {strides = array<i32>} : memref<4864xf32, #tpu.memory_space<vmem>>, vector<16xf32>,
    %swap3A_117 = arith.constant 912 : index
    %swap3A_118 = tpu.vector_load %arg7[%swap3A_117] {strides = array<i32>} : memref<4864xf32, #tpu.memory_space<vmem>>, vector<16xf32>,
    tpu.vector_store %arg7[%swap3A_117], %broadcast_in_dim3A_3 {strides = array<i32>} : memref<4864xf32, #tpu.memory_space<vmem>>, vector<16xf32>,
    %swap3A_119 = arith.constant 928 : index
    %swap3A_120 = tpu.vector_load %arg7[%swap3A_119] {strides = array<i32>} : memref<4864xf32, #tpu.memory_space<vmem>>, vector<16xf32>,
    tpu.vector_store %arg7[%swap3A_119], %broadcast_in_dim3A_3 {strides = array<i32>} : memref<4864xf32, #tpu.memory_space<vmem>>, vector<16xf32>,
    %swap3A_121 = arith.constant 944 : index
    %swap3A_122 = tpu.vector_load %arg7[%swap3A_121] {strides = array<i32>} : memref<4864xf32, #tpu.memory_space<vmem>>, vector<16xf32>,
    tpu.vector_store %arg7[%swap3A_121], %broadcast_in_dim3A_3 {strides = array<i32>} : memref<4864xf32, #tpu.memory_space<vmem>>, vector<16xf32>,
    %swap3A_123 = arith.constant 960 : index
    %swap3A_124 = tpu.vector_load %arg7[%swap3A_123] {strides = array<i32>} : memref<4864xf32, #tpu.memory_space<vmem>>, vector<16xf32>,
    tpu.vector_store %arg7[%swap3A_123], %broadcast_in_dim3A_3 {strides = array<i32>} : memref<4864xf32, #tpu.memory_space<vmem>>, vector<16xf32>,
    %swap3A_125 = arith.constant 976 : index
    %swap3A_126 = tpu.vector_load %arg7[%swap3A_125] {strides = array<i32>} : memref<4864xf32, #tpu.memory_space<vmem>>, vector<16xf32>,
    tpu.vector_store %arg7[%swap3A_125], %broadcast_in_dim3A_3 {strides = array<i32>} : memref<4864xf32, #tpu.memory_space<vmem>>, vector<16xf32>,
    %swap3A_127 = arith.constant 992 : index
    %swap3A_128 = tpu.vector_load %arg7[%swap3A_127] {strides = array<i32>} : memref<4864xf32, #tpu.memory_space<vmem>>, vector<16xf32>,
    tpu.vector_store %arg7[%swap3A_127], %broadcast_in_dim3A_3 {strides = array<i32>} : memref<4864xf32, #tpu.memory_space<vmem>>, vector<16xf32>,
    %swap3A_129 = arith.constant 1008 : index
    %swap3A_130 = tpu.vector_load %arg7[%swap3A_129] {strides = array<i32>} : memref<4864xf32, #tpu.memory_space<vmem>>, vector<16xf32>,
    tpu.vector_store %arg7[%swap3A_129], %broadcast_in_dim3A_3 {strides = array<i32>} : memref<4864xf32, #tpu.memory_space<vmem>>, vector<16xf32>,
    %swap3A_131 = arith.constant 1024 : index
    %swap3A_132 = tpu.vector_load %arg7[%swap3A_131] {strides = array<i32>} : memref<4864xf32, #tpu.memory_space<vmem>>, vector<16xf32>,
    tpu.vector_store %arg7[%swap3A_131], %broadcast_in_dim3A_3 {strides = array<i32>} : memref<4864xf32, #tpu.memory_space<vmem>>, vector<16xf32>,
    %swap3A_133 = arith.constant 1040 : index
    %swap3A_134 = tpu.vector_load %arg7[%swap3A_133] {strides = array<i32>} : memref<4864xf32, #tpu.memory_space<vmem>>, vector<16xf32>,
    tpu.vector_store %arg7[%swap3A_133], %broadcast_in_dim3A_3 {strides = array<i32>} : memref<4864xf32, #tpu.memory_space<vmem>>, vector<16xf32>,
    %swap3A_135 = arith.constant 1056 : index
    %swap3A_136 = tpu.vector_load %arg7[%swap3A_135] {strides = array<i32>} : memref<4864xf32, #tpu.memory_space<vmem>>, vector<16xf32>,
    tpu.vector_store %arg7[%swap3A_135], %broadcast_in_dim3A_3 {strides = array<i32>} : memref<4864xf32, #tpu.memory_space<vmem>>, vector<16xf32>,
    %swap3A_137 = arith.constant 1072 : index
    %swap3A_138 = tpu.vector_load %arg7[%swap3A_137] {strides = array<i32>} : memref<4864xf32, #tpu.memory_space<vmem>>, vector<16xf32>,
    tpu.vector_store %arg7[%swap3A_137], %broadcast_in_dim3A_3 {strides = array<i32>} : memref<4864xf32, #tpu.memory_space<vmem>>, vector<16xf32>,
    %swap3A_139 = arith.constant 1088 : index
    %swap3A_140 = tpu.vector_load %arg7[%swap3A_139] {strides = array<i32>} : memref<4864xf32, #tpu.memory_space<vmem>>, vector<16xf32>,
    tpu.vector_store %arg7[%swap3A_139], %broadcast_in_dim3A_3 {strides = array<i32>} : memref<4864xf32, #tpu.memory_space<vmem>>, vector<16xf32>,
    %swap3A_141 = arith.constant 1104 : index
    %swap3A_142 = tpu.vector_load %arg7[%swap3A_141] {strides = array<i32>} : memref<4864xf32, #tpu.memory_space<vmem>>, vector<16xf32>,
    tpu.vector_store %arg7[%swap3A_141], %broadcast_in_dim3A_3 {strides = array<i32>} : memref<4864xf32, #tpu.memory_space<vmem>>, vector<16xf32>,
    %swap3A_143 = arith.constant 1120 : index
    %swap3A_144 = tpu.vector_load %arg7[%swap3A_143] {strides = array<i32>} : memref<4864xf32, #tpu.memory_space<vmem>>, vector<16xf32>,
    tpu.vector_store %arg7[%swap3A_143], %broadcast_in_dim3A_3 {strides = array<i32>} : memref<4864xf32, #tpu.memory_space<vmem>>, vector<16xf32>,
    %swap3A_145 = arith.constant 1136 : index
    %swap3A_146 = tpu.vector_load %arg7[%swap3A_145] {strides = array<i32>} : memref<4864xf32, #tpu.memory_space<vmem>>, vector<16xf32>,
    tpu.vector_store %arg7[%swap3A_145], %broadcast_in_dim3A_3 {strides = array<i32>} : memref<4864xf32, #tpu.memory_space<vmem>>, vector<16xf32>,
    %swap3A_147 = arith.constant 1152 : index
    %swap3A_148 = tpu.vector_load %arg7[%swap3A_147] {strides = array<i32>} : memref<4864xf32, #tpu.memory_space<vmem>>, vector<16xf32>,
    tpu.vector_store %arg7[%swap3A_147], %broadcast_in_dim3A_3 {strides = array<i32>} : memref<4864xf32, #tpu.memory_space<vmem>>, vector<16xf32>,
    %swap3A_149 = arith.constant 1168 : index
    %swap3A_150 = tpu.vector_load %arg7[%swap3A_149] {strides = array<i32>} : memref<4864xf32, #tpu.memory_space<vmem>>, vector<16xf32>,
    tpu.vector_store %arg7[%swap3A_149], %broadcast_in_dim3A_3 {strides = array<i32>} : memref<4864xf32, #tpu.memory_space<vmem>>, vector<16xf32>,
    %swap3A_151 = arith.constant 1184 : index
    %swap3A_152 = tpu.vector_load %arg7[%swap3A_151] {strides = array<i32>} : memref<4864xf32, #tpu.memory_space<vmem>>, vector<16xf32>,
    tpu.vector_store %arg7[%swap3A_151], %broadcast_in_dim3A_3 {strides = array<i32>} : memref<4864xf32, #tpu.memory_space<vmem>>, vector<16xf32>,
    %swap3A_153 = arith.constant 1200 : index
    %swap3A_154 = tpu.vector_load %arg7[%swap3A_153] {strides = array<i32>} : memref<4864xf32, #tpu.memory_space<vmem>>, vector<16xf32>,
    tpu.vector_store %arg7[%swap3A_153], %broadcast_in_dim3A_3 {strides = array<i32>} : memref<4864xf32, #tpu.memory_space<vmem>>, vector<16xf32>,
    %swap3A_155 = arith.constant 1216 : index
    %swap3A_156 = tpu.vector_load %arg7[%swap3A_155] {strides = array<i32>} : memref<4864xf32, #tpu.memory_space<vmem>>, vector<16xf32>,
    tpu.vector_store %arg7[%swap3A_155], %broadcast_in_dim3A_3 {strides = array<i32>} : memref<4864xf32, #tpu.memory_space<vmem>>, vector<16xf32>,
    %swap3A_157 = arith.constant 1232 : index
    %swap3A_158 = tpu.vector_load %arg7[%swap3A_157] {strides = array<i32>} : memref<4864xf32, #tpu.memory_space<vmem>>, vector<16xf32>,
    tpu.vector_store %arg7[%swap3A_157], %broadcast_in_dim3A_3 {strides = array<i32>} : memref<4864xf32, #tpu.memory_space<vmem>>, vector<16xf32>,
    %swap3A_159 = arith.constant 1248 : index
    %swap3A_160 = tpu.vector_load %arg7[%swap3A_159] {strides = array<i32>} : memref<4864xf32, #tpu.memory_space<vmem>>, vector<16xf32>,
    tpu.vector_store %arg7[%swap3A_159], %broadcast_in_dim3A_3 {strides = array<i32>} : memref<4864xf32, #tpu.memory_space<vmem>>, vector<16xf32>,
    %swap3A_161 = arith.constant 1264 : index
    %swap3A_162 = tpu.vector_load %arg7[%swap3A_161] {strides = array<i32>} : memref<4864xf32, #tpu.memory_space<vmem>>, vector<16xf32>,
    tpu.vector_store %arg7[%swap3A_161], %broadcast_in_dim3A_3 {strides = array<i32>} : memref<4864xf32, #tpu.memory_space<vmem>>, vector<16xf32>,
    %swap3A_163 = arith.constant 1280 : index
    %swap3A_164 = tpu.vector_load %arg7[%swap3A_163] {strides = array<i32>} : memref<4864xf32, #tpu.memory_space<vmem>>, vector<16xf32>,
    tpu.vector_store %arg7[%swap3A_163], %broadcast_in_dim3A_3 {strides = array<i32>} : memref<4864xf32, #tpu.memory_space<vmem>>, vector<16xf32>,
    %swap3A_165 = arith.constant 1296 : index
    %swap3A_166 = tpu.vector_load %arg7[%swap3A_165] {strides = array<i32>} : memref<4864xf32, #tpu.memory_space<vmem>>, vector<16xf32>,
    tpu.vector_store %arg7[%swap3A_165], %broadcast_in_dim3A_3 {strides = array<i32>} : memref<4864xf32, #tpu.memory_space<vmem>>, vector<16xf32>,
    %swap3A_167 = arith.constant 1312 : index
    %swap3A_168 = tpu.vector_load %arg7[%swap3A_167] {strides = array<i32>} : memref<4864xf32, #tpu.memory_space<vmem>>, vector<16xf32>,
    tpu.vector_store %arg7[%swap3A_167], %broadcast_in_dim3A_3 {strides = array<i32>} : memref<4864xf32, #tpu.memory_space<vmem>>, vector<16xf32>,
    %swap3A_169 = arith.constant 1328 : index
    %swap3A_170 = tpu.vector_load %arg7[%swap3A_169] {strides = array<i32>} : memref<4864xf32, #tpu.memory_space<vmem>>, vector<16xf32>,
    tpu.vector_store %arg7[%swap3A_169], %broadcast_in_dim3A_3 {strides = array<i32>} : memref<4864xf32, #tpu.memory_space<vmem>>, vector<16xf32>,
    %swap3A_171 = arith.constant 1344 : index
    %swap3A_172 = tpu.vector_load %arg7[%swap3A_171] {strides = array<i32>} : memref<4864xf32, #tpu.memory_space<vmem>>, vector<16xf32>,
    tpu.vector_store %arg7[%swap3A_171], %broadcast_in_dim3A_3 {strides = array<i32>} : memref<4864xf32, #tpu.memory_space<vmem>>, vector<16xf32>,
    %swap3A_173 = arith.constant 1360 : index
    %swap3A_174 = tpu.vector_load %arg7[%swap3A_173] {strides = array<i32>} : memref<4864xf32, #tpu.memory_space<vmem>>, vector<16xf32>,
    tpu.vector_store %arg7[%swap3A_173], %broadcast_in_dim3A_3 {strides = array<i32>} : memref<4864xf32, #tpu.memory_space<vmem>>, vector<16xf32>,
    %swap3A_175 = arith.constant 1376 : index
    %swap3A_176 = tpu.vector_load %arg7[%swap3A_175] {strides = array<i32>} : memref<4864xf32, #tpu.memory_space<vmem>>, vector<16xf32>,
    tpu.vector_store %arg7[%swap3A_175], %broadcast_in_dim3A_3 {strides = array<i32>} : memref<4864xf32, #tpu.memory_space<vmem>>, vector<16xf32>,
    %swap3A_177 = arith.constant 1392 : index
    %swap3A_178 = tpu.vector_load %arg7[%swap3A_177] {strides = array<i32>} : memref<4864xf32, #tpu.memory_space<vmem>>, vector<16xf32>,
    tpu.vector_store %arg7[%swap3A_177], %broadcast_in_dim3A_3 {strides = array<i32>} : memref<4864xf32, #tpu.memory_space<vmem>>, vector<16xf32>,
    %swap3A_179 = arith.constant 1408 : index
    %swap3A_180 = tpu.vector_load %arg7[%swap3A_179] {strides = array<i32>} : memref<4864xf32, #tpu.memory_space<vmem>>, vector<16xf32>,
    tpu.vector_store %arg7[%swap3A_179], %broadcast_in_dim3A_3 {strides = array<i32>} : memref<4864xf32, #tpu.memory_space<vmem>>, vector<16xf32>,
    %swap3A_181 = arith.constant 1424 : index
    %swap3A_182 = tpu.vector_load %arg7[%swap3A_181] {strides = array<i32>} : memref<4864xf32, #tpu.memory_space<vmem>>, vector<16xf32>,
    tpu.vector_store %arg7[%swap3A_181], %broadcast_in_dim3A_3 {strides = array<i32>} : memref<4864xf32, #tpu.memory_space<vmem>>, vector<16xf32>,
    %swap3A_183 = arith.constant 1440 : index
    %swap3A_184 = tpu.vector_load %arg7[%swap3A_183] {strides = array<i32>} : memref<4864xf32, #tpu.memory_space<vmem>>, vector<16xf32>,
    tpu.vector_store %arg7[%swap3A_183], %broadcast_in_dim3A_3 {strides = array<i32>} : memref<4864xf32, #tpu.memory_space<vmem>>, vector<16xf32>,
    %swap3A_185 = arith.constant 1456 : index
    %swap3A_186 = tpu.vector_load %arg7[%swap3A_185] {strides = array<i32>} : memref<4864xf32, #tpu.memory_space<vmem>>, vector<16xf32>,
    tpu.vector_store %arg7[%swap3A_185], %broadcast_in_dim3A_3 {strides = array<i32>} : memref<4864xf32, #tpu.memory_space<vmem>>, vector<16xf32>,
    %swap3A_187 = arith.constant 1472 : index
    %swap3A_188 = tpu.vector_load %arg7[%swap3A_187] {strides = array<i32>} : memref<4864xf32, #tpu.memory_space<vmem>>, vector<16xf32>,
    tpu.vector_store %arg7[%swap3A_187], %broadcast_in_dim3A_3 {strides = array<i32>} : memref<4864xf32, #tpu.memory_space<vmem>>, vector<16xf32>,
    %swap3A_189 = arith.constant 1488 : index
    %swap3A_190 = tpu.vector_load %arg7[%swap3A_189] {strides = array<i32>} : memref<4864xf32, #tpu.memory_space<vmem>>, vector<16xf32>,
    tpu.vector_store %arg7[%swap3A_189], %broadcast_in_dim3A_3 {strides = array<i32>} : memref<4864xf32, #tpu.memory_space<vmem>>, vector<16xf32>,
    %swap3A_191 = arith.constant 1504 : index
    %swap3A_192 = tpu.vector_load %arg7[%swap3A_191] {strides = array<i32>} : memref<4864xf32, #tpu.memory_space<vmem>>, vector<16xf32>,
    tpu.vector_store %arg7[%swap3A_191], %broadcast_in_dim3A_3 {strides = array<i32>} : memref<4864xf32, #tpu.memory_space<vmem>>, vector<16xf32>,
    %swap3A_193 = arith.constant 1520 : index
    %swap3A_194 = tpu.vector_load %arg7[%swap3A_193] {strides = array<i32>} : memref<4864xf32, #tpu.memory_space<vmem>>, vector<16xf32>,
    tpu.vector_store %arg7[%swap3A_193], %broadcast_in_dim3A_3 {strides = array<i32>} : memref<4864xf32, #tpu.memory_space<vmem>>, vector<16xf32>,
    %swap3A_195 = arith.constant 1536 : index
    %swap3A_196 = tpu.vector_load %arg7[%swap3A_195] {strides = array<i32>} : memref<4864xf32, #tpu.memory_space<vmem>>, vector<16xf32>,
    tpu.vector_store %arg7[%swap3A_195], %broadcast_in_dim3A_3 {strides = array<i32>} : memref<4864xf32, #tpu.memory_space<vmem>>, vector<16xf32>,
    %swap3A_197 = arith.constant 1552 : index
    %swap3A_198 = tpu.vector_load %arg7[%swap3A_197] {strides = array<i32>} : memref<4864xf32, #tpu.memory_space<vmem>>, vector<16xf32>,
    tpu.vector_store %arg7[%swap3A_197], %broadcast_in_dim3A_3 {strides = array<i32>} : memref<4864xf32, #tpu.memory_space<vmem>>, vector<16xf32>,
    %swap3A_199 = arith.constant 1568 : index
    %swap3A_200 = tpu.vector_load %arg7[%swap3A_199] {strides = array<i32>} : memref<4864xf32, #tpu.memory_space<vmem>>, vector<16xf32>,
    tpu.vector_store %arg7[%swap3A_199], %broadcast_in_dim3A_3 {strides = array<i32>} : memref<4864xf32, #tpu.memory_space<vmem>>, vector<16xf32>,
    %swap3A_201 = arith.constant 1584 : index
    %swap3A_202 = tpu.vector_load %arg7[%swap3A_201] {strides = array<i32>} : memref<4864xf32, #tpu.memory_space<vmem>>, vector<16xf32>,
    tpu.vector_store %arg7[%swap3A_201], %broadcast_in_dim3A_3 {strides = array<i32>} : memref<4864xf32, #tpu.memory_space<vmem>>, vector<16xf32>,
    %swap3A_203 = arith.constant 1600 : index
    %swap3A_204 = tpu.vector_load %arg7[%swap3A_203] {strides = array<i32>} : memref<4864xf32, #tpu.memory_space<vmem>>, vector<16xf32>,
    tpu.vector_store %arg7[%swap3A_203], %broadcast_in_dim3A_3 {strides = array<i32>} : memref<4864xf32, #tpu.memory_space<vmem>>, vector<16xf32>,
    %swap3A_205 = arith.constant 1616 : index
    %swap3A_206 = tpu.vector_load %arg7[%swap3A_205] {strides = array<i32>} : memref<4864xf32, #tpu.memory_space<vmem>>, vector<16xf32>,
    tpu.vector_store %arg7[%swap3A_205], %broadcast_in_dim3A_3 {strides = array<i32>} : memref<4864xf32, #tpu.memory_space<vmem>>, vector<16xf32>,
    %swap3A_207 = arith.constant 1632 : index
    %swap3A_208 = tpu.vector_load %arg7[%swap3A_207] {strides = array<i32>} : memref<4864xf32, #tpu.memory_space<vmem>>, vector<16xf32>,
    tpu.vector_store %arg7[%swap3A_207], %broadcast_in_dim3A_3 {strides = array<i32>} : memref<4864xf32, #tpu.memory_space<vmem>>, vector<16xf32>,
    %swap3A_209 = arith.constant 1648 : index
    %swap3A_210 = tpu.vector_load %arg7[%swap3A_209] {strides = array<i32>} : memref<4864xf32, #tpu.memory_space<vmem>>, vector<16xf32>,
    tpu.vector_store %arg7[%swap3A_209], %broadcast_in_dim3A_3 {strides = array<i32>} : memref<4864xf32, #tpu.memory_space<vmem>>, vector<16xf32>,
    %swap3A_211 = arith.constant 1664 : index
    %swap3A_212 = tpu.vector_load %arg7[%swap3A_211] {strides = array<i32>} : memref<4864xf32, #tpu.memory_space<vmem>>, vector<16xf32>,
    tpu.vector_store %arg7[%swap3A_211], %broadcast_in_dim3A_3 {strides = array<i32>} : memref<4864xf32, #tpu.memory_space<vmem>>, vector<16xf32>,
    %swap3A_213 = arith.constant 1680 : index
    %swap3A_214 = tpu.vector_load %arg7[%swap3A_213] {strides = array<i32>} : memref<4864xf32, #tpu.memory_space<vmem>>, vector<16xf32>,
    tpu.vector_store %arg7[%swap3A_213], %broadcast_in_dim3A_3 {strides = array<i32>} : memref<4864xf32, #tpu.memory_space<vmem>>, vector<16xf32>,
    %swap3A_215 = arith.constant 1696 : index
    %swap3A_216 = tpu.vector_load %arg7[%swap3A_215] {strides = array<i32>} : memref<4864xf32, #tpu.memory_space<vmem>>, vector<16xf32>,
    tpu.vector_store %arg7[%swap3A_215], %broadcast_in_dim3A_3 {strides = array<i32>} : memref<4864xf32, #tpu.memory_space<vmem>>, vector<16xf32>,
    %swap3A_217 = arith.constant 1712 : index
    %swap3A_218 = tpu.vector_load %arg7[%swap3A_217] {strides = array<i32>} : memref<4864xf32, #tpu.memory_space<vmem>>, vector<16xf32>,
    tpu.vector_store %arg7[%swap3A_217], %broadcast_in_dim3A_3 {strides = array<i32>} : memref<4864xf32, #tpu.memory_space<vmem>>, vector<16xf32>,
    %swap3A_219 = arith.constant 1728 : index
    %swap3A_220 = tpu.vector_load %arg7[%swap3A_219] {strides = array<i32>} : memref<4864xf32, #tpu.memory_space<vmem>>, vector<16xf32>,
    tpu.vector_store %arg7[%swap3A_219], %broadcast_in_dim3A_3 {strides = array<i32>} : memref<4864xf32, #tpu.memory_space<vmem>>, vector<16xf32>,
    %swap3A_221 = arith.constant 1744 : index
    %swap3A_222 = tpu.vector_load %arg7[%swap3A_221] {strides = array<i32>} : memref<4864xf32, #tpu.memory_space<vmem>>, vector<16xf32>,
    tpu.vector_store %arg7[%swap3A_221], %broadcast_in_dim3A_3 {strides = array<i32>} : memref<4864xf32, #tpu.memory_space<vmem>>, vector<16xf32>,
    %swap3A_223 = arith.constant 1760 : index
    %swap3A_224 = tpu.vector_load %arg7[%swap3A_223] {strides = array<i32>} : memref<4864xf32, #tpu.memory_space<vmem>>, vector<16xf32>,
    tpu.vector_store %arg7[%swap3A_223], %broadcast_in_dim3A_3 {strides = array<i32>} : memref<4864xf32, #tpu.memory_space<vmem>>, vector<16xf32>,
    %swap3A_225 = arith.constant 1776 : index
    %swap3A_226 = tpu.vector_load %arg7[%swap3A_225] {strides = array<i32>} : memref<4864xf32, #tpu.memory_space<vmem>>, vector<16xf32>,
    tpu.vector_store %arg7[%swap3A_225], %broadcast_in_dim3A_3 {strides = array<i32>} : memref<4864xf32, #tpu.memory_space<vmem>>, vector<16xf32>,
    %swap3A_227 = arith.constant 1792 : index
    %swap3A_228 = tpu.vector_load %arg7[%swap3A_227] {strides = array<i32>} : memref<4864xf32, #tpu.memory_space<vmem>>, vector<16xf32>,
    tpu.vector_store %arg7[%swap3A_227], %broadcast_in_dim3A_3 {strides = array<i32>} : memref<4864xf32, #tpu.memory_space<vmem>>, vector<16xf32>,
    %swap3A_229 = arith.constant 1808 : index
    %swap3A_230 = tpu.vector_load %arg7[%swap3A_229] {strides = array<i32>} : memref<4864xf32, #tpu.memory_space<vmem>>, vector<16xf32>,
    tpu.vector_store %arg7[%swap3A_229], %broadcast_in_dim3A_3 {strides = array<i32>} : memref<4864xf32, #tpu.memory_space<vmem>>, vector<16xf32>,
    %swap3A_231 = arith.constant 1824 : index
    %swap3A_232 = tpu.vector_load %arg7[%swap3A_231] {strides = array<i32>} : memref<4864xf32, #tpu.memory_space<vmem>>, vector<16xf32>,
    tpu.vector_store %arg7[%swap3A_231], %broadcast_in_dim3A_3 {strides = array<i32>} : memref<4864xf32, #tpu.memory_space<vmem>>, vector<16xf32>,
    %swap3A_233 = arith.constant 1840 : index
    %swap3A_234 = tpu.vector_load %arg7[%swap3A_233] {strides = array<i32>} : memref<4864xf32, #tpu.memory_space<vmem>>, vector<16xf32>,
    tpu.vector_store %arg7[%swap3A_233], %broadcast_in_dim3A_3 {strides = array<i32>} : memref<4864xf32, #tpu.memory_space<vmem>>, vector<16xf32>,
    %swap3A_235 = arith.constant 1856 : index
    %swap3A_236 = tpu.vector_load %arg7[%swap3A_235] {strides = array<i32>} : memref<4864xf32, #tpu.memory_space<vmem>>, vector<16xf32>,
    tpu.vector_store %arg7[%swap3A_235], %broadcast_in_dim3A_3 {strides = array<i32>} : memref<4864xf32, #tpu.memory_space<vmem>>, vector<16xf32>,
    %swap3A_237 = arith.constant 1872 : index
    %swap3A_238 = tpu.vector_load %arg7[%swap3A_237] {strides = array<i32>} : memref<4864xf32, #tpu.memory_space<vmem>>, vector<16xf32>,
    tpu.vector_store %arg7[%swap3A_237], %broadcast_in_dim3A_3 {strides = array<i32>} : memref<4864xf32, #tpu.memory_space<vmem>>, vector<16xf32>,
    %swap3A_239 = arith.constant 1888 : index
    %swap3A_240 = tpu.vector_load %arg7[%swap3A_239] {strides = array<i32>} : memref<4864xf32, #tpu.memory_space<vmem>>, vector<16xf32>,
    tpu.vector_store %arg7[%swap3A_239], %broadcast_in_dim3A_3 {strides = array<i32>} : memref<4864xf32, #tpu.memory_space<vmem>>, vector<16xf32>,
    %swap3A_241 = arith.constant 1904 : index
    %swap3A_242 = tpu.vector_load %arg7[%swap3A_241] {strides = array<i32>} : memref<4864xf32, #tpu.memory_space<vmem>>, vector<16xf32>,
    tpu.vector_store %arg7[%swap3A_241], %broadcast_in_dim3A_3 {strides = array<i32>} : memref<4864xf32, #tpu.memory_space<vmem>>, vector<16xf32>,
    %swap3A_243 = arith.constant 1920 : index
    %swap3A_244 = tpu.vector_load %arg7[%swap3A_243] {strides = array<i32>} : memref<4864xf32, #tpu.memory_space<vmem>>, vector<16xf32>,
    tpu.vector_store %arg7[%swap3A_243], %broadcast_in_dim3A_3 {strides = array<i32>} : memref<4864xf32, #tpu.memory_space<vmem>>, vector<16xf32>,
    %swap3A_245 = arith.constant 1936 : index
    %swap3A_246 = tpu.vector_load %arg7[%swap3A_245] {strides = array<i32>} : memref<4864xf32, #tpu.memory_space<vmem>>, vector<16xf32>,
    tpu.vector_store %arg7[%swap3A_245], %broadcast_in_dim3A_3 {strides = array<i32>} : memref<4864xf32, #tpu.memory_space<vmem>>, vector<16xf32>,
    %swap3A_247 = arith.constant 1952 : index
    %swap3A_248 = tpu.vector_load %arg7[%swap3A_247] {strides = array<i32>} : memref<4864xf32, #tpu.memory_space<vmem>>, vector<16xf32>,
    tpu.vector_store %arg7[%swap3A_247], %broadcast_in_dim3A_3 {strides = array<i32>} : memref<4864xf32, #tpu.memory_space<vmem>>, vector<16xf32>,
    %swap3A_249 = arith.constant 1968 : index
    %swap3A_250 = tpu.vector_load %arg7[%swap3A_249] {strides = array<i32>} : memref<4864xf32, #tpu.memory_space<vmem>>, vector<16xf32>,
    tpu.vector_store %arg7[%swap3A_249], %broadcast_in_dim3A_3 {strides = array<i32>} : memref<4864xf32, #tpu.memory_space<vmem>>, vector<16xf32>,
    %swap3A_251 = arith.constant 1984 : index
    %swap3A_252 = tpu.vector_load %arg7[%swap3A_251] {strides = array<i32>} : memref<4864xf32, #tpu.memory_space<vmem>>, vector<16xf32>,
    tpu.vector_store %arg7[%swap3A_251], %broadcast_in_dim3A_3 {strides = array<i32>} : memref<4864xf32, #tpu.memory_space<vmem>>, vector<16xf32>,
    %swap3A_253 = arith.constant 2000 : index
    %swap3A_254 = tpu.vector_load %arg7[%swap3A_253] {strides = array<i32>} : memref<4864xf32, #tpu.memory_space<vmem>>, vector<16xf32>,
    tpu.vector_store %arg7[%swap3A_253], %broadcast_in_dim3A_3 {strides = array<i32>} : memref<4864xf32, #tpu.memory_space<vmem>>, vector<16xf32>,
    %swap3A_255 = arith.constant 2016 : index
    %swap3A_256 = tpu.vector_load %arg7[%swap3A_255] {strides = array<i32>} : memref<4864xf32, #tpu.memory_space<vmem>>, vector<16xf32>,
    tpu.vector_store %arg7[%swap3A_255], %broadcast_in_dim3A_3 {strides = array<i32>} : memref<4864xf32, #tpu.memory_space<vmem>>, vector<16xf32>,
    %swap3A_257 = arith.constant 2032 : index
    %swap3A_258 = tpu.vector_load %arg7[%swap3A_257] {strides = array<i32>} : memref<4864xf32, #tpu.memory_space<vmem>>, vector<16xf32>,
    tpu.vector_store %arg7[%swap3A_257], %broadcast_in_dim3A_3 {strides = array<i32>} : memref<4864xf32, #tpu.memory_space<vmem>>, vector<16xf32>,
    %swap3A_259 = arith.constant 2048 : index
    %swap3A_260 = tpu.vector_load %arg7[%swap3A_259] {strides = array<i32>} : memref<4864xf32, #tpu.memory_space<vmem>>, vector<16xf32>,
    tpu.vector_store %arg7[%swap3A_259], %broadcast_in_dim3A_3 {strides = array<i32>} : memref<4864xf32, #tpu.memory_space<vmem>>, vector<16xf32>,
    %swap3A_261 = arith.constant 2064 : index
    %swap3A_262 = tpu.vector_load %arg7[%swap3A_261] {strides = array<i32>} : memref<4864xf32, #tpu.memory_space<vmem>>, vector<16xf32>,
    tpu.vector_store %arg7[%swap3A_261], %broadcast_in_dim3A_3 {strides = array<i32>} : memref<4864xf32, #tpu.memory_space<vmem>>, vector<16xf32>,
    %swap3A_263 = arith.constant 2080 : index
    %swap3A_264 = tpu.vector_load %arg7[%swap3A_263] {strides = array<i32>} : memref<4864xf32, #tpu.memory_space<vmem>>, vector<16xf32>,
    tpu.vector_store %arg7[%swap3A_263], %broadcast_in_dim3A_3 {strides = array<i32>} : memref<4864xf32, #tpu.memory_space<vmem>>, vector<16xf32>,
    %swap3A_265 = arith.constant 2096 : index
    %swap3A_266 = tpu.vector_load %arg7[%swap3A_265] {strides = array<i32>} : memref<4864xf32, #tpu.memory_space<vmem>>, vector<16xf32>,
    tpu.vector_store %arg7[%swap3A_265], %broadcast_in_dim3A_3 {strides = array<i32>} : memref<4864xf32, #tpu.memory_space<vmem>>, vector<16xf32>,
    %swap3A_267 = arith.constant 2112 : index
    %swap3A_268 = tpu.vector_load %arg7[%swap3A_267] {strides = array<i32>} : memref<4864xf32, #tpu.memory_space<vmem>>, vector<16xf32>,
    tpu.vector_store %arg7[%swap3A_267], %broadcast_in_dim3A_3 {strides = array<i32>} : memref<4864xf32, #tpu.memory_space<vmem>>, vector<16xf32>,
    %swap3A_269 = arith.constant 2128 : index
    %swap3A_270 = tpu.vector_load %arg7[%swap3A_269] {strides = array<i32>} : memref<4864xf32, #tpu.memory_space<vmem>>, vector<16xf32>,
    tpu.vector_store %arg7[%swap3A_269], %broadcast_in_dim3A_3 {strides = array<i32>} : memref<4864xf32, #tpu.memory_space<vmem>>, vector<16xf32>,
    %swap3A_271 = arith.constant 2144 : index
    %swap3A_272 = tpu.vector_load %arg7[%swap3A_271] {strides = array<i32>} : memref<4864xf32, #tpu.memory_space<vmem>>, vector<16xf32>,
    tpu.vector_store %arg7[%swap3A_271], %broadcast_in_dim3A_3 {strides = array<i32>} : memref<4864xf32, #tpu.memory_space<vmem>>, vector<16xf32>,
    %swap3A_273 = arith.constant 2160 : index
    %swap3A_274 = tpu.vector_load %arg7[%swap3A_273] {strides = array<i32>} : memref<4864xf32, #tpu.memory_space<vmem>>, vector<16xf32>,
    tpu.vector_store %arg7[%swap3A_273], %broadcast_in_dim3A_3 {strides = array<i32>} : memref<4864xf32, #tpu.memory_space<vmem>>, vector<16xf32>,
    %swap3A_275 = arith.constant 2176 : index
    %swap3A_276 = tpu.vector_load %arg7[%swap3A_275] {strides = array<i32>} : memref<4864xf32, #tpu.memory_space<vmem>>, vector<16xf32>,
    tpu.vector_store %arg7[%swap3A_275], %broadcast_in_dim3A_3 {strides = array<i32>} : memref<4864xf32, #tpu.memory_space<vmem>>, vector<16xf32>,
    %swap3A_277 = arith.constant 2192 : index
    %swap3A_278 = tpu.vector_load %arg7[%swap3A_277] {strides = array<i32>} : memref<4864xf32, #tpu.memory_space<vmem>>, vector<16xf32>,
    tpu.vector_store %arg7[%swap3A_277], %broadcast_in_dim3A_3 {strides = array<i32>} : memref<4864xf32, #tpu.memory_space<vmem>>, vector<16xf32>,
    %swap3A_279 = arith.constant 2208 : index
    %swap3A_280 = tpu.vector_load %arg7[%swap3A_279] {strides = array<i32>} : memref<4864xf32, #tpu.memory_space<vmem>>, vector<16xf32>,
    tpu.vector_store %arg7[%swap3A_279], %broadcast_in_dim3A_3 {strides = array<i32>} : memref<4864xf32, #tpu.memory_space<vmem>>, vector<16xf32>,
    %swap3A_281 = arith.constant 2224 : index
    %swap3A_282 = tpu.vector_load %arg7[%swap3A_281] {strides = array<i32>} : memref<4864xf32, #tpu.memory_space<vmem>>, vector<16xf32>,
    tpu.vector_store %arg7[%swap3A_281], %broadcast_in_dim3A_3 {strides = array<i32>} : memref<4864xf32, #tpu.memory_space<vmem>>, vector<16xf32>,
    %swap3A_283 = arith.constant 2240 : index
    %swap3A_284 = tpu.vector_load %arg7[%swap3A_283] {strides = array<i32>} : memref<4864xf32, #tpu.memory_space<vmem>>, vector<16xf32>,
    tpu.vector_store %arg7[%swap3A_283], %broadcast_in_dim3A_3 {strides = array<i32>} : memref<4864xf32, #tpu.memory_space<vmem>>, vector<16xf32>,
    %swap3A_285 = arith.constant 2256 : index
    %swap3A_286 = tpu.vector_load %arg7[%swap3A_285] {strides = array<i32>} : memref<4864xf32, #tpu.memory_space<vmem>>, vector<16xf32>,
    tpu.vector_store %arg7[%swap3A_285], %broadcast_in_dim3A_3 {strides = array<i32>} : memref<4864xf32, #tpu.memory_space<vmem>>, vector<16xf32>,
    %swap3A_287 = arith.constant 2272 : index
    %swap3A_288 = tpu.vector_load %arg7[%swap3A_287] {strides = array<i32>} : memref<4864xf32, #tpu.memory_space<vmem>>, vector<16xf32>,
    tpu.vector_store %arg7[%swap3A_287], %broadcast_in_dim3A_3 {strides = array<i32>} : memref<4864xf32, #tpu.memory_space<vmem>>, vector<16xf32>,
    %swap3A_289 = arith.constant 2288 : index
    %swap3A_290 = tpu.vector_load %arg7[%swap3A_289] {strides = array<i32>} : memref<4864xf32, #tpu.memory_space<vmem>>, vector<16xf32>,
    tpu.vector_store %arg7[%swap3A_289], %broadcast_in_dim3A_3 {strides = array<i32>} : memref<4864xf32, #tpu.memory_space<vmem>>, vector<16xf32>,
    %swap3A_291 = arith.constant 2304 : index
    %swap3A_292 = tpu.vector_load %arg7[%swap3A_291] {strides = array<i32>} : memref<4864xf32, #tpu.memory_space<vmem>>, vector<16xf32>,
    tpu.vector_store %arg7[%swap3A_291], %broadcast_in_dim3A_3 {strides = array<i32>} : memref<4864xf32, #tpu.memory_space<vmem>>, vector<16xf32>,
    %swap3A_293 = arith.constant 2320 : index
    %swap3A_294 = tpu.vector_load %arg7[%swap3A_293] {strides = array<i32>} : memref<4864xf32, #tpu.memory_space<vmem>>, vector<16xf32>,
    tpu.vector_store %arg7[%swap3A_293], %broadcast_in_dim3A_3 {strides = array<i32>} : memref<4864xf32, #tpu.memory_space<vmem>>, vector<16xf32>,
    %swap3A_295 = arith.constant 2336 : index
    %swap3A_296 = tpu.vector_load %arg7[%swap3A_295] {strides = array<i32>} : memref<4864xf32, #tpu.memory_space<vmem>>, vector<16xf32>,
    tpu.vector_store %arg7[%swap3A_295], %broadcast_in_dim3A_3 {strides = array<i32>} : memref<4864xf32, #tpu.memory_space<vmem>>, vector<16xf32>,
    %swap3A_297 = arith.constant 2352 : index
    %swap3A_298 = tpu.vector_load %arg7[%swap3A_297] {strides = array<i32>} : memref<4864xf32, #tpu.memory_space<vmem>>, vector<16xf32>,
    tpu.vector_store %arg7[%swap3A_297], %broadcast_in_dim3A_3 {strides = array<i32>} : memref<4864xf32, #tpu.memory_space<vmem>>, vector<16xf32>,
    %swap3A_299 = arith.constant 2368 : index
    %swap3A_300 = tpu.vector_load %arg7[%swap3A_299] {strides = array<i32>} : memref<4864xf32, #tpu.memory_space<vmem>>, vector<16xf32>,
    tpu.vector_store %arg7[%swap3A_299], %broadcast_in_dim3A_3 {strides = array<i32>} : memref<4864xf32, #tpu.memory_space<vmem>>, vector<16xf32>,
    %swap3A_301 = arith.constant 2384 : index
    %swap3A_302 = tpu.vector_load %arg7[%swap3A_301] {strides = array<i32>} : memref<4864xf32, #tpu.memory_space<vmem>>, vector<16xf32>,
    tpu.vector_store %arg7[%swap3A_301], %broadcast_in_dim3A_3 {strides = array<i32>} : memref<4864xf32, #tpu.memory_space<vmem>>, vector<16xf32>,
    %swap3A_303 = arith.constant 2400 : index
    %swap3A_304 = tpu.vector_load %arg7[%swap3A_303] {strides = array<i32>} : memref<4864xf32, #tpu.memory_space<vmem>>, vector<16xf32>,
    tpu.vector_store %arg7[%swap3A_303], %broadcast_in_dim3A_3 {strides = array<i32>} : memref<4864xf32, #tpu.memory_space<vmem>>, vector<16xf32>,
    %swap3A_305 = arith.constant 2416 : index
    %swap3A_306 = tpu.vector_load %arg7[%swap3A_305] {strides = array<i32>} : memref<4864xf32, #tpu.memory_space<vmem>>, vector<16xf32>,
    tpu.vector_store %arg7[%swap3A_305], %broadcast_in_dim3A_3 {strides = array<i32>} : memref<4864xf32, #tpu.memory_space<vmem>>, vector<16xf32>,
    %swap3A_307 = arith.constant 2432 : index
    %swap3A_308 = tpu.vector_load %arg7[%swap3A_307] {strides = array<i32>} : memref<4864xf32, #tpu.memory_space<vmem>>, vector<16xf32>,
    tpu.vector_store %arg7[%swap3A_307], %broadcast_in_dim3A_3 {strides = array<i32>} : memref<4864xf32, #tpu.memory_space<vmem>>, vector<16xf32>,
    %swap3A_309 = arith.constant 2448 : index
    %swap3A_310 = tpu.vector_load %arg7[%swap3A_309] {strides = array<i32>} : memref<4864xf32, #tpu.memory_space<vmem>>, vector<16xf32>,
    tpu.vector_store %arg7[%swap3A_309], %broadcast_in_dim3A_3 {strides = array<i32>} : memref<4864xf32, #tpu.memory_space<vmem>>, vector<16xf32>,
    %swap3A_311 = arith.constant 2464 : index
    %swap3A_312 = tpu.vector_load %arg7[%swap3A_311] {strides = array<i32>} : memref<4864xf32, #tpu.memory_space<vmem>>, vector<16xf32>,
    tpu.vector_store %arg7[%swap3A_311], %broadcast_in_dim3A_3 {strides = array<i32>} : memref<4864xf32, #tpu.memory_space<vmem>>, vector<16xf32>,
    %swap3A_313 = arith.constant 2480 : index
    %swap3A_314 = tpu.vector_load %arg7[%swap3A_313] {strides = array<i32>} : memref<4864xf32, #tpu.memory_space<vmem>>, vector<16xf32>,
    tpu.vector_store %arg7[%swap3A_313], %broadcast_in_dim3A_3 {strides = array<i32>} : memref<4864xf32, #tpu.memory_space<vmem>>, vector<16xf32>,
    %swap3A_315 = arith.constant 2496 : index
    %swap3A_316 = tpu.vector_load %arg7[%swap3A_315] {strides = array<i32>} : memref<4864xf32, #tpu.memory_space<vmem>>, vector<16xf32>,
    tpu.vector_store %arg7[%swap3A_315], %broadcast_in_dim3A_3 {strides = array<i32>} : memref<4864xf32, #tpu.memory_space<vmem>>, vector<16xf32>,
    %swap3A_317 = arith.constant 2512 : index
    %swap3A_318 = tpu.vector_load %arg7[%swap3A_317] {strides = array<i32>} : memref<4864xf32, #tpu.memory_space<vmem>>, vector<16xf32>,
    tpu.vector_store %arg7[%swap3A_317], %broadcast_in_dim3A_3 {strides = array<i32>} : memref<4864xf32, #tpu.memory_space<vmem>>, vector<16xf32>,
    %swap3A_319 = arith.constant 2528 : index
    %swap3A_320 = tpu.vector_load %arg7[%swap3A_319] {strides = array<i32>} : memref<4864xf32, #tpu.memory_space<vmem>>, vector<16xf32>,
    tpu.vector_store %arg7[%swap3A_319], %broadcast_in_dim3A_3 {strides = array<i32>} : memref<4864xf32, #tpu.memory_space<vmem>>, vector<16xf32>,
    %swap3A_321 = arith.constant 2544 : index
    %swap3A_322 = tpu.vector_load %arg7[%swap3A_321] {strides = array<i32>} : memref<4864xf32, #tpu.memory_space<vmem>>, vector<16xf32>,
    tpu.vector_store %arg7[%swap3A_321], %broadcast_in_dim3A_3 {strides = array<i32>} : memref<4864xf32, #tpu.memory_space<vmem>>, vector<16xf32>,
    %swap3A_323 = arith.constant 2560 : index
    %swap3A_324 = tpu.vector_load %arg7[%swap3A_323] {strides = array<i32>} : memref<4864xf32, #tpu.memory_space<vmem>>, vector<16xf32>,
    tpu.vector_store %arg7[%swap3A_323], %broadcast_in_dim3A_3 {strides = array<i32>} : memref<4864xf32, #tpu.memory_space<vmem>>, vector<16xf32>,
    %swap3A_325 = arith.constant 2576 : index
    %swap3A_326 = tpu.vector_load %arg7[%swap3A_325] {strides = array<i32>} : memref<4864xf32, #tpu.memory_space<vmem>>, vector<16xf32>,
    tpu.vector_store %arg7[%swap3A_325], %broadcast_in_dim3A_3 {strides = array<i32>} : memref<4864xf32, #tpu.memory_space<vmem>>, vector<16xf32>,
    %swap3A_327 = arith.constant 2592 : index
    %swap3A_328 = tpu.vector_load %arg7[%swap3A_327] {strides = array<i32>} : memref<4864xf32, #tpu.memory_space<vmem>>, vector<16xf32>,
    tpu.vector_store %arg7[%swap3A_327], %broadcast_in_dim3A_3 {strides = array<i32>} : memref<4864xf32, #tpu.memory_space<vmem>>, vector<16xf32>,
    %swap3A_329 = arith.constant 2608 : index
    %swap3A_330 = tpu.vector_load %arg7[%swap3A_329] {strides = array<i32>} : memref<4864xf32, #tpu.memory_space<vmem>>, vector<16xf32>,
    tpu.vector_store %arg7[%swap3A_329], %broadcast_in_dim3A_3 {strides = array<i32>} : memref<4864xf32, #tpu.memory_space<vmem>>, vector<16xf32>,
    %swap3A_331 = arith.constant 2624 : index
    %swap3A_332 = tpu.vector_load %arg7[%swap3A_331] {strides = array<i32>} : memref<4864xf32, #tpu.memory_space<vmem>>, vector<16xf32>,
    tpu.vector_store %arg7[%swap3A_331], %broadcast_in_dim3A_3 {strides = array<i32>} : memref<4864xf32, #tpu.memory_space<vmem>>, vector<16xf32>,
    %swap3A_333 = arith.constant 2640 : index
    %swap3A_334 = tpu.vector_load %arg7[%swap3A_333] {strides = array<i32>} : memref<4864xf32, #tpu.memory_space<vmem>>, vector<16xf32>,
    tpu.vector_store %arg7[%swap3A_333], %broadcast_in_dim3A_3 {strides = array<i32>} : memref<4864xf32, #tpu.memory_space<vmem>>, vector<16xf32>,
    %swap3A_335 = arith.constant 2656 : index
    %swap3A_336 = tpu.vector_load %arg7[%swap3A_335] {strides = array<i32>} : memref<4864xf32, #tpu.memory_space<vmem>>, vector<16xf32>,
    tpu.vector_store %arg7[%swap3A_335], %broadcast_in_dim3A_3 {strides = array<i32>} : memref<4864xf32, #tpu.memory_space<vmem>>, vector<16xf32>,
    %swap3A_337 = arith.constant 2672 : index
    %swap3A_338 = tpu.vector_load %arg7[%swap3A_337] {strides = array<i32>} : memref<4864xf32, #tpu.memory_space<vmem>>, vector<16xf32>,
    tpu.vector_store %arg7[%swap3A_337], %broadcast_in_dim3A_3 {strides = array<i32>} : memref<4864xf32, #tpu.memory_space<vmem>>, vector<16xf32>,
    %swap3A_339 = arith.constant 2688 : index
    %swap3A_340 = tpu.vector_load %arg7[%swap3A_339] {strides = array<i32>} : memref<4864xf32, #tpu.memory_space<vmem>>, vector<16xf32>,
    tpu.vector_store %arg7[%swap3A_339], %broadcast_in_dim3A_3 {strides = array<i32>} : memref<4864xf32, #tpu.memory_space<vmem>>, vector<16xf32>,
    %swap3A_341 = arith.constant 2704 : index
    %swap3A_342 = tpu.vector_load %arg7[%swap3A_341] {strides = array<i32>} : memref<4864xf32, #tpu.memory_space<vmem>>, vector<16xf32>,
    tpu.vector_store %arg7[%swap3A_341], %broadcast_in_dim3A_3 {strides = array<i32>} : memref<4864xf32, #tpu.memory_space<vmem>>, vector<16xf32>,
    %swap3A_343 = arith.constant 2720 : index
    %swap3A_344 = tpu.vector_load %arg7[%swap3A_343] {strides = array<i32>} : memref<4864xf32, #tpu.memory_space<vmem>>, vector<16xf32>,
    tpu.vector_store %arg7[%swap3A_343], %broadcast_in_dim3A_3 {strides = array<i32>} : memref<4864xf32, #tpu.memory_space<vmem>>, vector<16xf32>,
    %swap3A_345 = arith.constant 2736 : index
    %swap3A_346 = tpu.vector_load %arg7[%swap3A_345] {strides = array<i32>} : memref<4864xf32, #tpu.memory_space<vmem>>, vector<16xf32>,
    tpu.vector_store %arg7[%swap3A_345], %broadcast_in_dim3A_3 {strides = array<i32>} : memref<4864xf32, #tpu.memory_space<vmem>>, vector<16xf32>,
    %swap3A_347 = arith.constant 2752 : index
    %swap3A_348 = tpu.vector_load %arg7[%swap3A_347] {strides = array<i32>} : memref<4864xf32, #tpu.memory_space<vmem>>, vector<16xf32>,
    tpu.vector_store %arg7[%swap3A_347], %broadcast_in_dim3A_3 {strides = array<i32>} : memref<4864xf32, #tpu.memory_space<vmem>>, vector<16xf32>,
    %swap3A_349 = arith.constant 2768 : index
    %swap3A_350 = tpu.vector_load %arg7[%swap3A_349] {strides = array<i32>} : memref<4864xf32, #tpu.memory_space<vmem>>, vector<16xf32>,
    tpu.vector_store %arg7[%swap3A_349], %broadcast_in_dim3A_3 {strides = array<i32>} : memref<4864xf32, #tpu.memory_space<vmem>>, vector<16xf32>,
    %swap3A_351 = arith.constant 2784 : index
    %swap3A_352 = tpu.vector_load %arg7[%swap3A_351] {strides = array<i32>} : memref<4864xf32, #tpu.memory_space<vmem>>, vector<16xf32>,
    tpu.vector_store %arg7[%swap3A_351], %broadcast_in_dim3A_3 {strides = array<i32>} : memref<4864xf32, #tpu.memory_space<vmem>>, vector<16xf32>,
    %swap3A_353 = arith.constant 2800 : index
    %swap3A_354 = tpu.vector_load %arg7[%swap3A_353] {strides = array<i32>} : memref<4864xf32, #tpu.memory_space<vmem>>, vector<16xf32>,
    tpu.vector_store %arg7[%swap3A_353], %broadcast_in_dim3A_3 {strides = array<i32>} : memref<4864xf32, #tpu.memory_space<vmem>>, vector<16xf32>,
    %swap3A_355 = arith.constant 2816 : index
    %swap3A_356 = tpu.vector_load %arg7[%swap3A_355] {strides = array<i32>} : memref<4864xf32, #tpu.memory_space<vmem>>, vector<16xf32>,
    tpu.vector_store %arg7[%swap3A_355], %broadcast_in_dim3A_3 {strides = array<i32>} : memref<4864xf32, #tpu.memory_space<vmem>>, vector<16xf32>,
    %swap3A_357 = arith.constant 2832 : index
    %swap3A_358 = tpu.vector_load %arg7[%swap3A_357] {strides = array<i32>} : memref<4864xf32, #tpu.memory_space<vmem>>, vector<16xf32>,
    tpu.vector_store %arg7[%swap3A_357], %broadcast_in_dim3A_3 {strides = array<i32>} : memref<4864xf32, #tpu.memory_space<vmem>>, vector<16xf32>,
    %swap3A_359 = arith.constant 2848 : index
    %swap3A_360 = tpu.vector_load %arg7[%swap3A_359] {strides = array<i32>} : memref<4864xf32, #tpu.memory_space<vmem>>, vector<16xf32>,
    tpu.vector_store %arg7[%swap3A_359], %broadcast_in_dim3A_3 {strides = array<i32>} : memref<4864xf32, #tpu.memory_space<vmem>>, vector<16xf32>,
    %swap3A_361 = arith.constant 2864 : index
    %swap3A_362 = tpu.vector_load %arg7[%swap3A_361] {strides = array<i32>} : memref<4864xf32, #tpu.memory_space<vmem>>, vector<16xf32>,
    tpu.vector_store %arg7[%swap3A_361], %broadcast_in_dim3A_3 {strides = array<i32>} : memref<4864xf32, #tpu.memory_space<vmem>>, vector<16xf32>,
    %swap3A_363 = arith.constant 2880 : index
    %swap3A_364 = tpu.vector_load %arg7[%swap3A_363] {strides = array<i32>} : memref<4864xf32, #tpu.memory_space<vmem>>, vector<16xf32>,
    tpu.vector_store %arg7[%swap3A_363], %broadcast_in_dim3A_3 {strides = array<i32>} : memref<4864xf32, #tpu.memory_space<vmem>>, vector<16xf32>,
    %swap3A_365 = arith.constant 2896 : index
    %swap3A_366 = tpu.vector_load %arg7[%swap3A_365] {strides = array<i32>} : memref<4864xf32, #tpu.memory_space<vmem>>, vector<16xf32>,
    tpu.vector_store %arg7[%swap3A_365], %broadcast_in_dim3A_3 {strides = array<i32>} : memref<4864xf32, #tpu.memory_space<vmem>>, vector<16xf32>,
    %swap3A_367 = arith.constant 2912 : index
    %swap3A_368 = tpu.vector_load %arg7[%swap3A_367] {strides = array<i32>} : memref<4864xf32, #tpu.memory_space<vmem>>, vector<16xf32>,
    tpu.vector_store %arg7[%swap3A_367], %broadcast_in_dim3A_3 {strides = array<i32>} : memref<4864xf32, #tpu.memory_space<vmem>>, vector<16xf32>,
    %swap3A_369 = arith.constant 2928 : index
    %swap3A_370 = tpu.vector_load %arg7[%swap3A_369] {strides = array<i32>} : memref<4864xf32, #tpu.memory_space<vmem>>, vector<16xf32>,
    tpu.vector_store %arg7[%swap3A_369], %broadcast_in_dim3A_3 {strides = array<i32>} : memref<4864xf32, #tpu.memory_space<vmem>>, vector<16xf32>,
    %swap3A_371 = arith.constant 2944 : index
    %swap3A_372 = tpu.vector_load %arg7[%swap3A_371] {strides = array<i32>} : memref<4864xf32, #tpu.memory_space<vmem>>, vector<16xf32>,
    tpu.vector_store %arg7[%swap3A_371], %broadcast_in_dim3A_3 {strides = array<i32>} : memref<4864xf32, #tpu.memory_space<vmem>>, vector<16xf32>,
    %swap3A_373 = arith.constant 2960 : index
    %swap3A_374 = tpu.vector_load %arg7[%swap3A_373] {strides = array<i32>} : memref<4864xf32, #tpu.memory_space<vmem>>, vector<16xf32>,
    tpu.vector_store %arg7[%swap3A_373], %broadcast_in_dim3A_3 {strides = array<i32>} : memref<4864xf32, #tpu.memory_space<vmem>>, vector<16xf32>,
    %swap3A_375 = arith.constant 2976 : index
    %swap3A_376 = tpu.vector_load %arg7[%swap3A_375] {strides = array<i32>} : memref<4864xf32, #tpu.memory_space<vmem>>, vector<16xf32>,
    tpu.vector_store %arg7[%swap3A_375], %broadcast_in_dim3A_3 {strides = array<i32>} : memref<4864xf32, #tpu.memory_space<vmem>>, vector<16xf32>,
    %swap3A_377 = arith.constant 2992 : index
    %swap3A_378 = tpu.vector_load %arg7[%swap3A_377] {strides = array<i32>} : memref<4864xf32, #tpu.memory_space<vmem>>, vector<16xf32>,
    tpu.vector_store %arg7[%swap3A_377], %broadcast_in_dim3A_3 {strides = array<i32>} : memref<4864xf32, #tpu.memory_space<vmem>>, vector<16xf32>,
    %swap3A_379 = arith.constant 3008 : index
    %swap3A_380 = tpu.vector_load %arg7[%swap3A_379] {strides = array<i32>} : memref<4864xf32, #tpu.memory_space<vmem>>, vector<16xf32>,
    tpu.vector_store %arg7[%swap3A_379], %broadcast_in_dim3A_3 {strides = array<i32>} : memref<4864xf32, #tpu.memory_space<vmem>>, vector<16xf32>,
    %swap3A_381 = arith.constant 3024 : index
    %swap3A_382 = tpu.vector_load %arg7[%swap3A_381] {strides = array<i32>} : memref<4864xf32, #tpu.memory_space<vmem>>, vector<16xf32>,
    tpu.vector_store %arg7[%swap3A_381], %broadcast_in_dim3A_3 {strides = array<i32>} : memref<4864xf32, #tpu.memory_space<vmem>>, vector<16xf32>,
    %swap3A_383 = arith.constant 3040 : index
    %swap3A_384 = tpu.vector_load %arg7[%swap3A_383] {strides = array<i32>} : memref<4864xf32, #tpu.memory_space<vmem>>, vector<16xf32>,
    tpu.vector_store %arg7[%swap3A_383], %broadcast_in_dim3A_3 {strides = array<i32>} : memref<4864xf32, #tpu.memory_space<vmem>>, vector<16xf32>,
    %swap3A_385 = arith.constant 3056 : index
    %swap3A_386 = tpu.vector_load %arg7[%swap3A_385] {strides = array<i32>} : memref<4864xf32, #tpu.memory_space<vmem>>, vector<16xf32>,
    tpu.vector_store %arg7[%swap3A_385], %broadcast_in_dim3A_3 {strides = array<i32>} : memref<4864xf32, #tpu.memory_space<vmem>>, vector<16xf32>,
    %swap3A_387 = arith.constant 3072 : index
    %swap3A_388 = tpu.vector_load %arg7[%swap3A_387] {strides = array<i32>} : memref<4864xf32, #tpu.memory_space<vmem>>, vector<16xf32>,
    tpu.vector_store %arg7[%swap3A_387], %broadcast_in_dim3A_3 {strides = array<i32>} : memref<4864xf32, #tpu.memory_space<vmem>>, vector<16xf32>,
    %swap3A_389 = arith.constant 3088 : index
    %swap3A_390 = tpu.vector_load %arg7[%swap3A_389] {strides = array<i32>} : memref<4864xf32, #tpu.memory_space<vmem>>, vector<16xf32>,
    tpu.vector_store %arg7[%swap3A_389], %broadcast_in_dim3A_3 {strides = array<i32>} : memref<4864xf32, #tpu.memory_space<vmem>>, vector<16xf32>,
    %swap3A_391 = arith.constant 3104 : index
    %swap3A_392 = tpu.vector_load %arg7[%swap3A_391] {strides = array<i32>} : memref<4864xf32, #tpu.memory_space<vmem>>, vector<16xf32>,
    tpu.vector_store %arg7[%swap3A_391], %broadcast_in_dim3A_3 {strides = array<i32>} : memref<4864xf32, #tpu.memory_space<vmem>>, vector<16xf32>,
    %swap3A_393 = arith.constant 3120 : index
    %swap3A_394 = tpu.vector_load %arg7[%swap3A_393] {strides = array<i32>} : memref<4864xf32, #tpu.memory_space<vmem>>, vector<16xf32>,
    tpu.vector_store %arg7[%swap3A_393], %broadcast_in_dim3A_3 {strides = array<i32>} : memref<4864xf32, #tpu.memory_space<vmem>>, vector<16xf32>,
    %swap3A_395 = arith.constant 3136 : index
    %swap3A_396 = tpu.vector_load %arg7[%swap3A_395] {strides = array<i32>} : memref<4864xf32, #tpu.memory_space<vmem>>, vector<16xf32>,
    tpu.vector_store %arg7[%swap3A_395], %broadcast_in_dim3A_3 {strides = array<i32>} : memref<4864xf32, #tpu.memory_space<vmem>>, vector<16xf32>,
    %swap3A_397 = arith.constant 3152 : index
    %swap3A_398 = tpu.vector_load %arg7[%swap3A_397] {strides = array<i32>} : memref<4864xf32, #tpu.memory_space<vmem>>, vector<16xf32>,
    tpu.vector_store %arg7[%swap3A_397], %broadcast_in_dim3A_3 {strides = array<i32>} : memref<4864xf32, #tpu.memory_space<vmem>>, vector<16xf32>,
    %swap3A_399 = arith.constant 3168 : index
    %swap3A_400 = tpu.vector_load %arg7[%swap3A_399] {strides = array<i32>} : memref<4864xf32, #tpu.memory_space<vmem>>, vector<16xf32>,
    tpu.vector_store %arg7[%swap3A_399], %broadcast_in_dim3A_3 {strides = array<i32>} : memref<4864xf32, #tpu.memory_space<vmem>>, vector<16xf32>,
    %swap3A_401 = arith.constant 3184 : index
    %swap3A_402 = tpu.vector_load %arg7[%swap3A_401] {strides = array<i32>} : memref<4864xf32, #tpu.memory_space<vmem>>, vector<16xf32>,
    tpu.vector_store %arg7[%swap3A_401], %broadcast_in_dim3A_3 {strides = array<i32>} : memref<4864xf32, #tpu.memory_space<vmem>>, vector<16xf32>,
    %swap3A_403 = arith.constant 3200 : index
    %swap3A_404 = tpu.vector_load %arg7[%swap3A_403] {strides = array<i32>} : memref<4864xf32, #tpu.memory_space<vmem>>, vector<16xf32>,
    tpu.vector_store %arg7[%swap3A_403], %broadcast_in_dim3A_3 {strides = array<i32>} : memref<4864xf32, #tpu.memory_space<vmem>>, vector<16xf32>,
    %swap3A_405 = arith.constant 3216 : index
    %swap3A_406 = tpu.vector_load %arg7[%swap3A_405] {strides = array<i32>} : memref<4864xf32, #tpu.memory_space<vmem>>, vector<16xf32>,
    tpu.vector_store %arg7[%swap3A_405], %broadcast_in_dim3A_3 {strides = array<i32>} : memref<4864xf32, #tpu.memory_space<vmem>>, vector<16xf32>,
    %swap3A_407 = arith.constant 3232 : index
    %swap3A_408 = tpu.vector_load %arg7[%swap3A_407] {strides = array<i32>} : memref<4864xf32, #tpu.memory_space<vmem>>, vector<16xf32>,
    tpu.vector_store %arg7[%swap3A_407], %broadcast_in_dim3A_3 {strides = array<i32>} : memref<4864xf32, #tpu.memory_space<vmem>>, vector<16xf32>,
    %swap3A_409 = arith.constant 3248 : index
    %swap3A_410 = tpu.vector_load %arg7[%swap3A_409] {strides = array<i32>} : memref<4864xf32, #tpu.memory_space<vmem>>, vector<16xf32>,
    tpu.vector_store %arg7[%swap3A_409], %broadcast_in_dim3A_3 {strides = array<i32>} : memref<4864xf32, #tpu.memory_space<vmem>>, vector<16xf32>,
    %swap3A_411 = arith.constant 3264 : index
    %swap3A_412 = tpu.vector_load %arg7[%swap3A_411] {strides = array<i32>} : memref<4864xf32, #tpu.memory_space<vmem>>, vector<16xf32>,
    tpu.vector_store %arg7[%swap3A_411], %broadcast_in_dim3A_3 {strides = array<i32>} : memref<4864xf32, #tpu.memory_space<vmem>>, vector<16xf32>,
    %swap3A_413 = arith.constant 3280 : index
    %swap3A_414 = tpu.vector_load %arg7[%swap3A_413] {strides = array<i32>} : memref<4864xf32, #tpu.memory_space<vmem>>, vector<16xf32>,
    tpu.vector_store %arg7[%swap3A_413], %broadcast_in_dim3A_3 {strides = array<i32>} : memref<4864xf32, #tpu.memory_space<vmem>>, vector<16xf32>,
    %swap3A_415 = arith.constant 3296 : index
    %swap3A_416 = tpu.vector_load %arg7[%swap3A_415] {strides = array<i32>} : memref<4864xf32, #tpu.memory_space<vmem>>, vector<16xf32>,
    tpu.vector_store %arg7[%swap3A_415], %broadcast_in_dim3A_3 {strides = array<i32>} : memref<4864xf32, #tpu.memory_space<vmem>>, vector<16xf32>,
    %swap3A_417 = arith.constant 3312 : index
    %swap3A_418 = tpu.vector_load %arg7[%swap3A_417] {strides = array<i32>} : memref<4864xf32, #tpu.memory_space<vmem>>, vector<16xf32>,
    tpu.vector_store %arg7[%swap3A_417], %broadcast_in_dim3A_3 {strides = array<i32>} : memref<4864xf32, #tpu.memory_space<vmem>>, vector<16xf32>,
    %swap3A_419 = arith.constant 3328 : index
    %swap3A_420 = tpu.vector_load %arg7[%swap3A_419] {strides = array<i32>} : memref<4864xf32, #tpu.memory_space<vmem>>, vector<16xf32>,
    tpu.vector_store %arg7[%swap3A_419], %broadcast_in_dim3A_3 {strides = array<i32>} : memref<4864xf32, #tpu.memory_space<vmem>>, vector<16xf32>,
    %swap3A_421 = arith.constant 3344 : index
    %swap3A_422 = tpu.vector_load %arg7[%swap3A_421] {strides = array<i32>} : memref<4864xf32, #tpu.memory_space<vmem>>, vector<16xf32>,
    tpu.vector_store %arg7[%swap3A_421], %broadcast_in_dim3A_3 {strides = array<i32>} : memref<4864xf32, #tpu.memory_space<vmem>>, vector<16xf32>,
    %swap3A_423 = arith.constant 3360 : index
    %swap3A_424 = tpu.vector_load %arg7[%swap3A_423] {strides = array<i32>} : memref<4864xf32, #tpu.memory_space<vmem>>, vector<16xf32>,
    tpu.vector_store %arg7[%swap3A_423], %broadcast_in_dim3A_3 {strides = array<i32>} : memref<4864xf32, #tpu.memory_space<vmem>>, vector<16xf32>,
    %swap3A_425 = arith.constant 3376 : index
    %swap3A_426 = tpu.vector_load %arg7[%swap3A_425] {strides = array<i32>} : memref<4864xf32, #tpu.memory_space<vmem>>, vector<16xf32>,
    tpu.vector_store %arg7[%swap3A_425], %broadcast_in_dim3A_3 {strides = array<i32>} : memref<4864xf32, #tpu.memory_space<vmem>>, vector<16xf32>,
    %swap3A_427 = arith.constant 3392 : index
    %swap3A_428 = tpu.vector_load %arg7[%swap3A_427] {strides = array<i32>} : memref<4864xf32, #tpu.memory_space<vmem>>, vector<16xf32>,
    tpu.vector_store %arg7[%swap3A_427], %broadcast_in_dim3A_3 {strides = array<i32>} : memref<4864xf32, #tpu.memory_space<vmem>>, vector<16xf32>,
    %swap3A_429 = arith.constant 3408 : index
    %swap3A_430 = tpu.vector_load %arg7[%swap3A_429] {strides = array<i32>} : memref<4864xf32, #tpu.memory_space<vmem>>, vector<16xf32>,
    tpu.vector_store %arg7[%swap3A_429], %broadcast_in_dim3A_3 {strides = array<i32>} : memref<4864xf32, #tpu.memory_space<vmem>>, vector<16xf32>,
    %swap3A_431 = arith.constant 3424 : index
    %swap3A_432 = tpu.vector_load %arg7[%swap3A_431] {strides = array<i32>} : memref<4864xf32, #tpu.memory_space<vmem>>, vector<16xf32>,
    tpu.vector_store %arg7[%swap3A_431], %broadcast_in_dim3A_3 {strides = array<i32>} : memref<4864xf32, #tpu.memory_space<vmem>>, vector<16xf32>,
    %swap3A_433 = arith.constant 3440 : index
    %swap3A_434 = tpu.vector_load %arg7[%swap3A_433] {strides = array<i32>} : memref<4864xf32, #tpu.memory_space<vmem>>, vector<16xf32>,
    tpu.vector_store %arg7[%swap3A_433], %broadcast_in_dim3A_3 {strides = array<i32>} : memref<4864xf32, #tpu.memory_space<vmem>>, vector<16xf32>,
    %swap3A_435 = arith.constant 3456 : index
    %swap3A_436 = tpu.vector_load %arg7[%swap3A_435] {strides = array<i32>} : memref<4864xf32, #tpu.memory_space<vmem>>, vector<16xf32>,
    tpu.vector_store %arg7[%swap3A_435], %broadcast_in_dim3A_3 {strides = array<i32>} : memref<4864xf32, #tpu.memory_space<vmem>>, vector<16xf32>,
    %swap3A_437 = arith.constant 3472 : index
    %swap3A_438 = tpu.vector_load %arg7[%swap3A_437] {strides = array<i32>} : memref<4864xf32, #tpu.memory_space<vmem>>, vector<16xf32>,
    tpu.vector_store %arg7[%swap3A_437], %broadcast_in_dim3A_3 {strides = array<i32>} : memref<4864xf32, #tpu.memory_space<vmem>>, vector<16xf32>,
    %swap3A_439 = arith.constant 3488 : index
    %swap3A_440 = tpu.vector_load %arg7[%swap3A_439] {strides = array<i32>} : memref<4864xf32, #tpu.memory_space<vmem>>, vector<16xf32>,
    tpu.vector_store %arg7[%swap3A_439], %broadcast_in_dim3A_3 {strides = array<i32>} : memref<4864xf32, #tpu.memory_space<vmem>>, vector<16xf32>,
    %swap3A_441 = arith.constant 3504 : index
    %swap3A_442 = tpu.vector_load %arg7[%swap3A_441] {strides = array<i32>} : memref<4864xf32, #tpu.memory_space<vmem>>, vector<16xf32>,
    tpu.vector_store %arg7[%swap3A_441], %broadcast_in_dim3A_3 {strides = array<i32>} : memref<4864xf32, #tpu.memory_space<vmem>>, vector<16xf32>,
    %swap3A_443 = arith.constant 3520 : index
    %swap3A_444 = tpu.vector_load %arg7[%swap3A_443] {strides = array<i32>} : memref<4864xf32, #tpu.memory_space<vmem>>, vector<16xf32>,
    tpu.vector_store %arg7[%swap3A_443], %broadcast_in_dim3A_3 {strides = array<i32>} : memref<4864xf32, #tpu.memory_space<vmem>>, vector<16xf32>,
    %swap3A_445 = arith.constant 3536 : index
    %swap3A_446 = tpu.vector_load %arg7[%swap3A_445] {strides = array<i32>} : memref<4864xf32, #tpu.memory_space<vmem>>, vector<16xf32>,
    tpu.vector_store %arg7[%swap3A_445], %broadcast_in_dim3A_3 {strides = array<i32>} : memref<4864xf32, #tpu.memory_space<vmem>>, vector<16xf32>,
    %swap3A_447 = arith.constant 3552 : index
    %swap3A_448 = tpu.vector_load %arg7[%swap3A_447] {strides = array<i32>} : memref<4864xf32, #tpu.memory_space<vmem>>, vector<16xf32>,
    tpu.vector_store %arg7[%swap3A_447], %broadcast_in_dim3A_3 {strides = array<i32>} : memref<4864xf32, #tpu.memory_space<vmem>>, vector<16xf32>,
    %swap3A_449 = arith.constant 3568 : index
    %swap3A_450 = tpu.vector_load %arg7[%swap3A_449] {strides = array<i32>} : memref<4864xf32, #tpu.memory_space<vmem>>, vector<16xf32>,
    tpu.vector_store %arg7[%swap3A_449], %broadcast_in_dim3A_3 {strides = array<i32>} : memref<4864xf32, #tpu.memory_space<vmem>>, vector<16xf32>,
    %swap3A_451 = arith.constant 3584 : index
    %swap3A_452 = tpu.vector_load %arg7[%swap3A_451] {strides = array<i32>} : memref<4864xf32, #tpu.memory_space<vmem>>, vector<16xf32>,
    tpu.vector_store %arg7[%swap3A_451], %broadcast_in_dim3A_3 {strides = array<i32>} : memref<4864xf32, #tpu.memory_space<vmem>>, vector<16xf32>,
    %swap3A_453 = arith.constant 3600 : index
    %swap3A_454 = tpu.vector_load %arg7[%swap3A_453] {strides = array<i32>} : memref<4864xf32, #tpu.memory_space<vmem>>, vector<16xf32>,
    tpu.vector_store %arg7[%swap3A_453], %broadcast_in_dim3A_3 {strides = array<i32>} : memref<4864xf32, #tpu.memory_space<vmem>>, vector<16xf32>,
    %swap3A_455 = arith.constant 3616 : index
    %swap3A_456 = tpu.vector_load %arg7[%swap3A_455] {strides = array<i32>} : memref<4864xf32, #tpu.memory_space<vmem>>, vector<16xf32>,
    tpu.vector_store %arg7[%swap3A_455], %broadcast_in_dim3A_3 {strides = array<i32>} : memref<4864xf32, #tpu.memory_space<vmem>>, vector<16xf32>,
    %swap3A_457 = arith.constant 3632 : index
    %swap3A_458 = tpu.vector_load %arg7[%swap3A_457] {strides = array<i32>} : memref<4864xf32, #tpu.memory_space<vmem>>, vector<16xf32>,
    tpu.vector_store %arg7[%swap3A_457], %broadcast_in_dim3A_3 {strides = array<i32>} : memref<4864xf32, #tpu.memory_space<vmem>>, vector<16xf32>,
    %swap3A_459 = arith.constant 3648 : index
    %swap3A_460 = tpu.vector_load %arg7[%swap3A_459] {strides = array<i32>} : memref<4864xf32, #tpu.memory_space<vmem>>, vector<16xf32>,
    tpu.vector_store %arg7[%swap3A_459], %broadcast_in_dim3A_3 {strides = array<i32>} : memref<4864xf32, #tpu.memory_space<vmem>>, vector<16xf32>,
    %swap3A_461 = arith.constant 3664 : index
    %swap3A_462 = tpu.vector_load %arg7[%swap3A_461] {strides = array<i32>} : memref<4864xf32, #tpu.memory_space<vmem>>, vector<16xf32>,
    tpu.vector_store %arg7[%swap3A_461], %broadcast_in_dim3A_3 {strides = array<i32>} : memref<4864xf32, #tpu.memory_space<vmem>>, vector<16xf32>,
    %swap3A_463 = arith.constant 3680 : index
    %swap3A_464 = tpu.vector_load %arg7[%swap3A_463] {strides = array<i32>} : memref<4864xf32, #tpu.memory_space<vmem>>, vector<16xf32>,
    tpu.vector_store %arg7[%swap3A_463], %broadcast_in_dim3A_3 {strides = array<i32>} : memref<4864xf32, #tpu.memory_space<vmem>>, vector<16xf32>,
    %swap3A_465 = arith.constant 3696 : index
    %swap3A_466 = tpu.vector_load %arg7[%swap3A_465] {strides = array<i32>} : memref<4864xf32, #tpu.memory_space<vmem>>, vector<16xf32>,
    tpu.vector_store %arg7[%swap3A_465], %broadcast_in_dim3A_3 {strides = array<i32>} : memref<4864xf32, #tpu.memory_space<vmem>>, vector<16xf32>,
    %swap3A_467 = arith.constant 3712 : index
    %swap3A_468 = tpu.vector_load %arg7[%swap3A_467] {strides = array<i32>} : memref<4864xf32, #tpu.memory_space<vmem>>, vector<16xf32>,
    tpu.vector_store %arg7[%swap3A_467], %broadcast_in_dim3A_3 {strides = array<i32>} : memref<4864xf32, #tpu.memory_space<vmem>>, vector<16xf32>,
    %swap3A_469 = arith.constant 3728 : index
    %swap3A_470 = tpu.vector_load %arg7[%swap3A_469] {strides = array<i32>} : memref<4864xf32, #tpu.memory_space<vmem>>, vector<16xf32>,
    tpu.vector_store %arg7[%swap3A_469], %broadcast_in_dim3A_3 {strides = array<i32>} : memref<4864xf32, #tpu.memory_space<vmem>>, vector<16xf32>,
    %swap3A_471 = arith.constant 3744 : index
    %swap3A_472 = tpu.vector_load %arg7[%swap3A_471] {strides = array<i32>} : memref<4864xf32, #tpu.memory_space<vmem>>, vector<16xf32>,
    tpu.vector_store %arg7[%swap3A_471], %broadcast_in_dim3A_3 {strides = array<i32>} : memref<4864xf32, #tpu.memory_space<vmem>>, vector<16xf32>,
    %swap3A_473 = arith.constant 3760 : index
    %swap3A_474 = tpu.vector_load %arg7[%swap3A_473] {strides = array<i32>} : memref<4864xf32, #tpu.memory_space<vmem>>, vector<16xf32>,
    tpu.vector_store %arg7[%swap3A_473], %broadcast_in_dim3A_3 {strides = array<i32>} : memref<4864xf32, #tpu.memory_space<vmem>>, vector<16xf32>,
    %swap3A_475 = arith.constant 3776 : index
    %swap3A_476 = tpu.vector_load %arg7[%swap3A_475] {strides = array<i32>} : memref<4864xf32, #tpu.memory_space<vmem>>, vector<16xf32>,
    tpu.vector_store %arg7[%swap3A_475], %broadcast_in_dim3A_3 {strides = array<i32>} : memref<4864xf32, #tpu.memory_space<vmem>>, vector<16xf32>,
    %swap3A_477 = arith.constant 3792 : index
    %swap3A_478 = tpu.vector_load %arg7[%swap3A_477] {strides = array<i32>} : memref<4864xf32, #tpu.memory_space<vmem>>, vector<16xf32>,
    tpu.vector_store %arg7[%swap3A_477], %broadcast_in_dim3A_3 {strides = array<i32>} : memref<4864xf32, #tpu.memory_space<vmem>>, vector<16xf32>,
    %swap3A_479 = arith.constant 3808 : index
    %swap3A_480 = tpu.vector_load %arg7[%swap3A_479] {strides = array<i32>} : memref<4864xf32, #tpu.memory_space<vmem>>, vector<16xf32>,
    tpu.vector_store %arg7[%swap3A_479], %broadcast_in_dim3A_3 {strides = array<i32>} : memref<4864xf32, #tpu.memory_space<vmem>>, vector<16xf32>,
    %swap3A_481 = arith.constant 3824 : index
    %swap3A_482 = tpu.vector_load %arg7[%swap3A_481] {strides = array<i32>} : memref<4864xf32, #tpu.memory_space<vmem>>, vector<16xf32>,
    tpu.vector_store %arg7[%swap3A_481], %broadcast_in_dim3A_3 {strides = array<i32>} : memref<4864xf32, #tpu.memory_space<vmem>>, vector<16xf32>,
    %swap3A_483 = arith.constant 3840 : index
    %swap3A_484 = tpu.vector_load %arg7[%swap3A_483] {strides = array<i32>} : memref<4864xf32, #tpu.memory_space<vmem>>, vector<16xf32>,
    tpu.vector_store %arg7[%swap3A_483], %broadcast_in_dim3A_3 {strides = array<i32>} : memref<4864xf32, #tpu.memory_space<vmem>>, vector<16xf32>,
    %swap3A_485 = arith.constant 3856 : index
    %swap3A_486 = tpu.vector_load %arg7[%swap3A_485] {strides = array<i32>} : memref<4864xf32, #tpu.memory_space<vmem>>, vector<16xf32>,
    tpu.vector_store %arg7[%swap3A_485], %broadcast_in_dim3A_3 {strides = array<i32>} : memref<4864xf32, #tpu.memory_space<vmem>>, vector<16xf32>,
    %swap3A_487 = arith.constant 3872 : index
    %swap3A_488 = tpu.vector_load %arg7[%swap3A_487] {strides = array<i32>} : memref<4864xf32, #tpu.memory_space<vmem>>, vector<16xf32>,
    tpu.vector_store %arg7[%swap3A_487], %broadcast_in_dim3A_3 {strides = array<i32>} : memref<4864xf32, #tpu.memory_space<vmem>>, vector<16xf32>,
    %swap3A_489 = arith.constant 3888 : index
    %swap3A_490 = tpu.vector_load %arg7[%swap3A_489] {strides = array<i32>} : memref<4864xf32, #tpu.memory_space<vmem>>, vector<16xf32>,
    tpu.vector_store %arg7[%swap3A_489], %broadcast_in_dim3A_3 {strides = array<i32>} : memref<4864xf32, #tpu.memory_space<vmem>>, vector<16xf32>,
    %swap3A_491 = arith.constant 3904 : index
    %swap3A_492 = tpu.vector_load %arg7[%swap3A_491] {strides = array<i32>} : memref<4864xf32, #tpu.memory_space<vmem>>, vector<16xf32>,
    tpu.vector_store %arg7[%swap3A_491], %broadcast_in_dim3A_3 {strides = array<i32>} : memref<4864xf32, #tpu.memory_space<vmem>>, vector<16xf32>,
    %swap3A_493 = arith.constant 3920 : index
    %swap3A_494 = tpu.vector_load %arg7[%swap3A_493] {strides = array<i32>} : memref<4864xf32, #tpu.memory_space<vmem>>, vector<16xf32>,
    tpu.vector_store %arg7[%swap3A_493], %broadcast_in_dim3A_3 {strides = array<i32>} : memref<4864xf32, #tpu.memory_space<vmem>>, vector<16xf32>,
    %swap3A_495 = arith.constant 3936 : index
    %swap3A_496 = tpu.vector_load %arg7[%swap3A_495] {strides = array<i32>} : memref<4864xf32, #tpu.memory_space<vmem>>, vector<16xf32>,
    tpu.vector_store %arg7[%swap3A_495], %broadcast_in_dim3A_3 {strides = array<i32>} : memref<4864xf32, #tpu.memory_space<vmem>>, vector<16xf32>,
    %swap3A_497 = arith.constant 3952 : index
    %swap3A_498 = tpu.vector_load %arg7[%swap3A_497] {strides = array<i32>} : memref<4864xf32, #tpu.memory_space<vmem>>, vector<16xf32>,
    tpu.vector_store %arg7[%swap3A_497], %broadcast_in_dim3A_3 {strides = array<i32>} : memref<4864xf32, #tpu.memory_space<vmem>>, vector<16xf32>,
    %swap3A_499 = arith.constant 3968 : index
    %swap3A_500 = tpu.vector_load %arg7[%swap3A_499] {strides = array<i32>} : memref<4864xf32, #tpu.memory_space<vmem>>, vector<16xf32>,
    tpu.vector_store %arg7[%swap3A_499], %broadcast_in_dim3A_3 {strides = array<i32>} : memref<4864xf32, #tpu.memory_space<vmem>>, vector<16xf32>,
    %swap3A_501 = arith.constant 3984 : index
    %swap3A_502 = tpu.vector_load %arg7[%swap3A_501] {strides = array<i32>} : memref<4864xf32, #tpu.memory_space<vmem>>, vector<16xf32>,
    tpu.vector_store %arg7[%swap3A_501], %broadcast_in_dim3A_3 {strides = array<i32>} : memref<4864xf32, #tpu.memory_space<vmem>>, vector<16xf32>,
    %swap3A_503 = arith.constant 4000 : index
    %swap3A_504 = tpu.vector_load %arg7[%swap3A_503] {strides = array<i32>} : memref<4864xf32, #tpu.memory_space<vmem>>, vector<16xf32>,
    tpu.vector_store %arg7[%swap3A_503], %broadcast_in_dim3A_3 {strides = array<i32>} : memref<4864xf32, #tpu.memory_space<vmem>>, vector<16xf32>,
    %swap3A_505 = arith.constant 4016 : index
    %swap3A_506 = tpu.vector_load %arg7[%swap3A_505] {strides = array<i32>} : memref<4864xf32, #tpu.memory_space<vmem>>, vector<16xf32>,
    tpu.vector_store %arg7[%swap3A_505], %broadcast_in_dim3A_3 {strides = array<i32>} : memref<4864xf32, #tpu.memory_space<vmem>>, vector<16xf32>,
    %swap3A_507 = arith.constant 4032 : index
    %swap3A_508 = tpu.vector_load %arg7[%swap3A_507] {strides = array<i32>} : memref<4864xf32, #tpu.memory_space<vmem>>, vector<16xf32>,
    tpu.vector_store %arg7[%swap3A_507], %broadcast_in_dim3A_3 {strides = array<i32>} : memref<4864xf32, #tpu.memory_space<vmem>>, vector<16xf32>,
    %swap3A_509 = arith.constant 4048 : index
    %swap3A_510 = tpu.vector_load %arg7[%swap3A_509] {strides = array<i32>} : memref<4864xf32, #tpu.memory_space<vmem>>, vector<16xf32>,
    tpu.vector_store %arg7[%swap3A_509], %broadcast_in_dim3A_3 {strides = array<i32>} : memref<4864xf32, #tpu.memory_space<vmem>>, vector<16xf32>,
    %swap3A_511 = arith.constant 4064 : index
    %swap3A_512 = tpu.vector_load %arg7[%swap3A_511] {strides = array<i32>} : memref<4864xf32, #tpu.memory_space<vmem>>, vector<16xf32>,
    tpu.vector_store %arg7[%swap3A_511], %broadcast_in_dim3A_3 {strides = array<i32>} : memref<4864xf32, #tpu.memory_space<vmem>>, vector<16xf32>,
    %swap3A_513 = arith.constant 4080 : index
    %swap3A_514 = tpu.vector_load %arg7[%swap3A_513] {strides = array<i32>} : memref<4864xf32, #tpu.memory_space<vmem>>, vector<16xf32>,
    tpu.vector_store %arg7[%swap3A_513], %broadcast_in_dim3A_3 {strides = array<i32>} : memref<4864xf32, #tpu.memory_space<vmem>>, vector<16xf32>,
    %swap3A_515 = arith.constant 4096 : index
    %swap3A_516 = tpu.vector_load %arg7[%swap3A_515] {strides = array<i32>} : memref<4864xf32, #tpu.memory_space<vmem>>, vector<16xf32>,
    tpu.vector_store %arg7[%swap3A_515], %broadcast_in_dim3A_3 {strides = array<i32>} : memref<4864xf32, #tpu.memory_space<vmem>>, vector<16xf32>,
    %swap3A_517 = arith.constant 4112 : index
    %swap3A_518 = tpu.vector_load %arg7[%swap3A_517] {strides = array<i32>} : memref<4864xf32, #tpu.memory_space<vmem>>, vector<16xf32>,
    tpu.vector_store %arg7[%swap3A_517], %broadcast_in_dim3A_3 {strides = array<i32>} : memref<4864xf32, #tpu.memory_space<vmem>>, vector<16xf32>,
    %swap3A_519 = arith.constant 4128 : index
    %swap3A_520 = tpu.vector_load %arg7[%swap3A_519] {strides = array<i32>} : memref<4864xf32, #tpu.memory_space<vmem>>, vector<16xf32>,
    tpu.vector_store %arg7[%swap3A_519], %broadcast_in_dim3A_3 {strides = array<i32>} : memref<4864xf32, #tpu.memory_space<vmem>>, vector<16xf32>,
    %swap3A_521 = arith.constant 4144 : index
    %swap3A_522 = tpu.vector_load %arg7[%swap3A_521] {strides = array<i32>} : memref<4864xf32, #tpu.memory_space<vmem>>, vector<16xf32>,
    tpu.vector_store %arg7[%swap3A_521], %broadcast_in_dim3A_3 {strides = array<i32>} : memref<4864xf32, #tpu.memory_space<vmem>>, vector<16xf32>,
    %swap3A_523 = arith.constant 4160 : index
    %swap3A_524 = tpu.vector_load %arg7[%swap3A_523] {strides = array<i32>} : memref<4864xf32, #tpu.memory_space<vmem>>, vector<16xf32>,
    tpu.vector_store %arg7[%swap3A_523], %broadcast_in_dim3A_3 {strides = array<i32>} : memref<4864xf32, #tpu.memory_space<vmem>>, vector<16xf32>,
    %swap3A_525 = arith.constant 4176 : index
    %swap3A_526 = tpu.vector_load %arg7[%swap3A_525] {strides = array<i32>} : memref<4864xf32, #tpu.memory_space<vmem>>, vector<16xf32>,
    tpu.vector_store %arg7[%swap3A_525], %broadcast_in_dim3A_3 {strides = array<i32>} : memref<4864xf32, #tpu.memory_space<vmem>>, vector<16xf32>,
    %swap3A_527 = arith.constant 4192 : index
    %swap3A_528 = tpu.vector_load %arg7[%swap3A_527] {strides = array<i32>} : memref<4864xf32, #tpu.memory_space<vmem>>, vector<16xf32>,
    tpu.vector_store %arg7[%swap3A_527], %broadcast_in_dim3A_3 {strides = array<i32>} : memref<4864xf32, #tpu.memory_space<vmem>>, vector<16xf32>,
    %swap3A_529 = arith.constant 4208 : index
    %swap3A_530 = tpu.vector_load %arg7[%swap3A_529] {strides = array<i32>} : memref<4864xf32, #tpu.memory_space<vmem>>, vector<16xf32>,
    tpu.vector_store %arg7[%swap3A_529], %broadcast_in_dim3A_3 {strides = array<i32>} : memref<4864xf32, #tpu.memory_space<vmem>>, vector<16xf32>,
    %swap3A_531 = arith.constant 4224 : index
    %swap3A_532 = tpu.vector_load %arg7[%swap3A_531] {strides = array<i32>} : memref<4864xf32, #tpu.memory_space<vmem>>, vector<16xf32>,
    tpu.vector_store %arg7[%swap3A_531], %broadcast_in_dim3A_3 {strides = array<i32>} : memref<4864xf32, #tpu.memory_space<vmem>>, vector<16xf32>,
    %swap3A_533 = arith.constant 4240 : index
    %swap3A_534 = tpu.vector_load %arg7[%swap3A_533] {strides = array<i32>} : memref<4864xf32, #tpu.memory_space<vmem>>, vector<16xf32>,
    tpu.vector_store %arg7[%swap3A_533], %broadcast_in_dim3A_3 {strides = array<i32>} : memref<4864xf32, #tpu.memory_space<vmem>>, vector<16xf32>,
    %swap3A_535 = arith.constant 4256 : index
    %swap3A_536 = tpu.vector_load %arg7[%swap3A_535] {strides = array<i32>} : memref<4864xf32, #tpu.memory_space<vmem>>, vector<16xf32>,
    tpu.vector_store %arg7[%swap3A_535], %broadcast_in_dim3A_3 {strides = array<i32>} : memref<4864xf32, #tpu.memory_space<vmem>>, vector<16xf32>,
    %swap3A_537 = arith.constant 4272 : index
    %swap3A_538 = tpu.vector_load %arg7[%swap3A_537] {strides = array<i32>} : memref<4864xf32, #tpu.memory_space<vmem>>, vector<16xf32>,
    tpu.vector_store %arg7[%swap3A_537], %broadcast_in_dim3A_3 {strides = array<i32>} : memref<4864xf32, #tpu.memory_space<vmem>>, vector<16xf32>,
    %swap3A_539 = arith.constant 4288 : index
    %swap3A_540 = tpu.vector_load %arg7[%swap3A_539] {strides = array<i32>} : memref<4864xf32, #tpu.memory_space<vmem>>, vector<16xf32>,
    tpu.vector_store %arg7[%swap3A_539], %broadcast_in_dim3A_3 {strides = array<i32>} : memref<4864xf32, #tpu.memory_space<vmem>>, vector<16xf32>,
    %swap3A_541 = arith.constant 4304 : index
    %swap3A_542 = tpu.vector_load %arg7[%swap3A_541] {strides = array<i32>} : memref<4864xf32, #tpu.memory_space<vmem>>, vector<16xf32>,
    tpu.vector_store %arg7[%swap3A_541], %broadcast_in_dim3A_3 {strides = array<i32>} : memref<4864xf32, #tpu.memory_space<vmem>>, vector<16xf32>,
    %swap3A_543 = arith.constant 4320 : index
    %swap3A_544 = tpu.vector_load %arg7[%swap3A_543] {strides = array<i32>} : memref<4864xf32, #tpu.memory_space<vmem>>, vector<16xf32>,
    tpu.vector_store %arg7[%swap3A_543], %broadcast_in_dim3A_3 {strides = array<i32>} : memref<4864xf32, #tpu.memory_space<vmem>>, vector<16xf32>,
    %swap3A_545 = arith.constant 4336 : index
    %swap3A_546 = tpu.vector_load %arg7[%swap3A_545] {strides = array<i32>} : memref<4864xf32, #tpu.memory_space<vmem>>, vector<16xf32>,
    tpu.vector_store %arg7[%swap3A_545], %broadcast_in_dim3A_3 {strides = array<i32>} : memref<4864xf32, #tpu.memory_space<vmem>>, vector<16xf32>,
    %swap3A_547 = arith.constant 4352 : index
    %swap3A_548 = tpu.vector_load %arg7[%swap3A_547] {strides = array<i32>} : memref<4864xf32, #tpu.memory_space<vmem>>, vector<16xf32>,
    tpu.vector_store %arg7[%swap3A_547], %broadcast_in_dim3A_3 {strides = array<i32>} : memref<4864xf32, #tpu.memory_space<vmem>>, vector<16xf32>,
    %swap3A_549 = arith.constant 4368 : index
    %swap3A_550 = tpu.vector_load %arg7[%swap3A_549] {strides = array<i32>} : memref<4864xf32, #tpu.memory_space<vmem>>, vector<16xf32>,
    tpu.vector_store %arg7[%swap3A_549], %broadcast_in_dim3A_3 {strides = array<i32>} : memref<4864xf32, #tpu.memory_space<vmem>>, vector<16xf32>,
    %swap3A_551 = arith.constant 4384 : index
    %swap3A_552 = tpu.vector_load %arg7[%swap3A_551] {strides = array<i32>} : memref<4864xf32, #tpu.memory_space<vmem>>, vector<16xf32>,
    tpu.vector_store %arg7[%swap3A_551], %broadcast_in_dim3A_3 {strides = array<i32>} : memref<4864xf32, #tpu.memory_space<vmem>>, vector<16xf32>,
    %swap3A_553 = arith.constant 4400 : index
    %swap3A_554 = tpu.vector_load %arg7[%swap3A_553] {strides = array<i32>} : memref<4864xf32, #tpu.memory_space<vmem>>, vector<16xf32>,
    tpu.vector_store %arg7[%swap3A_553], %broadcast_in_dim3A_3 {strides = array<i32>} : memref<4864xf32, #tpu.memory_space<vmem>>, vector<16xf32>,
    %swap3A_555 = arith.constant 4416 : index
    %swap3A_556 = tpu.vector_load %arg7[%swap3A_555] {strides = array<i32>} : memref<4864xf32, #tpu.memory_space<vmem>>, vector<16xf32>,
    tpu.vector_store %arg7[%swap3A_555], %broadcast_in_dim3A_3 {strides = array<i32>} : memref<4864xf32, #tpu.memory_space<vmem>>, vector<16xf32>,
    %swap3A_557 = arith.constant 4432 : index
    %swap3A_558 = tpu.vector_load %arg7[%swap3A_557] {strides = array<i32>} : memref<4864xf32, #tpu.memory_space<vmem>>, vector<16xf32>,
    tpu.vector_store %arg7[%swap3A_557], %broadcast_in_dim3A_3 {strides = array<i32>} : memref<4864xf32, #tpu.memory_space<vmem>>, vector<16xf32>,
    %swap3A_559 = arith.constant 4448 : index
    %swap3A_560 = tpu.vector_load %arg7[%swap3A_559] {strides = array<i32>} : memref<4864xf32, #tpu.memory_space<vmem>>, vector<16xf32>,
    tpu.vector_store %arg7[%swap3A_559], %broadcast_in_dim3A_3 {strides = array<i32>} : memref<4864xf32, #tpu.memory_space<vmem>>, vector<16xf32>,
    %swap3A_561 = arith.constant 4464 : index
    %swap3A_562 = tpu.vector_load %arg7[%swap3A_561] {strides = array<i32>} : memref<4864xf32, #tpu.memory_space<vmem>>, vector<16xf32>,
    tpu.vector_store %arg7[%swap3A_561], %broadcast_in_dim3A_3 {strides = array<i32>} : memref<4864xf32, #tpu.memory_space<vmem>>, vector<16xf32>,
    %swap3A_563 = arith.constant 4480 : index
    %swap3A_564 = tpu.vector_load %arg7[%swap3A_563] {strides = array<i32>} : memref<4864xf32, #tpu.memory_space<vmem>>, vector<16xf32>,
    tpu.vector_store %arg7[%swap3A_563], %broadcast_in_dim3A_3 {strides = array<i32>} : memref<4864xf32, #tpu.memory_space<vmem>>, vector<16xf32>,
    %swap3A_565 = arith.constant 4496 : index
    %swap3A_566 = tpu.vector_load %arg7[%swap3A_565] {strides = array<i32>} : memref<4864xf32, #tpu.memory_space<vmem>>, vector<16xf32>,
    tpu.vector_store %arg7[%swap3A_565], %broadcast_in_dim3A_3 {strides = array<i32>} : memref<4864xf32, #tpu.memory_space<vmem>>, vector<16xf32>,
    %swap3A_567 = arith.constant 4512 : index
    %swap3A_568 = tpu.vector_load %arg7[%swap3A_567] {strides = array<i32>} : memref<4864xf32, #tpu.memory_space<vmem>>, vector<16xf32>,
    tpu.vector_store %arg7[%swap3A_567], %broadcast_in_dim3A_3 {strides = array<i32>} : memref<4864xf32, #tpu.memory_space<vmem>>, vector<16xf32>,
    %swap3A_569 = arith.constant 4528 : index
    %swap3A_570 = tpu.vector_load %arg7[%swap3A_569] {strides = array<i32>} : memref<4864xf32, #tpu.memory_space<vmem>>, vector<16xf32>,
    tpu.vector_store %arg7[%swap3A_569], %broadcast_in_dim3A_3 {strides = array<i32>} : memref<4864xf32, #tpu.memory_space<vmem>>, vector<16xf32>,
    %swap3A_571 = arith.constant 4544 : index
    %swap3A_572 = tpu.vector_load %arg7[%swap3A_571] {strides = array<i32>} : memref<4864xf32, #tpu.memory_space<vmem>>, vector<16xf32>,
    tpu.vector_store %arg7[%swap3A_571], %broadcast_in_dim3A_3 {strides = array<i32>} : memref<4864xf32, #tpu.memory_space<vmem>>, vector<16xf32>,
    %swap3A_573 = arith.constant 4560 : index
    %swap3A_574 = tpu.vector_load %arg7[%swap3A_573] {strides = array<i32>} : memref<4864xf32, #tpu.memory_space<vmem>>, vector<16xf32>,
    tpu.vector_store %arg7[%swap3A_573], %broadcast_in_dim3A_3 {strides = array<i32>} : memref<4864xf32, #tpu.memory_space<vmem>>, vector<16xf32>,
    %swap3A_575 = arith.constant 4576 : index
    %swap3A_576 = tpu.vector_load %arg7[%swap3A_575] {strides = array<i32>} : memref<4864xf32, #tpu.memory_space<vmem>>, vector<16xf32>,
    tpu.vector_store %arg7[%swap3A_575], %broadcast_in_dim3A_3 {strides = array<i32>} : memref<4864xf32, #tpu.memory_space<vmem>>, vector<16xf32>,
    %swap3A_577 = arith.constant 4592 : index
    %swap3A_578 = tpu.vector_load %arg7[%swap3A_577] {strides = array<i32>} : memref<4864xf32, #tpu.memory_space<vmem>>, vector<16xf32>,
    tpu.vector_store %arg7[%swap3A_577], %broadcast_in_dim3A_3 {strides = array<i32>} : memref<4864xf32, #tpu.memory_space<vmem>>, vector<16xf32>,
    %swap3A_579 = arith.constant 4608 : index
    %swap3A_580 = tpu.vector_load %arg7[%swap3A_579] {strides = array<i32>} : memref<4864xf32, #tpu.memory_space<vmem>>, vector<16xf32>,
    tpu.vector_store %arg7[%swap3A_579], %broadcast_in_dim3A_3 {strides = array<i32>} : memref<4864xf32, #tpu.memory_space<vmem>>, vector<16xf32>,
    %swap3A_581 = arith.constant 4624 : index
    %swap3A_582 = tpu.vector_load %arg7[%swap3A_581] {strides = array<i32>} : memref<4864xf32, #tpu.memory_space<vmem>>, vector<16xf32>,
    tpu.vector_store %arg7[%swap3A_581], %broadcast_in_dim3A_3 {strides = array<i32>} : memref<4864xf32, #tpu.memory_space<vmem>>, vector<16xf32>,
    %swap3A_583 = arith.constant 4640 : index
    %swap3A_584 = tpu.vector_load %arg7[%swap3A_583] {strides = array<i32>} : memref<4864xf32, #tpu.memory_space<vmem>>, vector<16xf32>,
    tpu.vector_store %arg7[%swap3A_583], %broadcast_in_dim3A_3 {strides = array<i32>} : memref<4864xf32, #tpu.memory_space<vmem>>, vector<16xf32>,
    %swap3A_585 = arith.constant 4656 : index
    %swap3A_586 = tpu.vector_load %arg7[%swap3A_585] {strides = array<i32>} : memref<4864xf32, #tpu.memory_space<vmem>>, vector<16xf32>,
    tpu.vector_store %arg7[%swap3A_585], %broadcast_in_dim3A_3 {strides = array<i32>} : memref<4864xf32, #tpu.memory_space<vmem>>, vector<16xf32>,
    %swap3A_587 = arith.constant 4672 : index
    %swap3A_588 = tpu.vector_load %arg7[%swap3A_587] {strides = array<i32>} : memref<4864xf32, #tpu.memory_space<vmem>>, vector<16xf32>,
    tpu.vector_store %arg7[%swap3A_587], %broadcast_in_dim3A_3 {strides = array<i32>} : memref<4864xf32, #tpu.memory_space<vmem>>, vector<16xf32>,
    %swap3A_589 = arith.constant 4688 : index
    %swap3A_590 = tpu.vector_load %arg7[%swap3A_589] {strides = array<i32>} : memref<4864xf32, #tpu.memory_space<vmem>>, vector<16xf32>,
    tpu.vector_store %arg7[%swap3A_589], %broadcast_in_dim3A_3 {strides = array<i32>} : memref<4864xf32, #tpu.memory_space<vmem>>, vector<16xf32>,
    %swap3A_591 = arith.constant 4704 : index
    %swap3A_592 = tpu.vector_load %arg7[%swap3A_591] {strides = array<i32>} : memref<4864xf32, #tpu.memory_space<vmem>>, vector<16xf32>,
    tpu.vector_store %arg7[%swap3A_591], %broadcast_in_dim3A_3 {strides = array<i32>} : memref<4864xf32, #tpu.memory_space<vmem>>, vector<16xf32>,
    %swap3A_593 = arith.constant 4720 : index
    %swap3A_594 = tpu.vector_load %arg7[%swap3A_593] {strides = array<i32>} : memref<4864xf32, #tpu.memory_space<vmem>>, vector<16xf32>,
    tpu.vector_store %arg7[%swap3A_593], %broadcast_in_dim3A_3 {strides = array<i32>} : memref<4864xf32, #tpu.memory_space<vmem>>, vector<16xf32>,
    %swap3A_595 = arith.constant 4736 : index
    %swap3A_596 = tpu.vector_load %arg7[%swap3A_595] {strides = array<i32>} : memref<4864xf32, #tpu.memory_space<vmem>>, vector<16xf32>,
    tpu.vector_store %arg7[%swap3A_595], %broadcast_in_dim3A_3 {strides = array<i32>} : memref<4864xf32, #tpu.memory_space<vmem>>, vector<16xf32>,
    %swap3A_597 = arith.constant 4752 : index
    %swap3A_598 = tpu.vector_load %arg7[%swap3A_597] {strides = array<i32>} : memref<4864xf32, #tpu.memory_space<vmem>>, vector<16xf32>,
    tpu.vector_store %arg7[%swap3A_597], %broadcast_in_dim3A_3 {strides = array<i32>} : memref<4864xf32, #tpu.memory_space<vmem>>, vector<16xf32>,
    %swap3A_599 = arith.constant 4768 : index
    %swap3A_600 = tpu.vector_load %arg7[%swap3A_599] {strides = array<i32>} : memref<4864xf32, #tpu.memory_space<vmem>>, vector<16xf32>,
    tpu.vector_store %arg7[%swap3A_599], %broadcast_in_dim3A_3 {strides = array<i32>} : memref<4864xf32, #tpu.memory_space<vmem>>, vector<16xf32>,
    %swap3A_601 = arith.constant 4784 : index
    %swap3A_602 = tpu.vector_load %arg7[%swap3A_601] {strides = array<i32>} : memref<4864xf32, #tpu.memory_space<vmem>>, vector<16xf32>,
    tpu.vector_store %arg7[%swap3A_601], %broadcast_in_dim3A_3 {strides = array<i32>} : memref<4864xf32, #tpu.memory_space<vmem>>, vector<16xf32>,
    %swap3A_603 = arith.constant 4800 : index
    %swap3A_604 = tpu.vector_load %arg7[%swap3A_603] {strides = array<i32>} : memref<4864xf32, #tpu.memory_space<vmem>>, vector<16xf32>,
    tpu.vector_store %arg7[%swap3A_603], %broadcast_in_dim3A_3 {strides = array<i32>} : memref<4864xf32, #tpu.memory_space<vmem>>, vector<16xf32>,
    %swap3A_605 = arith.constant 4816 : index
    %swap3A_606 = tpu.vector_load %arg7[%swap3A_605] {strides = array<i32>} : memref<4864xf32, #tpu.memory_space<vmem>>, vector<16xf32>,
    tpu.vector_store %arg7[%swap3A_605], %broadcast_in_dim3A_3 {strides = array<i32>} : memref<4864xf32, #tpu.memory_space<vmem>>, vector<16xf32>,
    %swap3A_607 = arith.constant 4832 : index
    %swap3A_608 = tpu.vector_load %arg7[%swap3A_607] {strides = array<i32>} : memref<4864xf32, #tpu.memory_space<vmem>>, vector<16xf32>,
    tpu.vector_store %arg7[%swap3A_607], %broadcast_in_dim3A_3 {strides = array<i32>} : memref<4864xf32, #tpu.memory_space<vmem>>, vector<16xf32>,
    %swap3A_609 = arith.constant 4848 : index
    %swap3A_610 = tpu.vector_load %arg7[%swap3A_609] {strides = array<i32>} : memref<4864xf32, #tpu.memory_space<vmem>>, vector<16xf32>,
    tpu.vector_store %arg7[%swap3A_609], %broadcast_in_dim3A_3 {strides = array<i32>} : memref<4864xf32, #tpu.memory_space<vmem>>, vector<16xf32>,
    %iota3A = tpu.iota {dimensions = array<i32: 0>} : vector<16xi32>
    %mul3A_611 = arith.constant 304 : i32
    %mul3A_612 = vector.broadcast %mul3A_611 : i32 to vector<16xi32>
    %mul3A_613 = arith.muli %iota3A, %mul3A_612 : vector<16xi32>
    %broadcast_in_dim3A_614 = arith.constant 1.000000e+00 : f32
    %broadcast_in_dim3A_615 = vector.broadcast %broadcast_in_dim3A_614 : f32 to vector<16xf32>
    %scan3A = arith.constant 0 : i32
    %scan3A_616 = arith.constant 0 : i32
    %scan3A_617 = arith.constant 64 : i32
    %scan3A_618 = arith.addi %scan3A_616, %scan3A_617 : i32
    %scan3A_619 = arith.constant 8 : i32
    scf.for %scan3A_1553 = %scan3A_616 to %scan3A_618 step %scan3A_619  : i32 {
      %mul3A_1554 = arith.constant 16 : i32
      %mul3A_1555 = arith.muli %scan3A_1553, %mul3A_1554 : i32
      %multiple_of3A = tpu.assume_multiple %mul3A_1555, 16 : i32
      %get3A_1556 = arith.index_cast %multiple_of3A : i32 to index
      %get3A_1557 = tpu.vector_load %arg5[%get3A_1556] {strides = array<i32>} : memref<1024xi32, #tpu.memory_space<vmem>>, vector<16xi32>,
      %get3A_1558 = arith.index_cast %multiple_of3A : i32 to index
      %get3A_1559 = tpu.vector_load %arg6[%get3A_1558] {strides = array<i32>} : memref<1024xi32, #tpu.memory_space<vmem>>, vector<16xi32>,
      %mul3A_1560 = arith.constant 17 : i32
      %mul3A_1561 = vector.broadcast %mul3A_1560 : i32 to vector<16xi32>
      %mul3A_1562 = arith.muli %get3A_1557, %mul3A_1561 : vector<16xi32>
      %add3A_1563 = arith.addi %mul3A_1562, %get3A_1559 : vector<16xi32>
      %add3A_1564 = arith.addi %mul3A_613, %add3A_1563 : vector<16xi32>
      tpu.vector_store_idx %arg7[%add3A_1564], %broadcast_in_dim3A_615 {add = true} : memref<4864xf32, #tpu.memory_space<vmem>>[vector<16xi32>], vector<16xf32>,
      %scan3A_1565 = arith.constant 1 : i32
      %scan3A_1566 = arith.addi %scan3A_1553, %scan3A_1565 : i32
      %mul3A_1567 = arith.constant 16 : i32
      %mul3A_1568 = arith.muli %scan3A_1566, %mul3A_1567 : i32
      %multiple_of3A_1569 = tpu.assume_multiple %mul3A_1568, 16 : i32
      %get3A_1570 = arith.index_cast %multiple_of3A_1569 : i32 to index
      %get3A_1571 = tpu.vector_load %arg5[%get3A_1570] {strides = array<i32>} : memref<1024xi32, #tpu.memory_space<vmem>>, vector<16xi32>,
      %get3A_1572 = arith.index_cast %multiple_of3A_1569 : i32 to index
      %get3A_1573 = tpu.vector_load %arg6[%get3A_1572] {strides = array<i32>} : memref<1024xi32, #tpu.memory_space<vmem>>, vector<16xi32>,
      %mul3A_1574 = arith.constant 17 : i32
      %mul3A_1575 = vector.broadcast %mul3A_1574 : i32 to vector<16xi32>
      %mul3A_1576 = arith.muli %get3A_1571, %mul3A_1575 : vector<16xi32>
      %add3A_1577 = arith.addi %mul3A_1576, %get3A_1573 : vector<16xi32>
      %add3A_1578 = arith.addi %mul3A_613, %add3A_1577 : vector<16xi32>
      tpu.vector_store_idx %arg7[%add3A_1578], %broadcast_in_dim3A_615 {add = true} : memref<4864xf32, #tpu.memory_space<vmem>>[vector<16xi32>], vector<16xf32>,
      %scan3A_1579 = arith.constant 2 : i32
      %scan3A_1580 = arith.addi %scan3A_1553, %scan3A_1579 : i32
      %mul3A_1581 = arith.constant 16 : i32
      %mul3A_1582 = arith.muli %scan3A_1580, %mul3A_1581 : i32
      %multiple_of3A_1583 = tpu.assume_multiple %mul3A_1582, 16 : i32
      %get3A_1584 = arith.index_cast %multiple_of3A_1583 : i32 to index
      %get3A_1585 = tpu.vector_load %arg5[%get3A_1584] {strides = array<i32>} : memref<1024xi32, #tpu.memory_space<vmem>>, vector<16xi32>,
      %get3A_1586 = arith.index_cast %multiple_of3A_1583 : i32 to index
      %get3A_1587 = tpu.vector_load %arg6[%get3A_1586] {strides = array<i32>} : memref<1024xi32, #tpu.memory_space<vmem>>, vector<16xi32>,
      %mul3A_1588 = arith.constant 17 : i32
      %mul3A_1589 = vector.broadcast %mul3A_1588 : i32 to vector<16xi32>
      %mul3A_1590 = arith.muli %get3A_1585, %mul3A_1589 : vector<16xi32>
      %add3A_1591 = arith.addi %mul3A_1590, %get3A_1587 : vector<16xi32>
      %add3A_1592 = arith.addi %mul3A_613, %add3A_1591 : vector<16xi32>
      tpu.vector_store_idx %arg7[%add3A_1592], %broadcast_in_dim3A_615 {add = true} : memref<4864xf32, #tpu.memory_space<vmem>>[vector<16xi32>], vector<16xf32>,
      %scan3A_1593 = arith.constant 3 : i32
      %scan3A_1594 = arith.addi %scan3A_1553, %scan3A_1593 : i32
      %mul3A_1595 = arith.constant 16 : i32
      %mul3A_1596 = arith.muli %scan3A_1594, %mul3A_1595 : i32
      %multiple_of3A_1597 = tpu.assume_multiple %mul3A_1596, 16 : i32
      %get3A_1598 = arith.index_cast %multiple_of3A_1597 : i32 to index
      %get3A_1599 = tpu.vector_load %arg5[%get3A_1598] {strides = array<i32>} : memref<1024xi32, #tpu.memory_space<vmem>>, vector<16xi32>,
      %get3A_1600 = arith.index_cast %multiple_of3A_1597 : i32 to index
      %get3A_1601 = tpu.vector_load %arg6[%get3A_1600] {strides = array<i32>} : memref<1024xi32, #tpu.memory_space<vmem>>, vector<16xi32>,
      %mul3A_1602 = arith.constant 17 : i32
      %mul3A_1603 = vector.broadcast %mul3A_1602 : i32 to vector<16xi32>
      %mul3A_1604 = arith.muli %get3A_1599, %mul3A_1603 : vector<16xi32>
      %add3A_1605 = arith.addi %mul3A_1604, %get3A_1601 : vector<16xi32>
      %add3A_1606 = arith.addi %mul3A_613, %add3A_1605 : vector<16xi32>
      tpu.vector_store_idx %arg7[%add3A_1606], %broadcast_in_dim3A_615 {add = true} : memref<4864xf32, #tpu.memory_space<vmem>>[vector<16xi32>], vector<16xf32>,
      %scan3A_1607 = arith.constant 4 : i32
      %scan3A_1608 = arith.addi %scan3A_1553, %scan3A_1607 : i32
      %mul3A_1609 = arith.constant 16 : i32
      %mul3A_1610 = arith.muli %scan3A_1608, %mul3A_1609 : i32
      %multiple_of3A_1611 = tpu.assume_multiple %mul3A_1610, 16 : i32
      %get3A_1612 = arith.index_cast %multiple_of3A_1611 : i32 to index
      %get3A_1613 = tpu.vector_load %arg5[%get3A_1612] {strides = array<i32>} : memref<1024xi32, #tpu.memory_space<vmem>>, vector<16xi32>,
      %get3A_1614 = arith.index_cast %multiple_of3A_1611 : i32 to index
      %get3A_1615 = tpu.vector_load %arg6[%get3A_1614] {strides = array<i32>} : memref<1024xi32, #tpu.memory_space<vmem>>, vector<16xi32>,
      %mul3A_1616 = arith.constant 17 : i32
      %mul3A_1617 = vector.broadcast %mul3A_1616 : i32 to vector<16xi32>
      %mul3A_1618 = arith.muli %get3A_1613, %mul3A_1617 : vector<16xi32>
      %add3A_1619 = arith.addi %mul3A_1618, %get3A_1615 : vector<16xi32>
      %add3A_1620 = arith.addi %mul3A_613, %add3A_1619 : vector<16xi32>
      tpu.vector_store_idx %arg7[%add3A_1620], %broadcast_in_dim3A_615 {add = true} : memref<4864xf32, #tpu.memory_space<vmem>>[vector<16xi32>], vector<16xf32>,
      %scan3A_1621 = arith.constant 5 : i32
      %scan3A_1622 = arith.addi %scan3A_1553, %scan3A_1621 : i32
      %mul3A_1623 = arith.constant 16 : i32
      %mul3A_1624 = arith.muli %scan3A_1622, %mul3A_1623 : i32
      %multiple_of3A_1625 = tpu.assume_multiple %mul3A_1624, 16 : i32
      %get3A_1626 = arith.index_cast %multiple_of3A_1625 : i32 to index
      %get3A_1627 = tpu.vector_load %arg5[%get3A_1626] {strides = array<i32>} : memref<1024xi32, #tpu.memory_space<vmem>>, vector<16xi32>,
      %get3A_1628 = arith.index_cast %multiple_of3A_1625 : i32 to index
      %get3A_1629 = tpu.vector_load %arg6[%get3A_1628] {strides = array<i32>} : memref<1024xi32, #tpu.memory_space<vmem>>, vector<16xi32>,
      %mul3A_1630 = arith.constant 17 : i32
      %mul3A_1631 = vector.broadcast %mul3A_1630 : i32 to vector<16xi32>
      %mul3A_1632 = arith.muli %get3A_1627, %mul3A_1631 : vector<16xi32>
      %add3A_1633 = arith.addi %mul3A_1632, %get3A_1629 : vector<16xi32>
      %add3A_1634 = arith.addi %mul3A_613, %add3A_1633 : vector<16xi32>
      tpu.vector_store_idx %arg7[%add3A_1634], %broadcast_in_dim3A_615 {add = true} : memref<4864xf32, #tpu.memory_space<vmem>>[vector<16xi32>], vector<16xf32>,
      %scan3A_1635 = arith.constant 6 : i32
      %scan3A_1636 = arith.addi %scan3A_1553, %scan3A_1635 : i32
      %mul3A_1637 = arith.constant 16 : i32
      %mul3A_1638 = arith.muli %scan3A_1636, %mul3A_1637 : i32
      %multiple_of3A_1639 = tpu.assume_multiple %mul3A_1638, 16 : i32
      %get3A_1640 = arith.index_cast %multiple_of3A_1639 : i32 to index
      %get3A_1641 = tpu.vector_load %arg5[%get3A_1640] {strides = array<i32>} : memref<1024xi32, #tpu.memory_space<vmem>>, vector<16xi32>,
      %get3A_1642 = arith.index_cast %multiple_of3A_1639 : i32 to index
      %get3A_1643 = tpu.vector_load %arg6[%get3A_1642] {strides = array<i32>} : memref<1024xi32, #tpu.memory_space<vmem>>, vector<16xi32>,
      %mul3A_1644 = arith.constant 17 : i32
      %mul3A_1645 = vector.broadcast %mul3A_1644 : i32 to vector<16xi32>
      %mul3A_1646 = arith.muli %get3A_1641, %mul3A_1645 : vector<16xi32>
      %add3A_1647 = arith.addi %mul3A_1646, %get3A_1643 : vector<16xi32>
      %add3A_1648 = arith.addi %mul3A_613, %add3A_1647 : vector<16xi32>
      tpu.vector_store_idx %arg7[%add3A_1648], %broadcast_in_dim3A_615 {add = true} : memref<4864xf32, #tpu.memory_space<vmem>>[vector<16xi32>], vector<16xf32>,
      %scan3A_1649 = arith.constant 7 : i32
      %scan3A_1650 = arith.addi %scan3A_1553, %scan3A_1649 : i32
      %mul3A_1651 = arith.constant 16 : i32
      %mul3A_1652 = arith.muli %scan3A_1650, %mul3A_1651 : i32
      %multiple_of3A_1653 = tpu.assume_multiple %mul3A_1652, 16 : i32
      %get3A_1654 = arith.index_cast %multiple_of3A_1653 : i32 to index
      %get3A_1655 = tpu.vector_load %arg5[%get3A_1654] {strides = array<i32>} : memref<1024xi32, #tpu.memory_space<vmem>>, vector<16xi32>,
      %get3A_1656 = arith.index_cast %multiple_of3A_1653 : i32 to index
      %get3A_1657 = tpu.vector_load %arg6[%get3A_1656] {strides = array<i32>} : memref<1024xi32, #tpu.memory_space<vmem>>, vector<16xi32>,
      %mul3A_1658 = arith.constant 17 : i32
      %mul3A_1659 = vector.broadcast %mul3A_1658 : i32 to vector<16xi32>
      %mul3A_1660 = arith.muli %get3A_1655, %mul3A_1659 : vector<16xi32>
      %add3A_1661 = arith.addi %mul3A_1660, %get3A_1657 : vector<16xi32>
      %add3A_1662 = arith.addi %mul3A_613, %add3A_1661 : vector<16xi32>
      tpu.vector_store_idx %arg7[%add3A_1662], %broadcast_in_dim3A_615 {add = true} : memref<4864xf32, #tpu.memory_space<vmem>>[vector<16xi32>], vector<16xf32>,
    }
    %scan3A_620 = arith.constant 64 : i32
    %get3A = arith.constant 0 : index
    %get3A_621 = tpu.vector_load %arg7[%get3A] {strides = array<i32>} : memref<4864xf32, #tpu.memory_space<vmem>>, vector<16xf32>,
    %get3A_622 = arith.constant 304 : index
    %get3A_623 = tpu.vector_load %arg7[%get3A_622] {strides = array<i32>} : memref<4864xf32, #tpu.memory_space<vmem>>, vector<16xf32>,
    %add3A = arith.addf %get3A_621, %get3A_623 : vector<16xf32>
    %get3A_624 = arith.constant 608 : index
    %get3A_625 = tpu.vector_load %arg7[%get3A_624] {strides = array<i32>} : memref<4864xf32, #tpu.memory_space<vmem>>, vector<16xf32>,
    %add3A_626 = arith.addf %add3A, %get3A_625 : vector<16xf32>
    %get3A_627 = arith.constant 912 : index
    %get3A_628 = tpu.vector_load %arg7[%get3A_627] {strides = array<i32>} : memref<4864xf32, #tpu.memory_space<vmem>>, vector<16xf32>,
    %add3A_629 = arith.addf %add3A_626, %get3A_628 : vector<16xf32>
    %get3A_630 = arith.constant 1216 : index
    %get3A_631 = tpu.vector_load %arg7[%get3A_630] {strides = array<i32>} : memref<4864xf32, #tpu.memory_space<vmem>>, vector<16xf32>,
    %add3A_632 = arith.addf %add3A_629, %get3A_631 : vector<16xf32>
    %get3A_633 = arith.constant 1520 : index
    %get3A_634 = tpu.vector_load %arg7[%get3A_633] {strides = array<i32>} : memref<4864xf32, #tpu.memory_space<vmem>>, vector<16xf32>,
    %add3A_635 = arith.addf %add3A_632, %get3A_634 : vector<16xf32>
    %get3A_636 = arith.constant 1824 : index
    %get3A_637 = tpu.vector_load %arg7[%get3A_636] {strides = array<i32>} : memref<4864xf32, #tpu.memory_space<vmem>>, vector<16xf32>,
    %add3A_638 = arith.addf %add3A_635, %get3A_637 : vector<16xf32>
    %get3A_639 = arith.constant 2128 : index
    %get3A_640 = tpu.vector_load %arg7[%get3A_639] {strides = array<i32>} : memref<4864xf32, #tpu.memory_space<vmem>>, vector<16xf32>,
    %add3A_641 = arith.addf %add3A_638, %get3A_640 : vector<16xf32>
    %get3A_642 = arith.constant 2432 : index
    %get3A_643 = tpu.vector_load %arg7[%get3A_642] {strides = array<i32>} : memref<4864xf32, #tpu.memory_space<vmem>>, vector<16xf32>,
    %add3A_644 = arith.addf %add3A_641, %get3A_643 : vector<16xf32>
    %get3A_645 = arith.constant 2736 : index
    %get3A_646 = tpu.vector_load %arg7[%get3A_645] {strides = array<i32>} : memref<4864xf32, #tpu.memory_space<vmem>>, vector<16xf32>,
    %add3A_647 = arith.addf %add3A_644, %get3A_646 : vector<16xf32>
    %get3A_648 = arith.constant 3040 : index
    %get3A_649 = tpu.vector_load %arg7[%get3A_648] {strides = array<i32>} : memref<4864xf32, #tpu.memory_space<vmem>>, vector<16xf32>,
    %add3A_650 = arith.addf %add3A_647, %get3A_649 : vector<16xf32>
    %get3A_651 = arith.constant 3344 : index
    %get3A_652 = tpu.vector_load %arg7[%get3A_651] {strides = array<i32>} : memref<4864xf32, #tpu.memory_space<vmem>>, vector<16xf32>,
    %add3A_653 = arith.addf %add3A_650, %get3A_652 : vector<16xf32>
    %get3A_654 = arith.constant 3648 : index
    %get3A_655 = tpu.vector_load %arg7[%get3A_654] {strides = array<i32>} : memref<4864xf32, #tpu.memory_space<vmem>>, vector<16xf32>,
    %add3A_656 = arith.addf %add3A_653, %get3A_655 : vector<16xf32>
    %get3A_657 = arith.constant 3952 : index
    %get3A_658 = tpu.vector_load %arg7[%get3A_657] {strides = array<i32>} : memref<4864xf32, #tpu.memory_space<vmem>>, vector<16xf32>,
    %add3A_659 = arith.addf %add3A_656, %get3A_658 : vector<16xf32>
    %get3A_660 = arith.constant 4256 : index
    %get3A_661 = tpu.vector_load %arg7[%get3A_660] {strides = array<i32>} : memref<4864xf32, #tpu.memory_space<vmem>>, vector<16xf32>,
    %add3A_662 = arith.addf %add3A_659, %get3A_661 : vector<16xf32>
    %get3A_663 = arith.constant 4560 : index
    %get3A_664 = tpu.vector_load %arg7[%get3A_663] {strides = array<i32>} : memref<4864xf32, #tpu.memory_space<vmem>>, vector<16xf32>,
    %add3A_665 = arith.addf %add3A_662, %get3A_664 : vector<16xf32>
    %swap3A_666 = arith.constant 0 : index
    %swap3A_667 = tpu.vector_load %arg8[%swap3A_666] {strides = array<i32>} : memref<304xf32, #tpu.memory_space<vmem>>, vector<16xf32>,
    tpu.vector_store %arg8[%swap3A_666], %add3A_665 {strides = array<i32>} : memref<304xf32, #tpu.memory_space<vmem>>, vector<16xf32>,
    %get3A_668 = arith.constant 16 : index
    %get3A_669 = tpu.vector_load %arg7[%get3A_668] {strides = array<i32>} : memref<4864xf32, #tpu.memory_space<vmem>>, vector<16xf32>,
    %get3A_670 = arith.constant 320 : index
    %get3A_671 = tpu.vector_load %arg7[%get3A_670] {strides = array<i32>} : memref<4864xf32, #tpu.memory_space<vmem>>, vector<16xf32>,
    %add3A_672 = arith.addf %get3A_669, %get3A_671 : vector<16xf32>
    %get3A_673 = arith.constant 624 : index
    %get3A_674 = tpu.vector_load %arg7[%get3A_673] {strides = array<i32>} : memref<4864xf32, #tpu.memory_space<vmem>>, vector<16xf32>,
    %add3A_675 = arith.addf %add3A_672, %get3A_674 : vector<16xf32>
    %get3A_676 = arith.constant 928 : index
    %get3A_677 = tpu.vector_load %arg7[%get3A_676] {strides = array<i32>} : memref<4864xf32, #tpu.memory_space<vmem>>, vector<16xf32>,
    %add3A_678 = arith.addf %add3A_675, %get3A_677 : vector<16xf32>
    %get3A_679 = arith.constant 1232 : index
    %get3A_680 = tpu.vector_load %arg7[%get3A_679] {strides = array<i32>} : memref<4864xf32, #tpu.memory_space<vmem>>, vector<16xf32>,
    %add3A_681 = arith.addf %add3A_678, %get3A_680 : vector<16xf32>
    %get3A_682 = arith.constant 1536 : index
    %get3A_683 = tpu.vector_load %arg7[%get3A_682] {strides = array<i32>} : memref<4864xf32, #tpu.memory_space<vmem>>, vector<16xf32>,
    %add3A_684 = arith.addf %add3A_681, %get3A_683 : vector<16xf32>
    %get3A_685 = arith.constant 1840 : index
    %get3A_686 = tpu.vector_load %arg7[%get3A_685] {strides = array<i32>} : memref<4864xf32, #tpu.memory_space<vmem>>, vector<16xf32>,
    %add3A_687 = arith.addf %add3A_684, %get3A_686 : vector<16xf32>
    %get3A_688 = arith.constant 2144 : index
    %get3A_689 = tpu.vector_load %arg7[%get3A_688] {strides = array<i32>} : memref<4864xf32, #tpu.memory_space<vmem>>, vector<16xf32>,
    %add3A_690 = arith.addf %add3A_687, %get3A_689 : vector<16xf32>
    %get3A_691 = arith.constant 2448 : index
    %get3A_692 = tpu.vector_load %arg7[%get3A_691] {strides = array<i32>} : memref<4864xf32, #tpu.memory_space<vmem>>, vector<16xf32>,
    %add3A_693 = arith.addf %add3A_690, %get3A_692 : vector<16xf32>
    %get3A_694 = arith.constant 2752 : index
    %get3A_695 = tpu.vector_load %arg7[%get3A_694] {strides = array<i32>} : memref<4864xf32, #tpu.memory_space<vmem>>, vector<16xf32>,
    %add3A_696 = arith.addf %add3A_693, %get3A_695 : vector<16xf32>
    %get3A_697 = arith.constant 3056 : index
    %get3A_698 = tpu.vector_load %arg7[%get3A_697] {strides = array<i32>} : memref<4864xf32, #tpu.memory_space<vmem>>, vector<16xf32>,
    %add3A_699 = arith.addf %add3A_696, %get3A_698 : vector<16xf32>
    %get3A_700 = arith.constant 3360 : index
    %get3A_701 = tpu.vector_load %arg7[%get3A_700] {strides = array<i32>} : memref<4864xf32, #tpu.memory_space<vmem>>, vector<16xf32>,
    %add3A_702 = arith.addf %add3A_699, %get3A_701 : vector<16xf32>
    %get3A_703 = arith.constant 3664 : index
    %get3A_704 = tpu.vector_load %arg7[%get3A_703] {strides = array<i32>} : memref<4864xf32, #tpu.memory_space<vmem>>, vector<16xf32>,
    %add3A_705 = arith.addf %add3A_702, %get3A_704 : vector<16xf32>
    %get3A_706 = arith.constant 3968 : index
    %get3A_707 = tpu.vector_load %arg7[%get3A_706] {strides = array<i32>} : memref<4864xf32, #tpu.memory_space<vmem>>, vector<16xf32>,
    %add3A_708 = arith.addf %add3A_705, %get3A_707 : vector<16xf32>
    %get3A_709 = arith.constant 4272 : index
    %get3A_710 = tpu.vector_load %arg7[%get3A_709] {strides = array<i32>} : memref<4864xf32, #tpu.memory_space<vmem>>, vector<16xf32>,
    %add3A_711 = arith.addf %add3A_708, %get3A_710 : vector<16xf32>
    %get3A_712 = arith.constant 4576 : index
    %get3A_713 = tpu.vector_load %arg7[%get3A_712] {strides = array<i32>} : memref<4864xf32, #tpu.memory_space<vmem>>, vector<16xf32>,
    %add3A_714 = arith.addf %add3A_711, %get3A_713 : vector<16xf32>
    %swap3A_715 = arith.constant 16 : index
    %swap3A_716 = tpu.vector_load %arg8[%swap3A_715] {strides = array<i32>} : memref<304xf32, #tpu.memory_space<vmem>>, vector<16xf32>,
    tpu.vector_store %arg8[%swap3A_715], %add3A_714 {strides = array<i32>} : memref<304xf32, #tpu.memory_space<vmem>>, vector<16xf32>,
    %get3A_717 = arith.constant 32 : index
    %get3A_718 = tpu.vector_load %arg7[%get3A_717] {strides = array<i32>} : memref<4864xf32, #tpu.memory_space<vmem>>, vector<16xf32>,
    %get3A_719 = arith.constant 336 : index
    %get3A_720 = tpu.vector_load %arg7[%get3A_719] {strides = array<i32>} : memref<4864xf32, #tpu.memory_space<vmem>>, vector<16xf32>,
    %add3A_721 = arith.addf %get3A_718, %get3A_720 : vector<16xf32>
    %get3A_722 = arith.constant 640 : index
    %get3A_723 = tpu.vector_load %arg7[%get3A_722] {strides = array<i32>} : memref<4864xf32, #tpu.memory_space<vmem>>, vector<16xf32>,
    %add3A_724 = arith.addf %add3A_721, %get3A_723 : vector<16xf32>
    %get3A_725 = arith.constant 944 : index
    %get3A_726 = tpu.vector_load %arg7[%get3A_725] {strides = array<i32>} : memref<4864xf32, #tpu.memory_space<vmem>>, vector<16xf32>,
    %add3A_727 = arith.addf %add3A_724, %get3A_726 : vector<16xf32>
    %get3A_728 = arith.constant 1248 : index
    %get3A_729 = tpu.vector_load %arg7[%get3A_728] {strides = array<i32>} : memref<4864xf32, #tpu.memory_space<vmem>>, vector<16xf32>,
    %add3A_730 = arith.addf %add3A_727, %get3A_729 : vector<16xf32>
    %get3A_731 = arith.constant 1552 : index
    %get3A_732 = tpu.vector_load %arg7[%get3A_731] {strides = array<i32>} : memref<4864xf32, #tpu.memory_space<vmem>>, vector<16xf32>,
    %add3A_733 = arith.addf %add3A_730, %get3A_732 : vector<16xf32>
    %get3A_734 = arith.constant 1856 : index
    %get3A_735 = tpu.vector_load %arg7[%get3A_734] {strides = array<i32>} : memref<4864xf32, #tpu.memory_space<vmem>>, vector<16xf32>,
    %add3A_736 = arith.addf %add3A_733, %get3A_735 : vector<16xf32>
    %get3A_737 = arith.constant 2160 : index
    %get3A_738 = tpu.vector_load %arg7[%get3A_737] {strides = array<i32>} : memref<4864xf32, #tpu.memory_space<vmem>>, vector<16xf32>,
    %add3A_739 = arith.addf %add3A_736, %get3A_738 : vector<16xf32>
    %get3A_740 = arith.constant 2464 : index
    %get3A_741 = tpu.vector_load %arg7[%get3A_740] {strides = array<i32>} : memref<4864xf32, #tpu.memory_space<vmem>>, vector<16xf32>,
    %add3A_742 = arith.addf %add3A_739, %get3A_741 : vector<16xf32>
    %get3A_743 = arith.constant 2768 : index
    %get3A_744 = tpu.vector_load %arg7[%get3A_743] {strides = array<i32>} : memref<4864xf32, #tpu.memory_space<vmem>>, vector<16xf32>,
    %add3A_745 = arith.addf %add3A_742, %get3A_744 : vector<16xf32>
    %get3A_746 = arith.constant 3072 : index
    %get3A_747 = tpu.vector_load %arg7[%get3A_746] {strides = array<i32>} : memref<4864xf32, #tpu.memory_space<vmem>>, vector<16xf32>,
    %add3A_748 = arith.addf %add3A_745, %get3A_747 : vector<16xf32>
    %get3A_749 = arith.constant 3376 : index
    %get3A_750 = tpu.vector_load %arg7[%get3A_749] {strides = array<i32>} : memref<4864xf32, #tpu.memory_space<vmem>>, vector<16xf32>,
    %add3A_751 = arith.addf %add3A_748, %get3A_750 : vector<16xf32>
    %get3A_752 = arith.constant 3680 : index
    %get3A_753 = tpu.vector_load %arg7[%get3A_752] {strides = array<i32>} : memref<4864xf32, #tpu.memory_space<vmem>>, vector<16xf32>,
    %add3A_754 = arith.addf %add3A_751, %get3A_753 : vector<16xf32>
    %get3A_755 = arith.constant 3984 : index
    %get3A_756 = tpu.vector_load %arg7[%get3A_755] {strides = array<i32>} : memref<4864xf32, #tpu.memory_space<vmem>>, vector<16xf32>,
    %add3A_757 = arith.addf %add3A_754, %get3A_756 : vector<16xf32>
    %get3A_758 = arith.constant 4288 : index
    %get3A_759 = tpu.vector_load %arg7[%get3A_758] {strides = array<i32>} : memref<4864xf32, #tpu.memory_space<vmem>>, vector<16xf32>,
    %add3A_760 = arith.addf %add3A_757, %get3A_759 : vector<16xf32>
    %get3A_761 = arith.constant 4592 : index
    %get3A_762 = tpu.vector_load %arg7[%get3A_761] {strides = array<i32>} : memref<4864xf32, #tpu.memory_space<vmem>>, vector<16xf32>,
    %add3A_763 = arith.addf %add3A_760, %get3A_762 : vector<16xf32>
    %swap3A_764 = arith.constant 32 : index
    %swap3A_765 = tpu.vector_load %arg8[%swap3A_764] {strides = array<i32>} : memref<304xf32, #tpu.memory_space<vmem>>, vector<16xf32>,
    tpu.vector_store %arg8[%swap3A_764], %add3A_763 {strides = array<i32>} : memref<304xf32, #tpu.memory_space<vmem>>, vector<16xf32>,
    %get3A_766 = arith.constant 48 : index
    %get3A_767 = tpu.vector_load %arg7[%get3A_766] {strides = array<i32>} : memref<4864xf32, #tpu.memory_space<vmem>>, vector<16xf32>,
    %get3A_768 = arith.constant 352 : index
    %get3A_769 = tpu.vector_load %arg7[%get3A_768] {strides = array<i32>} : memref<4864xf32, #tpu.memory_space<vmem>>, vector<16xf32>,
    %add3A_770 = arith.addf %get3A_767, %get3A_769 : vector<16xf32>
    %get3A_771 = arith.constant 656 : index
    %get3A_772 = tpu.vector_load %arg7[%get3A_771] {strides = array<i32>} : memref<4864xf32, #tpu.memory_space<vmem>>, vector<16xf32>,
    %add3A_773 = arith.addf %add3A_770, %get3A_772 : vector<16xf32>
    %get3A_774 = arith.constant 960 : index
    %get3A_775 = tpu.vector_load %arg7[%get3A_774] {strides = array<i32>} : memref<4864xf32, #tpu.memory_space<vmem>>, vector<16xf32>,
    %add3A_776 = arith.addf %add3A_773, %get3A_775 : vector<16xf32>
    %get3A_777 = arith.constant 1264 : index
    %get3A_778 = tpu.vector_load %arg7[%get3A_777] {strides = array<i32>} : memref<4864xf32, #tpu.memory_space<vmem>>, vector<16xf32>,
    %add3A_779 = arith.addf %add3A_776, %get3A_778 : vector<16xf32>
    %get3A_780 = arith.constant 1568 : index
    %get3A_781 = tpu.vector_load %arg7[%get3A_780] {strides = array<i32>} : memref<4864xf32, #tpu.memory_space<vmem>>, vector<16xf32>,
    %add3A_782 = arith.addf %add3A_779, %get3A_781 : vector<16xf32>
    %get3A_783 = arith.constant 1872 : index
    %get3A_784 = tpu.vector_load %arg7[%get3A_783] {strides = array<i32>} : memref<4864xf32, #tpu.memory_space<vmem>>, vector<16xf32>,
    %add3A_785 = arith.addf %add3A_782, %get3A_784 : vector<16xf32>
    %get3A_786 = arith.constant 2176 : index
    %get3A_787 = tpu.vector_load %arg7[%get3A_786] {strides = array<i32>} : memref<4864xf32, #tpu.memory_space<vmem>>, vector<16xf32>,
    %add3A_788 = arith.addf %add3A_785, %get3A_787 : vector<16xf32>
    %get3A_789 = arith.constant 2480 : index
    %get3A_790 = tpu.vector_load %arg7[%get3A_789] {strides = array<i32>} : memref<4864xf32, #tpu.memory_space<vmem>>, vector<16xf32>,
    %add3A_791 = arith.addf %add3A_788, %get3A_790 : vector<16xf32>
    %get3A_792 = arith.constant 2784 : index
    %get3A_793 = tpu.vector_load %arg7[%get3A_792] {strides = array<i32>} : memref<4864xf32, #tpu.memory_space<vmem>>, vector<16xf32>,
    %add3A_794 = arith.addf %add3A_791, %get3A_793 : vector<16xf32>
    %get3A_795 = arith.constant 3088 : index
    %get3A_796 = tpu.vector_load %arg7[%get3A_795] {strides = array<i32>} : memref<4864xf32, #tpu.memory_space<vmem>>, vector<16xf32>,
    %add3A_797 = arith.addf %add3A_794, %get3A_796 : vector<16xf32>
    %get3A_798 = arith.constant 3392 : index
    %get3A_799 = tpu.vector_load %arg7[%get3A_798] {strides = array<i32>} : memref<4864xf32, #tpu.memory_space<vmem>>, vector<16xf32>,
    %add3A_800 = arith.addf %add3A_797, %get3A_799 : vector<16xf32>
    %get3A_801 = arith.constant 3696 : index
    %get3A_802 = tpu.vector_load %arg7[%get3A_801] {strides = array<i32>} : memref<4864xf32, #tpu.memory_space<vmem>>, vector<16xf32>,
    %add3A_803 = arith.addf %add3A_800, %get3A_802 : vector<16xf32>
    %get3A_804 = arith.constant 4000 : index
    %get3A_805 = tpu.vector_load %arg7[%get3A_804] {strides = array<i32>} : memref<4864xf32, #tpu.memory_space<vmem>>, vector<16xf32>,
    %add3A_806 = arith.addf %add3A_803, %get3A_805 : vector<16xf32>
    %get3A_807 = arith.constant 4304 : index
    %get3A_808 = tpu.vector_load %arg7[%get3A_807] {strides = array<i32>} : memref<4864xf32, #tpu.memory_space<vmem>>, vector<16xf32>,
    %add3A_809 = arith.addf %add3A_806, %get3A_808 : vector<16xf32>
    %get3A_810 = arith.constant 4608 : index
    %get3A_811 = tpu.vector_load %arg7[%get3A_810] {strides = array<i32>} : memref<4864xf32, #tpu.memory_space<vmem>>, vector<16xf32>,
    %add3A_812 = arith.addf %add3A_809, %get3A_811 : vector<16xf32>
    %swap3A_813 = arith.constant 48 : index
    %swap3A_814 = tpu.vector_load %arg8[%swap3A_813] {strides = array<i32>} : memref<304xf32, #tpu.memory_space<vmem>>, vector<16xf32>,
    tpu.vector_store %arg8[%swap3A_813], %add3A_812 {strides = array<i32>} : memref<304xf32, #tpu.memory_space<vmem>>, vector<16xf32>,
    %get3A_815 = arith.constant 64 : index
    %get3A_816 = tpu.vector_load %arg7[%get3A_815] {strides = array<i32>} : memref<4864xf32, #tpu.memory_space<vmem>>, vector<16xf32>,
    %get3A_817 = arith.constant 368 : index
    %get3A_818 = tpu.vector_load %arg7[%get3A_817] {strides = array<i32>} : memref<4864xf32, #tpu.memory_space<vmem>>, vector<16xf32>,
    %add3A_819 = arith.addf %get3A_816, %get3A_818 : vector<16xf32>
    %get3A_820 = arith.constant 672 : index
    %get3A_821 = tpu.vector_load %arg7[%get3A_820] {strides = array<i32>} : memref<4864xf32, #tpu.memory_space<vmem>>, vector<16xf32>,
    %add3A_822 = arith.addf %add3A_819, %get3A_821 : vector<16xf32>
    %get3A_823 = arith.constant 976 : index
    %get3A_824 = tpu.vector_load %arg7[%get3A_823] {strides = array<i32>} : memref<4864xf32, #tpu.memory_space<vmem>>, vector<16xf32>,
    %add3A_825 = arith.addf %add3A_822, %get3A_824 : vector<16xf32>
    %get3A_826 = arith.constant 1280 : index
    %get3A_827 = tpu.vector_load %arg7[%get3A_826] {strides = array<i32>} : memref<4864xf32, #tpu.memory_space<vmem>>, vector<16xf32>,
    %add3A_828 = arith.addf %add3A_825, %get3A_827 : vector<16xf32>
    %get3A_829 = arith.constant 1584 : index
    %get3A_830 = tpu.vector_load %arg7[%get3A_829] {strides = array<i32>} : memref<4864xf32, #tpu.memory_space<vmem>>, vector<16xf32>,
    %add3A_831 = arith.addf %add3A_828, %get3A_830 : vector<16xf32>
    %get3A_832 = arith.constant 1888 : index
    %get3A_833 = tpu.vector_load %arg7[%get3A_832] {strides = array<i32>} : memref<4864xf32, #tpu.memory_space<vmem>>, vector<16xf32>,
    %add3A_834 = arith.addf %add3A_831, %get3A_833 : vector<16xf32>
    %get3A_835 = arith.constant 2192 : index
    %get3A_836 = tpu.vector_load %arg7[%get3A_835] {strides = array<i32>} : memref<4864xf32, #tpu.memory_space<vmem>>, vector<16xf32>,
    %add3A_837 = arith.addf %add3A_834, %get3A_836 : vector<16xf32>
    %get3A_838 = arith.constant 2496 : index
    %get3A_839 = tpu.vector_load %arg7[%get3A_838] {strides = array<i32>} : memref<4864xf32, #tpu.memory_space<vmem>>, vector<16xf32>,
    %add3A_840 = arith.addf %add3A_837, %get3A_839 : vector<16xf32>
    %get3A_841 = arith.constant 2800 : index
    %get3A_842 = tpu.vector_load %arg7[%get3A_841] {strides = array<i32>} : memref<4864xf32, #tpu.memory_space<vmem>>, vector<16xf32>,
    %add3A_843 = arith.addf %add3A_840, %get3A_842 : vector<16xf32>
    %get3A_844 = arith.constant 3104 : index
    %get3A_845 = tpu.vector_load %arg7[%get3A_844] {strides = array<i32>} : memref<4864xf32, #tpu.memory_space<vmem>>, vector<16xf32>,
    %add3A_846 = arith.addf %add3A_843, %get3A_845 : vector<16xf32>
    %get3A_847 = arith.constant 3408 : index
    %get3A_848 = tpu.vector_load %arg7[%get3A_847] {strides = array<i32>} : memref<4864xf32, #tpu.memory_space<vmem>>, vector<16xf32>,
    %add3A_849 = arith.addf %add3A_846, %get3A_848 : vector<16xf32>
    %get3A_850 = arith.constant 3712 : index
    %get3A_851 = tpu.vector_load %arg7[%get3A_850] {strides = array<i32>} : memref<4864xf32, #tpu.memory_space<vmem>>, vector<16xf32>,
    %add3A_852 = arith.addf %add3A_849, %get3A_851 : vector<16xf32>
    %get3A_853 = arith.constant 4016 : index
    %get3A_854 = tpu.vector_load %arg7[%get3A_853] {strides = array<i32>} : memref<4864xf32, #tpu.memory_space<vmem>>, vector<16xf32>,
    %add3A_855 = arith.addf %add3A_852, %get3A_854 : vector<16xf32>
    %get3A_856 = arith.constant 4320 : index
    %get3A_857 = tpu.vector_load %arg7[%get3A_856] {strides = array<i32>} : memref<4864xf32, #tpu.memory_space<vmem>>, vector<16xf32>,
    %add3A_858 = arith.addf %add3A_855, %get3A_857 : vector<16xf32>
    %get3A_859 = arith.constant 4624 : index
    %get3A_860 = tpu.vector_load %arg7[%get3A_859] {strides = array<i32>} : memref<4864xf32, #tpu.memory_space<vmem>>, vector<16xf32>,
    %add3A_861 = arith.addf %add3A_858, %get3A_860 : vector<16xf32>
    %swap3A_862 = arith.constant 64 : index
    %swap3A_863 = tpu.vector_load %arg8[%swap3A_862] {strides = array<i32>} : memref<304xf32, #tpu.memory_space<vmem>>, vector<16xf32>,
    tpu.vector_store %arg8[%swap3A_862], %add3A_861 {strides = array<i32>} : memref<304xf32, #tpu.memory_space<vmem>>, vector<16xf32>,
    %get3A_864 = arith.constant 80 : index
    %get3A_865 = tpu.vector_load %arg7[%get3A_864] {strides = array<i32>} : memref<4864xf32, #tpu.memory_space<vmem>>, vector<16xf32>,
    %get3A_866 = arith.constant 384 : index
    %get3A_867 = tpu.vector_load %arg7[%get3A_866] {strides = array<i32>} : memref<4864xf32, #tpu.memory_space<vmem>>, vector<16xf32>,
    %add3A_868 = arith.addf %get3A_865, %get3A_867 : vector<16xf32>
    %get3A_869 = arith.constant 688 : index
    %get3A_870 = tpu.vector_load %arg7[%get3A_869] {strides = array<i32>} : memref<4864xf32, #tpu.memory_space<vmem>>, vector<16xf32>,
    %add3A_871 = arith.addf %add3A_868, %get3A_870 : vector<16xf32>
    %get3A_872 = arith.constant 992 : index
    %get3A_873 = tpu.vector_load %arg7[%get3A_872] {strides = array<i32>} : memref<4864xf32, #tpu.memory_space<vmem>>, vector<16xf32>,
    %add3A_874 = arith.addf %add3A_871, %get3A_873 : vector<16xf32>
    %get3A_875 = arith.constant 1296 : index
    %get3A_876 = tpu.vector_load %arg7[%get3A_875] {strides = array<i32>} : memref<4864xf32, #tpu.memory_space<vmem>>, vector<16xf32>,
    %add3A_877 = arith.addf %add3A_874, %get3A_876 : vector<16xf32>
    %get3A_878 = arith.constant 1600 : index
    %get3A_879 = tpu.vector_load %arg7[%get3A_878] {strides = array<i32>} : memref<4864xf32, #tpu.memory_space<vmem>>, vector<16xf32>,
    %add3A_880 = arith.addf %add3A_877, %get3A_879 : vector<16xf32>
    %get3A_881 = arith.constant 1904 : index
    %get3A_882 = tpu.vector_load %arg7[%get3A_881] {strides = array<i32>} : memref<4864xf32, #tpu.memory_space<vmem>>, vector<16xf32>,
    %add3A_883 = arith.addf %add3A_880, %get3A_882 : vector<16xf32>
    %get3A_884 = arith.constant 2208 : index
    %get3A_885 = tpu.vector_load %arg7[%get3A_884] {strides = array<i32>} : memref<4864xf32, #tpu.memory_space<vmem>>, vector<16xf32>,
    %add3A_886 = arith.addf %add3A_883, %get3A_885 : vector<16xf32>
    %get3A_887 = arith.constant 2512 : index
    %get3A_888 = tpu.vector_load %arg7[%get3A_887] {strides = array<i32>} : memref<4864xf32, #tpu.memory_space<vmem>>, vector<16xf32>,
    %add3A_889 = arith.addf %add3A_886, %get3A_888 : vector<16xf32>
    %get3A_890 = arith.constant 2816 : index
    %get3A_891 = tpu.vector_load %arg7[%get3A_890] {strides = array<i32>} : memref<4864xf32, #tpu.memory_space<vmem>>, vector<16xf32>,
    %add3A_892 = arith.addf %add3A_889, %get3A_891 : vector<16xf32>
    %get3A_893 = arith.constant 3120 : index
    %get3A_894 = tpu.vector_load %arg7[%get3A_893] {strides = array<i32>} : memref<4864xf32, #tpu.memory_space<vmem>>, vector<16xf32>,
    %add3A_895 = arith.addf %add3A_892, %get3A_894 : vector<16xf32>
    %get3A_896 = arith.constant 3424 : index
    %get3A_897 = tpu.vector_load %arg7[%get3A_896] {strides = array<i32>} : memref<4864xf32, #tpu.memory_space<vmem>>, vector<16xf32>,
    %add3A_898 = arith.addf %add3A_895, %get3A_897 : vector<16xf32>
    %get3A_899 = arith.constant 3728 : index
    %get3A_900 = tpu.vector_load %arg7[%get3A_899] {strides = array<i32>} : memref<4864xf32, #tpu.memory_space<vmem>>, vector<16xf32>,
    %add3A_901 = arith.addf %add3A_898, %get3A_900 : vector<16xf32>
    %get3A_902 = arith.constant 4032 : index
    %get3A_903 = tpu.vector_load %arg7[%get3A_902] {strides = array<i32>} : memref<4864xf32, #tpu.memory_space<vmem>>, vector<16xf32>,
    %add3A_904 = arith.addf %add3A_901, %get3A_903 : vector<16xf32>
    %get3A_905 = arith.constant 4336 : index
    %get3A_906 = tpu.vector_load %arg7[%get3A_905] {strides = array<i32>} : memref<4864xf32, #tpu.memory_space<vmem>>, vector<16xf32>,
    %add3A_907 = arith.addf %add3A_904, %get3A_906 : vector<16xf32>
    %get3A_908 = arith.constant 4640 : index
    %get3A_909 = tpu.vector_load %arg7[%get3A_908] {strides = array<i32>} : memref<4864xf32, #tpu.memory_space<vmem>>, vector<16xf32>,
    %add3A_910 = arith.addf %add3A_907, %get3A_909 : vector<16xf32>
    %swap3A_911 = arith.constant 80 : index
    %swap3A_912 = tpu.vector_load %arg8[%swap3A_911] {strides = array<i32>} : memref<304xf32, #tpu.memory_space<vmem>>, vector<16xf32>,
    tpu.vector_store %arg8[%swap3A_911], %add3A_910 {strides = array<i32>} : memref<304xf32, #tpu.memory_space<vmem>>, vector<16xf32>,
    %get3A_913 = arith.constant 96 : index
    %get3A_914 = tpu.vector_load %arg7[%get3A_913] {strides = array<i32>} : memref<4864xf32, #tpu.memory_space<vmem>>, vector<16xf32>,
    %get3A_915 = arith.constant 400 : index
    %get3A_916 = tpu.vector_load %arg7[%get3A_915] {strides = array<i32>} : memref<4864xf32, #tpu.memory_space<vmem>>, vector<16xf32>,
    %add3A_917 = arith.addf %get3A_914, %get3A_916 : vector<16xf32>
    %get3A_918 = arith.constant 704 : index
    %get3A_919 = tpu.vector_load %arg7[%get3A_918] {strides = array<i32>} : memref<4864xf32, #tpu.memory_space<vmem>>, vector<16xf32>,
    %add3A_920 = arith.addf %add3A_917, %get3A_919 : vector<16xf32>
    %get3A_921 = arith.constant 1008 : index
    %get3A_922 = tpu.vector_load %arg7[%get3A_921] {strides = array<i32>} : memref<4864xf32, #tpu.memory_space<vmem>>, vector<16xf32>,
    %add3A_923 = arith.addf %add3A_920, %get3A_922 : vector<16xf32>
    %get3A_924 = arith.constant 1312 : index
    %get3A_925 = tpu.vector_load %arg7[%get3A_924] {strides = array<i32>} : memref<4864xf32, #tpu.memory_space<vmem>>, vector<16xf32>,
    %add3A_926 = arith.addf %add3A_923, %get3A_925 : vector<16xf32>
    %get3A_927 = arith.constant 1616 : index
    %get3A_928 = tpu.vector_load %arg7[%get3A_927] {strides = array<i32>} : memref<4864xf32, #tpu.memory_space<vmem>>, vector<16xf32>,
    %add3A_929 = arith.addf %add3A_926, %get3A_928 : vector<16xf32>
    %get3A_930 = arith.constant 1920 : index
    %get3A_931 = tpu.vector_load %arg7[%get3A_930] {strides = array<i32>} : memref<4864xf32, #tpu.memory_space<vmem>>, vector<16xf32>,
    %add3A_932 = arith.addf %add3A_929, %get3A_931 : vector<16xf32>
    %get3A_933 = arith.constant 2224 : index
    %get3A_934 = tpu.vector_load %arg7[%get3A_933] {strides = array<i32>} : memref<4864xf32, #tpu.memory_space<vmem>>, vector<16xf32>,
    %add3A_935 = arith.addf %add3A_932, %get3A_934 : vector<16xf32>
    %get3A_936 = arith.constant 2528 : index
    %get3A_937 = tpu.vector_load %arg7[%get3A_936] {strides = array<i32>} : memref<4864xf32, #tpu.memory_space<vmem>>, vector<16xf32>,
    %add3A_938 = arith.addf %add3A_935, %get3A_937 : vector<16xf32>
    %get3A_939 = arith.constant 2832 : index
    %get3A_940 = tpu.vector_load %arg7[%get3A_939] {strides = array<i32>} : memref<4864xf32, #tpu.memory_space<vmem>>, vector<16xf32>,
    %add3A_941 = arith.addf %add3A_938, %get3A_940 : vector<16xf32>
    %get3A_942 = arith.constant 3136 : index
    %get3A_943 = tpu.vector_load %arg7[%get3A_942] {strides = array<i32>} : memref<4864xf32, #tpu.memory_space<vmem>>, vector<16xf32>,
    %add3A_944 = arith.addf %add3A_941, %get3A_943 : vector<16xf32>
    %get3A_945 = arith.constant 3440 : index
    %get3A_946 = tpu.vector_load %arg7[%get3A_945] {strides = array<i32>} : memref<4864xf32, #tpu.memory_space<vmem>>, vector<16xf32>,
    %add3A_947 = arith.addf %add3A_944, %get3A_946 : vector<16xf32>
    %get3A_948 = arith.constant 3744 : index
    %get3A_949 = tpu.vector_load %arg7[%get3A_948] {strides = array<i32>} : memref<4864xf32, #tpu.memory_space<vmem>>, vector<16xf32>,
    %add3A_950 = arith.addf %add3A_947, %get3A_949 : vector<16xf32>
    %get3A_951 = arith.constant 4048 : index
    %get3A_952 = tpu.vector_load %arg7[%get3A_951] {strides = array<i32>} : memref<4864xf32, #tpu.memory_space<vmem>>, vector<16xf32>,
    %add3A_953 = arith.addf %add3A_950, %get3A_952 : vector<16xf32>
    %get3A_954 = arith.constant 4352 : index
    %get3A_955 = tpu.vector_load %arg7[%get3A_954] {strides = array<i32>} : memref<4864xf32, #tpu.memory_space<vmem>>, vector<16xf32>,
    %add3A_956 = arith.addf %add3A_953, %get3A_955 : vector<16xf32>
    %get3A_957 = arith.constant 4656 : index
    %get3A_958 = tpu.vector_load %arg7[%get3A_957] {strides = array<i32>} : memref<4864xf32, #tpu.memory_space<vmem>>, vector<16xf32>,
    %add3A_959 = arith.addf %add3A_956, %get3A_958 : vector<16xf32>
    %swap3A_960 = arith.constant 96 : index
    %swap3A_961 = tpu.vector_load %arg8[%swap3A_960] {strides = array<i32>} : memref<304xf32, #tpu.memory_space<vmem>>, vector<16xf32>,
    tpu.vector_store %arg8[%swap3A_960], %add3A_959 {strides = array<i32>} : memref<304xf32, #tpu.memory_space<vmem>>, vector<16xf32>,
    %get3A_962 = arith.constant 112 : index
    %get3A_963 = tpu.vector_load %arg7[%get3A_962] {strides = array<i32>} : memref<4864xf32, #tpu.memory_space<vmem>>, vector<16xf32>,
    %get3A_964 = arith.constant 416 : index
    %get3A_965 = tpu.vector_load %arg7[%get3A_964] {strides = array<i32>} : memref<4864xf32, #tpu.memory_space<vmem>>, vector<16xf32>,
    %add3A_966 = arith.addf %get3A_963, %get3A_965 : vector<16xf32>
    %get3A_967 = arith.constant 720 : index
    %get3A_968 = tpu.vector_load %arg7[%get3A_967] {strides = array<i32>} : memref<4864xf32, #tpu.memory_space<vmem>>, vector<16xf32>,
    %add3A_969 = arith.addf %add3A_966, %get3A_968 : vector<16xf32>
    %get3A_970 = arith.constant 1024 : index
    %get3A_971 = tpu.vector_load %arg7[%get3A_970] {strides = array<i32>} : memref<4864xf32, #tpu.memory_space<vmem>>, vector<16xf32>,
    %add3A_972 = arith.addf %add3A_969, %get3A_971 : vector<16xf32>
    %get3A_973 = arith.constant 1328 : index
    %get3A_974 = tpu.vector_load %arg7[%get3A_973] {strides = array<i32>} : memref<4864xf32, #tpu.memory_space<vmem>>, vector<16xf32>,
    %add3A_975 = arith.addf %add3A_972, %get3A_974 : vector<16xf32>
    %get3A_976 = arith.constant 1632 : index
    %get3A_977 = tpu.vector_load %arg7[%get3A_976] {strides = array<i32>} : memref<4864xf32, #tpu.memory_space<vmem>>, vector<16xf32>,
    %add3A_978 = arith.addf %add3A_975, %get3A_977 : vector<16xf32>
    %get3A_979 = arith.constant 1936 : index
    %get3A_980 = tpu.vector_load %arg7[%get3A_979] {strides = array<i32>} : memref<4864xf32, #tpu.memory_space<vmem>>, vector<16xf32>,
    %add3A_981 = arith.addf %add3A_978, %get3A_980 : vector<16xf32>
    %get3A_982 = arith.constant 2240 : index
    %get3A_983 = tpu.vector_load %arg7[%get3A_982] {strides = array<i32>} : memref<4864xf32, #tpu.memory_space<vmem>>, vector<16xf32>,
    %add3A_984 = arith.addf %add3A_981, %get3A_983 : vector<16xf32>
    %get3A_985 = arith.constant 2544 : index
    %get3A_986 = tpu.vector_load %arg7[%get3A_985] {strides = array<i32>} : memref<4864xf32, #tpu.memory_space<vmem>>, vector<16xf32>,
    %add3A_987 = arith.addf %add3A_984, %get3A_986 : vector<16xf32>
    %get3A_988 = arith.constant 2848 : index
    %get3A_989 = tpu.vector_load %arg7[%get3A_988] {strides = array<i32>} : memref<4864xf32, #tpu.memory_space<vmem>>, vector<16xf32>,
    %add3A_990 = arith.addf %add3A_987, %get3A_989 : vector<16xf32>
    %get3A_991 = arith.constant 3152 : index
    %get3A_992 = tpu.vector_load %arg7[%get3A_991] {strides = array<i32>} : memref<4864xf32, #tpu.memory_space<vmem>>, vector<16xf32>,
    %add3A_993 = arith.addf %add3A_990, %get3A_992 : vector<16xf32>
    %get3A_994 = arith.constant 3456 : index
    %get3A_995 = tpu.vector_load %arg7[%get3A_994] {strides = array<i32>} : memref<4864xf32, #tpu.memory_space<vmem>>, vector<16xf32>,
    %add3A_996 = arith.addf %add3A_993, %get3A_995 : vector<16xf32>
    %get3A_997 = arith.constant 3760 : index
    %get3A_998 = tpu.vector_load %arg7[%get3A_997] {strides = array<i32>} : memref<4864xf32, #tpu.memory_space<vmem>>, vector<16xf32>,
    %add3A_999 = arith.addf %add3A_996, %get3A_998 : vector<16xf32>
    %get3A_1000 = arith.constant 4064 : index
    %get3A_1001 = tpu.vector_load %arg7[%get3A_1000] {strides = array<i32>} : memref<4864xf32, #tpu.memory_space<vmem>>, vector<16xf32>,
    %add3A_1002 = arith.addf %add3A_999, %get3A_1001 : vector<16xf32>
    %get3A_1003 = arith.constant 4368 : index
    %get3A_1004 = tpu.vector_load %arg7[%get3A_1003] {strides = array<i32>} : memref<4864xf32, #tpu.memory_space<vmem>>, vector<16xf32>,
    %add3A_1005 = arith.addf %add3A_1002, %get3A_1004 : vector<16xf32>
    %get3A_1006 = arith.constant 4672 : index
    %get3A_1007 = tpu.vector_load %arg7[%get3A_1006] {strides = array<i32>} : memref<4864xf32, #tpu.memory_space<vmem>>, vector<16xf32>,
    %add3A_1008 = arith.addf %add3A_1005, %get3A_1007 : vector<16xf32>
    %swap3A_1009 = arith.constant 112 : index
    %swap3A_1010 = tpu.vector_load %arg8[%swap3A_1009] {strides = array<i32>} : memref<304xf32, #tpu.memory_space<vmem>>, vector<16xf32>,
    tpu.vector_store %arg8[%swap3A_1009], %add3A_1008 {strides = array<i32>} : memref<304xf32, #tpu.memory_space<vmem>>, vector<16xf32>,
    %get3A_1011 = arith.constant 128 : index
    %get3A_1012 = tpu.vector_load %arg7[%get3A_1011] {strides = array<i32>} : memref<4864xf32, #tpu.memory_space<vmem>>, vector<16xf32>,
    %get3A_1013 = arith.constant 432 : index
    %get3A_1014 = tpu.vector_load %arg7[%get3A_1013] {strides = array<i32>} : memref<4864xf32, #tpu.memory_space<vmem>>, vector<16xf32>,
    %add3A_1015 = arith.addf %get3A_1012, %get3A_1014 : vector<16xf32>
    %get3A_1016 = arith.constant 736 : index
    %get3A_1017 = tpu.vector_load %arg7[%get3A_1016] {strides = array<i32>} : memref<4864xf32, #tpu.memory_space<vmem>>, vector<16xf32>,
    %add3A_1018 = arith.addf %add3A_1015, %get3A_1017 : vector<16xf32>
    %get3A_1019 = arith.constant 1040 : index
    %get3A_1020 = tpu.vector_load %arg7[%get3A_1019] {strides = array<i32>} : memref<4864xf32, #tpu.memory_space<vmem>>, vector<16xf32>,
    %add3A_1021 = arith.addf %add3A_1018, %get3A_1020 : vector<16xf32>
    %get3A_1022 = arith.constant 1344 : index
    %get3A_1023 = tpu.vector_load %arg7[%get3A_1022] {strides = array<i32>} : memref<4864xf32, #tpu.memory_space<vmem>>, vector<16xf32>,
    %add3A_1024 = arith.addf %add3A_1021, %get3A_1023 : vector<16xf32>
    %get3A_1025 = arith.constant 1648 : index
    %get3A_1026 = tpu.vector_load %arg7[%get3A_1025] {strides = array<i32>} : memref<4864xf32, #tpu.memory_space<vmem>>, vector<16xf32>,
    %add3A_1027 = arith.addf %add3A_1024, %get3A_1026 : vector<16xf32>
    %get3A_1028 = arith.constant 1952 : index
    %get3A_1029 = tpu.vector_load %arg7[%get3A_1028] {strides = array<i32>} : memref<4864xf32, #tpu.memory_space<vmem>>, vector<16xf32>,
    %add3A_1030 = arith.addf %add3A_1027, %get3A_1029 : vector<16xf32>
    %get3A_1031 = arith.constant 2256 : index
    %get3A_1032 = tpu.vector_load %arg7[%get3A_1031] {strides = array<i32>} : memref<4864xf32, #tpu.memory_space<vmem>>, vector<16xf32>,
    %add3A_1033 = arith.addf %add3A_1030, %get3A_1032 : vector<16xf32>
    %get3A_1034 = arith.constant 2560 : index
    %get3A_1035 = tpu.vector_load %arg7[%get3A_1034] {strides = array<i32>} : memref<4864xf32, #tpu.memory_space<vmem>>, vector<16xf32>,
    %add3A_1036 = arith.addf %add3A_1033, %get3A_1035 : vector<16xf32>
    %get3A_1037 = arith.constant 2864 : index
    %get3A_1038 = tpu.vector_load %arg7[%get3A_1037] {strides = array<i32>} : memref<4864xf32, #tpu.memory_space<vmem>>, vector<16xf32>,
    %add3A_1039 = arith.addf %add3A_1036, %get3A_1038 : vector<16xf32>
    %get3A_1040 = arith.constant 3168 : index
    %get3A_1041 = tpu.vector_load %arg7[%get3A_1040] {strides = array<i32>} : memref<4864xf32, #tpu.memory_space<vmem>>, vector<16xf32>,
    %add3A_1042 = arith.addf %add3A_1039, %get3A_1041 : vector<16xf32>
    %get3A_1043 = arith.constant 3472 : index
    %get3A_1044 = tpu.vector_load %arg7[%get3A_1043] {strides = array<i32>} : memref<4864xf32, #tpu.memory_space<vmem>>, vector<16xf32>,
    %add3A_1045 = arith.addf %add3A_1042, %get3A_1044 : vector<16xf32>
    %get3A_1046 = arith.constant 3776 : index
    %get3A_1047 = tpu.vector_load %arg7[%get3A_1046] {strides = array<i32>} : memref<4864xf32, #tpu.memory_space<vmem>>, vector<16xf32>,
    %add3A_1048 = arith.addf %add3A_1045, %get3A_1047 : vector<16xf32>
    %get3A_1049 = arith.constant 4080 : index
    %get3A_1050 = tpu.vector_load %arg7[%get3A_1049] {strides = array<i32>} : memref<4864xf32, #tpu.memory_space<vmem>>, vector<16xf32>,
    %add3A_1051 = arith.addf %add3A_1048, %get3A_1050 : vector<16xf32>
    %get3A_1052 = arith.constant 4384 : index
    %get3A_1053 = tpu.vector_load %arg7[%get3A_1052] {strides = array<i32>} : memref<4864xf32, #tpu.memory_space<vmem>>, vector<16xf32>,
    %add3A_1054 = arith.addf %add3A_1051, %get3A_1053 : vector<16xf32>
    %get3A_1055 = arith.constant 4688 : index
    %get3A_1056 = tpu.vector_load %arg7[%get3A_1055] {strides = array<i32>} : memref<4864xf32, #tpu.memory_space<vmem>>, vector<16xf32>,
    %add3A_1057 = arith.addf %add3A_1054, %get3A_1056 : vector<16xf32>
    %swap3A_1058 = arith.constant 128 : index
    %swap3A_1059 = tpu.vector_load %arg8[%swap3A_1058] {strides = array<i32>} : memref<304xf32, #tpu.memory_space<vmem>>, vector<16xf32>,
    tpu.vector_store %arg8[%swap3A_1058], %add3A_1057 {strides = array<i32>} : memref<304xf32, #tpu.memory_space<vmem>>, vector<16xf32>,
    %get3A_1060 = arith.constant 144 : index
    %get3A_1061 = tpu.vector_load %arg7[%get3A_1060] {strides = array<i32>} : memref<4864xf32, #tpu.memory_space<vmem>>, vector<16xf32>,
    %get3A_1062 = arith.constant 448 : index
    %get3A_1063 = tpu.vector_load %arg7[%get3A_1062] {strides = array<i32>} : memref<4864xf32, #tpu.memory_space<vmem>>, vector<16xf32>,
    %add3A_1064 = arith.addf %get3A_1061, %get3A_1063 : vector<16xf32>
    %get3A_1065 = arith.constant 752 : index
    %get3A_1066 = tpu.vector_load %arg7[%get3A_1065] {strides = array<i32>} : memref<4864xf32, #tpu.memory_space<vmem>>, vector<16xf32>,
    %add3A_1067 = arith.addf %add3A_1064, %get3A_1066 : vector<16xf32>
    %get3A_1068 = arith.constant 1056 : index
    %get3A_1069 = tpu.vector_load %arg7[%get3A_1068] {strides = array<i32>} : memref<4864xf32, #tpu.memory_space<vmem>>, vector<16xf32>,
    %add3A_1070 = arith.addf %add3A_1067, %get3A_1069 : vector<16xf32>
    %get3A_1071 = arith.constant 1360 : index
    %get3A_1072 = tpu.vector_load %arg7[%get3A_1071] {strides = array<i32>} : memref<4864xf32, #tpu.memory_space<vmem>>, vector<16xf32>,
    %add3A_1073 = arith.addf %add3A_1070, %get3A_1072 : vector<16xf32>
    %get3A_1074 = arith.constant 1664 : index
    %get3A_1075 = tpu.vector_load %arg7[%get3A_1074] {strides = array<i32>} : memref<4864xf32, #tpu.memory_space<vmem>>, vector<16xf32>,
    %add3A_1076 = arith.addf %add3A_1073, %get3A_1075 : vector<16xf32>
    %get3A_1077 = arith.constant 1968 : index
    %get3A_1078 = tpu.vector_load %arg7[%get3A_1077] {strides = array<i32>} : memref<4864xf32, #tpu.memory_space<vmem>>, vector<16xf32>,
    %add3A_1079 = arith.addf %add3A_1076, %get3A_1078 : vector<16xf32>
    %get3A_1080 = arith.constant 2272 : index
    %get3A_1081 = tpu.vector_load %arg7[%get3A_1080] {strides = array<i32>} : memref<4864xf32, #tpu.memory_space<vmem>>, vector<16xf32>,
    %add3A_1082 = arith.addf %add3A_1079, %get3A_1081 : vector<16xf32>
    %get3A_1083 = arith.constant 2576 : index
    %get3A_1084 = tpu.vector_load %arg7[%get3A_1083] {strides = array<i32>} : memref<4864xf32, #tpu.memory_space<vmem>>, vector<16xf32>,
    %add3A_1085 = arith.addf %add3A_1082, %get3A_1084 : vector<16xf32>
    %get3A_1086 = arith.constant 2880 : index
    %get3A_1087 = tpu.vector_load %arg7[%get3A_1086] {strides = array<i32>} : memref<4864xf32, #tpu.memory_space<vmem>>, vector<16xf32>,
    %add3A_1088 = arith.addf %add3A_1085, %get3A_1087 : vector<16xf32>
    %get3A_1089 = arith.constant 3184 : index
    %get3A_1090 = tpu.vector_load %arg7[%get3A_1089] {strides = array<i32>} : memref<4864xf32, #tpu.memory_space<vmem>>, vector<16xf32>,
    %add3A_1091 = arith.addf %add3A_1088, %get3A_1090 : vector<16xf32>
    %get3A_1092 = arith.constant 3488 : index
    %get3A_1093 = tpu.vector_load %arg7[%get3A_1092] {strides = array<i32>} : memref<4864xf32, #tpu.memory_space<vmem>>, vector<16xf32>,
    %add3A_1094 = arith.addf %add3A_1091, %get3A_1093 : vector<16xf32>
    %get3A_1095 = arith.constant 3792 : index
    %get3A_1096 = tpu.vector_load %arg7[%get3A_1095] {strides = array<i32>} : memref<4864xf32, #tpu.memory_space<vmem>>, vector<16xf32>,
    %add3A_1097 = arith.addf %add3A_1094, %get3A_1096 : vector<16xf32>
    %get3A_1098 = arith.constant 4096 : index
    %get3A_1099 = tpu.vector_load %arg7[%get3A_1098] {strides = array<i32>} : memref<4864xf32, #tpu.memory_space<vmem>>, vector<16xf32>,
    %add3A_1100 = arith.addf %add3A_1097, %get3A_1099 : vector<16xf32>
    %get3A_1101 = arith.constant 4400 : index
    %get3A_1102 = tpu.vector_load %arg7[%get3A_1101] {strides = array<i32>} : memref<4864xf32, #tpu.memory_space<vmem>>, vector<16xf32>,
    %add3A_1103 = arith.addf %add3A_1100, %get3A_1102 : vector<16xf32>
    %get3A_1104 = arith.constant 4704 : index
    %get3A_1105 = tpu.vector_load %arg7[%get3A_1104] {strides = array<i32>} : memref<4864xf32, #tpu.memory_space<vmem>>, vector<16xf32>,
    %add3A_1106 = arith.addf %add3A_1103, %get3A_1105 : vector<16xf32>
    %swap3A_1107 = arith.constant 144 : index
    %swap3A_1108 = tpu.vector_load %arg8[%swap3A_1107] {strides = array<i32>} : memref<304xf32, #tpu.memory_space<vmem>>, vector<16xf32>,
    tpu.vector_store %arg8[%swap3A_1107], %add3A_1106 {strides = array<i32>} : memref<304xf32, #tpu.memory_space<vmem>>, vector<16xf32>,
    %get3A_1109 = arith.constant 160 : index
    %get3A_1110 = tpu.vector_load %arg7[%get3A_1109] {strides = array<i32>} : memref<4864xf32, #tpu.memory_space<vmem>>, vector<16xf32>,
    %get3A_1111 = arith.constant 464 : index
    %get3A_1112 = tpu.vector_load %arg7[%get3A_1111] {strides = array<i32>} : memref<4864xf32, #tpu.memory_space<vmem>>, vector<16xf32>,
    %add3A_1113 = arith.addf %get3A_1110, %get3A_1112 : vector<16xf32>
    %get3A_1114 = arith.constant 768 : index
    %get3A_1115 = tpu.vector_load %arg7[%get3A_1114] {strides = array<i32>} : memref<4864xf32, #tpu.memory_space<vmem>>, vector<16xf32>,
    %add3A_1116 = arith.addf %add3A_1113, %get3A_1115 : vector<16xf32>
    %get3A_1117 = arith.constant 1072 : index
    %get3A_1118 = tpu.vector_load %arg7[%get3A_1117] {strides = array<i32>} : memref<4864xf32, #tpu.memory_space<vmem>>, vector<16xf32>,
    %add3A_1119 = arith.addf %add3A_1116, %get3A_1118 : vector<16xf32>
    %get3A_1120 = arith.constant 1376 : index
    %get3A_1121 = tpu.vector_load %arg7[%get3A_1120] {strides = array<i32>} : memref<4864xf32, #tpu.memory_space<vmem>>, vector<16xf32>,
    %add3A_1122 = arith.addf %add3A_1119, %get3A_1121 : vector<16xf32>
    %get3A_1123 = arith.constant 1680 : index
    %get3A_1124 = tpu.vector_load %arg7[%get3A_1123] {strides = array<i32>} : memref<4864xf32, #tpu.memory_space<vmem>>, vector<16xf32>,
    %add3A_1125 = arith.addf %add3A_1122, %get3A_1124 : vector<16xf32>
    %get3A_1126 = arith.constant 1984 : index
    %get3A_1127 = tpu.vector_load %arg7[%get3A_1126] {strides = array<i32>} : memref<4864xf32, #tpu.memory_space<vmem>>, vector<16xf32>,
    %add3A_1128 = arith.addf %add3A_1125, %get3A_1127 : vector<16xf32>
    %get3A_1129 = arith.constant 2288 : index
    %get3A_1130 = tpu.vector_load %arg7[%get3A_1129] {strides = array<i32>} : memref<4864xf32, #tpu.memory_space<vmem>>, vector<16xf32>,
    %add3A_1131 = arith.addf %add3A_1128, %get3A_1130 : vector<16xf32>
    %get3A_1132 = arith.constant 2592 : index
    %get3A_1133 = tpu.vector_load %arg7[%get3A_1132] {strides = array<i32>} : memref<4864xf32, #tpu.memory_space<vmem>>, vector<16xf32>,
    %add3A_1134 = arith.addf %add3A_1131, %get3A_1133 : vector<16xf32>
    %get3A_1135 = arith.constant 2896 : index
    %get3A_1136 = tpu.vector_load %arg7[%get3A_1135] {strides = array<i32>} : memref<4864xf32, #tpu.memory_space<vmem>>, vector<16xf32>,
    %add3A_1137 = arith.addf %add3A_1134, %get3A_1136 : vector<16xf32>
    %get3A_1138 = arith.constant 3200 : index
    %get3A_1139 = tpu.vector_load %arg7[%get3A_1138] {strides = array<i32>} : memref<4864xf32, #tpu.memory_space<vmem>>, vector<16xf32>,
    %add3A_1140 = arith.addf %add3A_1137, %get3A_1139 : vector<16xf32>
    %get3A_1141 = arith.constant 3504 : index
    %get3A_1142 = tpu.vector_load %arg7[%get3A_1141] {strides = array<i32>} : memref<4864xf32, #tpu.memory_space<vmem>>, vector<16xf32>,
    %add3A_1143 = arith.addf %add3A_1140, %get3A_1142 : vector<16xf32>
    %get3A_1144 = arith.constant 3808 : index
    %get3A_1145 = tpu.vector_load %arg7[%get3A_1144] {strides = array<i32>} : memref<4864xf32, #tpu.memory_space<vmem>>, vector<16xf32>,
    %add3A_1146 = arith.addf %add3A_1143, %get3A_1145 : vector<16xf32>
    %get3A_1147 = arith.constant 4112 : index
    %get3A_1148 = tpu.vector_load %arg7[%get3A_1147] {strides = array<i32>} : memref<4864xf32, #tpu.memory_space<vmem>>, vector<16xf32>,
    %add3A_1149 = arith.addf %add3A_1146, %get3A_1148 : vector<16xf32>
    %get3A_1150 = arith.constant 4416 : index
    %get3A_1151 = tpu.vector_load %arg7[%get3A_1150] {strides = array<i32>} : memref<4864xf32, #tpu.memory_space<vmem>>, vector<16xf32>,
    %add3A_1152 = arith.addf %add3A_1149, %get3A_1151 : vector<16xf32>
    %get3A_1153 = arith.constant 4720 : index
    %get3A_1154 = tpu.vector_load %arg7[%get3A_1153] {strides = array<i32>} : memref<4864xf32, #tpu.memory_space<vmem>>, vector<16xf32>,
    %add3A_1155 = arith.addf %add3A_1152, %get3A_1154 : vector<16xf32>
    %swap3A_1156 = arith.constant 160 : index
    %swap3A_1157 = tpu.vector_load %arg8[%swap3A_1156] {strides = array<i32>} : memref<304xf32, #tpu.memory_space<vmem>>, vector<16xf32>,
    tpu.vector_store %arg8[%swap3A_1156], %add3A_1155 {strides = array<i32>} : memref<304xf32, #tpu.memory_space<vmem>>, vector<16xf32>,
    %get3A_1158 = arith.constant 176 : index
    %get3A_1159 = tpu.vector_load %arg7[%get3A_1158] {strides = array<i32>} : memref<4864xf32, #tpu.memory_space<vmem>>, vector<16xf32>,
    %get3A_1160 = arith.constant 480 : index
    %get3A_1161 = tpu.vector_load %arg7[%get3A_1160] {strides = array<i32>} : memref<4864xf32, #tpu.memory_space<vmem>>, vector<16xf32>,
    %add3A_1162 = arith.addf %get3A_1159, %get3A_1161 : vector<16xf32>
    %get3A_1163 = arith.constant 784 : index
    %get3A_1164 = tpu.vector_load %arg7[%get3A_1163] {strides = array<i32>} : memref<4864xf32, #tpu.memory_space<vmem>>, vector<16xf32>,
    %add3A_1165 = arith.addf %add3A_1162, %get3A_1164 : vector<16xf32>
    %get3A_1166 = arith.constant 1088 : index
    %get3A_1167 = tpu.vector_load %arg7[%get3A_1166] {strides = array<i32>} : memref<4864xf32, #tpu.memory_space<vmem>>, vector<16xf32>,
    %add3A_1168 = arith.addf %add3A_1165, %get3A_1167 : vector<16xf32>
    %get3A_1169 = arith.constant 1392 : index
    %get3A_1170 = tpu.vector_load %arg7[%get3A_1169] {strides = array<i32>} : memref<4864xf32, #tpu.memory_space<vmem>>, vector<16xf32>,
    %add3A_1171 = arith.addf %add3A_1168, %get3A_1170 : vector<16xf32>
    %get3A_1172 = arith.constant 1696 : index
    %get3A_1173 = tpu.vector_load %arg7[%get3A_1172] {strides = array<i32>} : memref<4864xf32, #tpu.memory_space<vmem>>, vector<16xf32>,
    %add3A_1174 = arith.addf %add3A_1171, %get3A_1173 : vector<16xf32>
    %get3A_1175 = arith.constant 2000 : index
    %get3A_1176 = tpu.vector_load %arg7[%get3A_1175] {strides = array<i32>} : memref<4864xf32, #tpu.memory_space<vmem>>, vector<16xf32>,
    %add3A_1177 = arith.addf %add3A_1174, %get3A_1176 : vector<16xf32>
    %get3A_1178 = arith.constant 2304 : index
    %get3A_1179 = tpu.vector_load %arg7[%get3A_1178] {strides = array<i32>} : memref<4864xf32, #tpu.memory_space<vmem>>, vector<16xf32>,
    %add3A_1180 = arith.addf %add3A_1177, %get3A_1179 : vector<16xf32>
    %get3A_1181 = arith.constant 2608 : index
    %get3A_1182 = tpu.vector_load %arg7[%get3A_1181] {strides = array<i32>} : memref<4864xf32, #tpu.memory_space<vmem>>, vector<16xf32>,
    %add3A_1183 = arith.addf %add3A_1180, %get3A_1182 : vector<16xf32>
    %get3A_1184 = arith.constant 2912 : index
    %get3A_1185 = tpu.vector_load %arg7[%get3A_1184] {strides = array<i32>} : memref<4864xf32, #tpu.memory_space<vmem>>, vector<16xf32>,
    %add3A_1186 = arith.addf %add3A_1183, %get3A_1185 : vector<16xf32>
    %get3A_1187 = arith.constant 3216 : index
    %get3A_1188 = tpu.vector_load %arg7[%get3A_1187] {strides = array<i32>} : memref<4864xf32, #tpu.memory_space<vmem>>, vector<16xf32>,
    %add3A_1189 = arith.addf %add3A_1186, %get3A_1188 : vector<16xf32>
    %get3A_1190 = arith.constant 3520 : index
    %get3A_1191 = tpu.vector_load %arg7[%get3A_1190] {strides = array<i32>} : memref<4864xf32, #tpu.memory_space<vmem>>, vector<16xf32>,
    %add3A_1192 = arith.addf %add3A_1189, %get3A_1191 : vector<16xf32>
    %get3A_1193 = arith.constant 3824 : index
    %get3A_1194 = tpu.vector_load %arg7[%get3A_1193] {strides = array<i32>} : memref<4864xf32, #tpu.memory_space<vmem>>, vector<16xf32>,
    %add3A_1195 = arith.addf %add3A_1192, %get3A_1194 : vector<16xf32>
    %get3A_1196 = arith.constant 4128 : index
    %get3A_1197 = tpu.vector_load %arg7[%get3A_1196] {strides = array<i32>} : memref<4864xf32, #tpu.memory_space<vmem>>, vector<16xf32>,
    %add3A_1198 = arith.addf %add3A_1195, %get3A_1197 : vector<16xf32>
    %get3A_1199 = arith.constant 4432 : index
    %get3A_1200 = tpu.vector_load %arg7[%get3A_1199] {strides = array<i32>} : memref<4864xf32, #tpu.memory_space<vmem>>, vector<16xf32>,
    %add3A_1201 = arith.addf %add3A_1198, %get3A_1200 : vector<16xf32>
    %get3A_1202 = arith.constant 4736 : index
    %get3A_1203 = tpu.vector_load %arg7[%get3A_1202] {strides = array<i32>} : memref<4864xf32, #tpu.memory_space<vmem>>, vector<16xf32>,
    %add3A_1204 = arith.addf %add3A_1201, %get3A_1203 : vector<16xf32>
    %swap3A_1205 = arith.constant 176 : index
    %swap3A_1206 = tpu.vector_load %arg8[%swap3A_1205] {strides = array<i32>} : memref<304xf32, #tpu.memory_space<vmem>>, vector<16xf32>,
    tpu.vector_store %arg8[%swap3A_1205], %add3A_1204 {strides = array<i32>} : memref<304xf32, #tpu.memory_space<vmem>>, vector<16xf32>,
    %get3A_1207 = arith.constant 192 : index
    %get3A_1208 = tpu.vector_load %arg7[%get3A_1207] {strides = array<i32>} : memref<4864xf32, #tpu.memory_space<vmem>>, vector<16xf32>,
    %get3A_1209 = arith.constant 496 : index
    %get3A_1210 = tpu.vector_load %arg7[%get3A_1209] {strides = array<i32>} : memref<4864xf32, #tpu.memory_space<vmem>>, vector<16xf32>,
    %add3A_1211 = arith.addf %get3A_1208, %get3A_1210 : vector<16xf32>
    %get3A_1212 = arith.constant 800 : index
    %get3A_1213 = tpu.vector_load %arg7[%get3A_1212] {strides = array<i32>} : memref<4864xf32, #tpu.memory_space<vmem>>, vector<16xf32>,
    %add3A_1214 = arith.addf %add3A_1211, %get3A_1213 : vector<16xf32>
    %get3A_1215 = arith.constant 1104 : index
    %get3A_1216 = tpu.vector_load %arg7[%get3A_1215] {strides = array<i32>} : memref<4864xf32, #tpu.memory_space<vmem>>, vector<16xf32>,
    %add3A_1217 = arith.addf %add3A_1214, %get3A_1216 : vector<16xf32>
    %get3A_1218 = arith.constant 1408 : index
    %get3A_1219 = tpu.vector_load %arg7[%get3A_1218] {strides = array<i32>} : memref<4864xf32, #tpu.memory_space<vmem>>, vector<16xf32>,
    %add3A_1220 = arith.addf %add3A_1217, %get3A_1219 : vector<16xf32>
    %get3A_1221 = arith.constant 1712 : index
    %get3A_1222 = tpu.vector_load %arg7[%get3A_1221] {strides = array<i32>} : memref<4864xf32, #tpu.memory_space<vmem>>, vector<16xf32>,
    %add3A_1223 = arith.addf %add3A_1220, %get3A_1222 : vector<16xf32>
    %get3A_1224 = arith.constant 2016 : index
    %get3A_1225 = tpu.vector_load %arg7[%get3A_1224] {strides = array<i32>} : memref<4864xf32, #tpu.memory_space<vmem>>, vector<16xf32>,
    %add3A_1226 = arith.addf %add3A_1223, %get3A_1225 : vector<16xf32>
    %get3A_1227 = arith.constant 2320 : index
    %get3A_1228 = tpu.vector_load %arg7[%get3A_1227] {strides = array<i32>} : memref<4864xf32, #tpu.memory_space<vmem>>, vector<16xf32>,
    %add3A_1229 = arith.addf %add3A_1226, %get3A_1228 : vector<16xf32>
    %get3A_1230 = arith.constant 2624 : index
    %get3A_1231 = tpu.vector_load %arg7[%get3A_1230] {strides = array<i32>} : memref<4864xf32, #tpu.memory_space<vmem>>, vector<16xf32>,
    %add3A_1232 = arith.addf %add3A_1229, %get3A_1231 : vector<16xf32>
    %get3A_1233 = arith.constant 2928 : index
    %get3A_1234 = tpu.vector_load %arg7[%get3A_1233] {strides = array<i32>} : memref<4864xf32, #tpu.memory_space<vmem>>, vector<16xf32>,
    %add3A_1235 = arith.addf %add3A_1232, %get3A_1234 : vector<16xf32>
    %get3A_1236 = arith.constant 3232 : index
    %get3A_1237 = tpu.vector_load %arg7[%get3A_1236] {strides = array<i32>} : memref<4864xf32, #tpu.memory_space<vmem>>, vector<16xf32>,
    %add3A_1238 = arith.addf %add3A_1235, %get3A_1237 : vector<16xf32>
    %get3A_1239 = arith.constant 3536 : index
    %get3A_1240 = tpu.vector_load %arg7[%get3A_1239] {strides = array<i32>} : memref<4864xf32, #tpu.memory_space<vmem>>, vector<16xf32>,
    %add3A_1241 = arith.addf %add3A_1238, %get3A_1240 : vector<16xf32>
    %get3A_1242 = arith.constant 3840 : index
    %get3A_1243 = tpu.vector_load %arg7[%get3A_1242] {strides = array<i32>} : memref<4864xf32, #tpu.memory_space<vmem>>, vector<16xf32>,
    %add3A_1244 = arith.addf %add3A_1241, %get3A_1243 : vector<16xf32>
    %get3A_1245 = arith.constant 4144 : index
    %get3A_1246 = tpu.vector_load %arg7[%get3A_1245] {strides = array<i32>} : memref<4864xf32, #tpu.memory_space<vmem>>, vector<16xf32>,
    %add3A_1247 = arith.addf %add3A_1244, %get3A_1246 : vector<16xf32>
    %get3A_1248 = arith.constant 4448 : index
    %get3A_1249 = tpu.vector_load %arg7[%get3A_1248] {strides = array<i32>} : memref<4864xf32, #tpu.memory_space<vmem>>, vector<16xf32>,
    %add3A_1250 = arith.addf %add3A_1247, %get3A_1249 : vector<16xf32>
    %get3A_1251 = arith.constant 4752 : index
    %get3A_1252 = tpu.vector_load %arg7[%get3A_1251] {strides = array<i32>} : memref<4864xf32, #tpu.memory_space<vmem>>, vector<16xf32>,
    %add3A_1253 = arith.addf %add3A_1250, %get3A_1252 : vector<16xf32>
    %swap3A_1254 = arith.constant 192 : index
    %swap3A_1255 = tpu.vector_load %arg8[%swap3A_1254] {strides = array<i32>} : memref<304xf32, #tpu.memory_space<vmem>>, vector<16xf32>,
    tpu.vector_store %arg8[%swap3A_1254], %add3A_1253 {strides = array<i32>} : memref<304xf32, #tpu.memory_space<vmem>>, vector<16xf32>,
    %get3A_1256 = arith.constant 208 : index
    %get3A_1257 = tpu.vector_load %arg7[%get3A_1256] {strides = array<i32>} : memref<4864xf32, #tpu.memory_space<vmem>>, vector<16xf32>,
    %get3A_1258 = arith.constant 512 : index
    %get3A_1259 = tpu.vector_load %arg7[%get3A_1258] {strides = array<i32>} : memref<4864xf32, #tpu.memory_space<vmem>>, vector<16xf32>,
    %add3A_1260 = arith.addf %get3A_1257, %get3A_1259 : vector<16xf32>
    %get3A_1261 = arith.constant 816 : index
    %get3A_1262 = tpu.vector_load %arg7[%get3A_1261] {strides = array<i32>} : memref<4864xf32, #tpu.memory_space<vmem>>, vector<16xf32>,
    %add3A_1263 = arith.addf %add3A_1260, %get3A_1262 : vector<16xf32>
    %get3A_1264 = arith.constant 1120 : index
    %get3A_1265 = tpu.vector_load %arg7[%get3A_1264] {strides = array<i32>} : memref<4864xf32, #tpu.memory_space<vmem>>, vector<16xf32>,
    %add3A_1266 = arith.addf %add3A_1263, %get3A_1265 : vector<16xf32>
    %get3A_1267 = arith.constant 1424 : index
    %get3A_1268 = tpu.vector_load %arg7[%get3A_1267] {strides = array<i32>} : memref<4864xf32, #tpu.memory_space<vmem>>, vector<16xf32>,
    %add3A_1269 = arith.addf %add3A_1266, %get3A_1268 : vector<16xf32>
    %get3A_1270 = arith.constant 1728 : index
    %get3A_1271 = tpu.vector_load %arg7[%get3A_1270] {strides = array<i32>} : memref<4864xf32, #tpu.memory_space<vmem>>, vector<16xf32>,
    %add3A_1272 = arith.addf %add3A_1269, %get3A_1271 : vector<16xf32>
    %get3A_1273 = arith.constant 2032 : index
    %get3A_1274 = tpu.vector_load %arg7[%get3A_1273] {strides = array<i32>} : memref<4864xf32, #tpu.memory_space<vmem>>, vector<16xf32>,
    %add3A_1275 = arith.addf %add3A_1272, %get3A_1274 : vector<16xf32>
    %get3A_1276 = arith.constant 2336 : index
    %get3A_1277 = tpu.vector_load %arg7[%get3A_1276] {strides = array<i32>} : memref<4864xf32, #tpu.memory_space<vmem>>, vector<16xf32>,
    %add3A_1278 = arith.addf %add3A_1275, %get3A_1277 : vector<16xf32>
    %get3A_1279 = arith.constant 2640 : index
    %get3A_1280 = tpu.vector_load %arg7[%get3A_1279] {strides = array<i32>} : memref<4864xf32, #tpu.memory_space<vmem>>, vector<16xf32>,
    %add3A_1281 = arith.addf %add3A_1278, %get3A_1280 : vector<16xf32>
    %get3A_1282 = arith.constant 2944 : index
    %get3A_1283 = tpu.vector_load %arg7[%get3A_1282] {strides = array<i32>} : memref<4864xf32, #tpu.memory_space<vmem>>, vector<16xf32>,
    %add3A_1284 = arith.addf %add3A_1281, %get3A_1283 : vector<16xf32>
    %get3A_1285 = arith.constant 3248 : index
    %get3A_1286 = tpu.vector_load %arg7[%get3A_1285] {strides = array<i32>} : memref<4864xf32, #tpu.memory_space<vmem>>, vector<16xf32>,
    %add3A_1287 = arith.addf %add3A_1284, %get3A_1286 : vector<16xf32>
    %get3A_1288 = arith.constant 3552 : index
    %get3A_1289 = tpu.vector_load %arg7[%get3A_1288] {strides = array<i32>} : memref<4864xf32, #tpu.memory_space<vmem>>, vector<16xf32>,
    %add3A_1290 = arith.addf %add3A_1287, %get3A_1289 : vector<16xf32>
    %get3A_1291 = arith.constant 3856 : index
    %get3A_1292 = tpu.vector_load %arg7[%get3A_1291] {strides = array<i32>} : memref<4864xf32, #tpu.memory_space<vmem>>, vector<16xf32>,
    %add3A_1293 = arith.addf %add3A_1290, %get3A_1292 : vector<16xf32>
    %get3A_1294 = arith.constant 4160 : index
    %get3A_1295 = tpu.vector_load %arg7[%get3A_1294] {strides = array<i32>} : memref<4864xf32, #tpu.memory_space<vmem>>, vector<16xf32>,
    %add3A_1296 = arith.addf %add3A_1293, %get3A_1295 : vector<16xf32>
    %get3A_1297 = arith.constant 4464 : index
    %get3A_1298 = tpu.vector_load %arg7[%get3A_1297] {strides = array<i32>} : memref<4864xf32, #tpu.memory_space<vmem>>, vector<16xf32>,
    %add3A_1299 = arith.addf %add3A_1296, %get3A_1298 : vector<16xf32>
    %get3A_1300 = arith.constant 4768 : index
    %get3A_1301 = tpu.vector_load %arg7[%get3A_1300] {strides = array<i32>} : memref<4864xf32, #tpu.memory_space<vmem>>, vector<16xf32>,
    %add3A_1302 = arith.addf %add3A_1299, %get3A_1301 : vector<16xf32>
    %swap3A_1303 = arith.constant 208 : index
    %swap3A_1304 = tpu.vector_load %arg8[%swap3A_1303] {strides = array<i32>} : memref<304xf32, #tpu.memory_space<vmem>>, vector<16xf32>,
    tpu.vector_store %arg8[%swap3A_1303], %add3A_1302 {strides = array<i32>} : memref<304xf32, #tpu.memory_space<vmem>>, vector<16xf32>,
    %get3A_1305 = arith.constant 224 : index
    %get3A_1306 = tpu.vector_load %arg7[%get3A_1305] {strides = array<i32>} : memref<4864xf32, #tpu.memory_space<vmem>>, vector<16xf32>,
    %get3A_1307 = arith.constant 528 : index
    %get3A_1308 = tpu.vector_load %arg7[%get3A_1307] {strides = array<i32>} : memref<4864xf32, #tpu.memory_space<vmem>>, vector<16xf32>,
    %add3A_1309 = arith.addf %get3A_1306, %get3A_1308 : vector<16xf32>
    %get3A_1310 = arith.constant 832 : index
    %get3A_1311 = tpu.vector_load %arg7[%get3A_1310] {strides = array<i32>} : memref<4864xf32, #tpu.memory_space<vmem>>, vector<16xf32>,
    %add3A_1312 = arith.addf %add3A_1309, %get3A_1311 : vector<16xf32>
    %get3A_1313 = arith.constant 1136 : index
    %get3A_1314 = tpu.vector_load %arg7[%get3A_1313] {strides = array<i32>} : memref<4864xf32, #tpu.memory_space<vmem>>, vector<16xf32>,
    %add3A_1315 = arith.addf %add3A_1312, %get3A_1314 : vector<16xf32>
    %get3A_1316 = arith.constant 1440 : index
    %get3A_1317 = tpu.vector_load %arg7[%get3A_1316] {strides = array<i32>} : memref<4864xf32, #tpu.memory_space<vmem>>, vector<16xf32>,
    %add3A_1318 = arith.addf %add3A_1315, %get3A_1317 : vector<16xf32>
    %get3A_1319 = arith.constant 1744 : index
    %get3A_1320 = tpu.vector_load %arg7[%get3A_1319] {strides = array<i32>} : memref<4864xf32, #tpu.memory_space<vmem>>, vector<16xf32>,
    %add3A_1321 = arith.addf %add3A_1318, %get3A_1320 : vector<16xf32>
    %get3A_1322 = arith.constant 2048 : index
    %get3A_1323 = tpu.vector_load %arg7[%get3A_1322] {strides = array<i32>} : memref<4864xf32, #tpu.memory_space<vmem>>, vector<16xf32>,
    %add3A_1324 = arith.addf %add3A_1321, %get3A_1323 : vector<16xf32>
    %get3A_1325 = arith.constant 2352 : index
    %get3A_1326 = tpu.vector_load %arg7[%get3A_1325] {strides = array<i32>} : memref<4864xf32, #tpu.memory_space<vmem>>, vector<16xf32>,
    %add3A_1327 = arith.addf %add3A_1324, %get3A_1326 : vector<16xf32>
    %get3A_1328 = arith.constant 2656 : index
    %get3A_1329 = tpu.vector_load %arg7[%get3A_1328] {strides = array<i32>} : memref<4864xf32, #tpu.memory_space<vmem>>, vector<16xf32>,
    %add3A_1330 = arith.addf %add3A_1327, %get3A_1329 : vector<16xf32>
    %get3A_1331 = arith.constant 2960 : index
    %get3A_1332 = tpu.vector_load %arg7[%get3A_1331] {strides = array<i32>} : memref<4864xf32, #tpu.memory_space<vmem>>, vector<16xf32>,
    %add3A_1333 = arith.addf %add3A_1330, %get3A_1332 : vector<16xf32>
    %get3A_1334 = arith.constant 3264 : index
    %get3A_1335 = tpu.vector_load %arg7[%get3A_1334] {strides = array<i32>} : memref<4864xf32, #tpu.memory_space<vmem>>, vector<16xf32>,
    %add3A_1336 = arith.addf %add3A_1333, %get3A_1335 : vector<16xf32>
    %get3A_1337 = arith.constant 3568 : index
    %get3A_1338 = tpu.vector_load %arg7[%get3A_1337] {strides = array<i32>} : memref<4864xf32, #tpu.memory_space<vmem>>, vector<16xf32>,
    %add3A_1339 = arith.addf %add3A_1336, %get3A_1338 : vector<16xf32>
    %get3A_1340 = arith.constant 3872 : index
    %get3A_1341 = tpu.vector_load %arg7[%get3A_1340] {strides = array<i32>} : memref<4864xf32, #tpu.memory_space<vmem>>, vector<16xf32>,
    %add3A_1342 = arith.addf %add3A_1339, %get3A_1341 : vector<16xf32>
    %get3A_1343 = arith.constant 4176 : index
    %get3A_1344 = tpu.vector_load %arg7[%get3A_1343] {strides = array<i32>} : memref<4864xf32, #tpu.memory_space<vmem>>, vector<16xf32>,
    %add3A_1345 = arith.addf %add3A_1342, %get3A_1344 : vector<16xf32>
    %get3A_1346 = arith.constant 4480 : index
    %get3A_1347 = tpu.vector_load %arg7[%get3A_1346] {strides = array<i32>} : memref<4864xf32, #tpu.memory_space<vmem>>, vector<16xf32>,
    %add3A_1348 = arith.addf %add3A_1345, %get3A_1347 : vector<16xf32>
    %get3A_1349 = arith.constant 4784 : index
    %get3A_1350 = tpu.vector_load %arg7[%get3A_1349] {strides = array<i32>} : memref<4864xf32, #tpu.memory_space<vmem>>, vector<16xf32>,
    %add3A_1351 = arith.addf %add3A_1348, %get3A_1350 : vector<16xf32>
    %swap3A_1352 = arith.constant 224 : index
    %swap3A_1353 = tpu.vector_load %arg8[%swap3A_1352] {strides = array<i32>} : memref<304xf32, #tpu.memory_space<vmem>>, vector<16xf32>,
    tpu.vector_store %arg8[%swap3A_1352], %add3A_1351 {strides = array<i32>} : memref<304xf32, #tpu.memory_space<vmem>>, vector<16xf32>,
    %get3A_1354 = arith.constant 240 : index
    %get3A_1355 = tpu.vector_load %arg7[%get3A_1354] {strides = array<i32>} : memref<4864xf32, #tpu.memory_space<vmem>>, vector<16xf32>,
    %get3A_1356 = arith.constant 544 : index
    %get3A_1357 = tpu.vector_load %arg7[%get3A_1356] {strides = array<i32>} : memref<4864xf32, #tpu.memory_space<vmem>>, vector<16xf32>,
    %add3A_1358 = arith.addf %get3A_1355, %get3A_1357 : vector<16xf32>
    %get3A_1359 = arith.constant 848 : index
    %get3A_1360 = tpu.vector_load %arg7[%get3A_1359] {strides = array<i32>} : memref<4864xf32, #tpu.memory_space<vmem>>, vector<16xf32>,
    %add3A_1361 = arith.addf %add3A_1358, %get3A_1360 : vector<16xf32>
    %get3A_1362 = arith.constant 1152 : index
    %get3A_1363 = tpu.vector_load %arg7[%get3A_1362] {strides = array<i32>} : memref<4864xf32, #tpu.memory_space<vmem>>, vector<16xf32>,
    %add3A_1364 = arith.addf %add3A_1361, %get3A_1363 : vector<16xf32>
    %get3A_1365 = arith.constant 1456 : index
    %get3A_1366 = tpu.vector_load %arg7[%get3A_1365] {strides = array<i32>} : memref<4864xf32, #tpu.memory_space<vmem>>, vector<16xf32>,
    %add3A_1367 = arith.addf %add3A_1364, %get3A_1366 : vector<16xf32>
    %get3A_1368 = arith.constant 1760 : index
    %get3A_1369 = tpu.vector_load %arg7[%get3A_1368] {strides = array<i32>} : memref<4864xf32, #tpu.memory_space<vmem>>, vector<16xf32>,
    %add3A_1370 = arith.addf %add3A_1367, %get3A_1369 : vector<16xf32>
    %get3A_1371 = arith.constant 2064 : index
    %get3A_1372 = tpu.vector_load %arg7[%get3A_1371] {strides = array<i32>} : memref<4864xf32, #tpu.memory_space<vmem>>, vector<16xf32>,
    %add3A_1373 = arith.addf %add3A_1370, %get3A_1372 : vector<16xf32>
    %get3A_1374 = arith.constant 2368 : index
    %get3A_1375 = tpu.vector_load %arg7[%get3A_1374] {strides = array<i32>} : memref<4864xf32, #tpu.memory_space<vmem>>, vector<16xf32>,
    %add3A_1376 = arith.addf %add3A_1373, %get3A_1375 : vector<16xf32>
    %get3A_1377 = arith.constant 2672 : index
    %get3A_1378 = tpu.vector_load %arg7[%get3A_1377] {strides = array<i32>} : memref<4864xf32, #tpu.memory_space<vmem>>, vector<16xf32>,
    %add3A_1379 = arith.addf %add3A_1376, %get3A_1378 : vector<16xf32>
    %get3A_1380 = arith.constant 2976 : index
    %get3A_1381 = tpu.vector_load %arg7[%get3A_1380] {strides = array<i32>} : memref<4864xf32, #tpu.memory_space<vmem>>, vector<16xf32>,
    %add3A_1382 = arith.addf %add3A_1379, %get3A_1381 : vector<16xf32>
    %get3A_1383 = arith.constant 3280 : index
    %get3A_1384 = tpu.vector_load %arg7[%get3A_1383] {strides = array<i32>} : memref<4864xf32, #tpu.memory_space<vmem>>, vector<16xf32>,
    %add3A_1385 = arith.addf %add3A_1382, %get3A_1384 : vector<16xf32>
    %get3A_1386 = arith.constant 3584 : index
    %get3A_1387 = tpu.vector_load %arg7[%get3A_1386] {strides = array<i32>} : memref<4864xf32, #tpu.memory_space<vmem>>, vector<16xf32>,
    %add3A_1388 = arith.addf %add3A_1385, %get3A_1387 : vector<16xf32>
    %get3A_1389 = arith.constant 3888 : index
    %get3A_1390 = tpu.vector_load %arg7[%get3A_1389] {strides = array<i32>} : memref<4864xf32, #tpu.memory_space<vmem>>, vector<16xf32>,
    %add3A_1391 = arith.addf %add3A_1388, %get3A_1390 : vector<16xf32>
    %get3A_1392 = arith.constant 4192 : index
    %get3A_1393 = tpu.vector_load %arg7[%get3A_1392] {strides = array<i32>} : memref<4864xf32, #tpu.memory_space<vmem>>, vector<16xf32>,
    %add3A_1394 = arith.addf %add3A_1391, %get3A_1393 : vector<16xf32>
    %get3A_1395 = arith.constant 4496 : index
    %get3A_1396 = tpu.vector_load %arg7[%get3A_1395] {strides = array<i32>} : memref<4864xf32, #tpu.memory_space<vmem>>, vector<16xf32>,
    %add3A_1397 = arith.addf %add3A_1394, %get3A_1396 : vector<16xf32>
    %get3A_1398 = arith.constant 4800 : index
    %get3A_1399 = tpu.vector_load %arg7[%get3A_1398] {strides = array<i32>} : memref<4864xf32, #tpu.memory_space<vmem>>, vector<16xf32>,
    %add3A_1400 = arith.addf %add3A_1397, %get3A_1399 : vector<16xf32>
    %swap3A_1401 = arith.constant 240 : index
    %swap3A_1402 = tpu.vector_load %arg8[%swap3A_1401] {strides = array<i32>} : memref<304xf32, #tpu.memory_space<vmem>>, vector<16xf32>,
    tpu.vector_store %arg8[%swap3A_1401], %add3A_1400 {strides = array<i32>} : memref<304xf32, #tpu.memory_space<vmem>>, vector<16xf32>,
    %get3A_1403 = arith.constant 256 : index
    %get3A_1404 = tpu.vector_load %arg7[%get3A_1403] {strides = array<i32>} : memref<4864xf32, #tpu.memory_space<vmem>>, vector<16xf32>,
    %get3A_1405 = arith.constant 560 : index
    %get3A_1406 = tpu.vector_load %arg7[%get3A_1405] {strides = array<i32>} : memref<4864xf32, #tpu.memory_space<vmem>>, vector<16xf32>,
    %add3A_1407 = arith.addf %get3A_1404, %get3A_1406 : vector<16xf32>
    %get3A_1408 = arith.constant 864 : index
    %get3A_1409 = tpu.vector_load %arg7[%get3A_1408] {strides = array<i32>} : memref<4864xf32, #tpu.memory_space<vmem>>, vector<16xf32>,
    %add3A_1410 = arith.addf %add3A_1407, %get3A_1409 : vector<16xf32>
    %get3A_1411 = arith.constant 1168 : index
    %get3A_1412 = tpu.vector_load %arg7[%get3A_1411] {strides = array<i32>} : memref<4864xf32, #tpu.memory_space<vmem>>, vector<16xf32>,
    %add3A_1413 = arith.addf %add3A_1410, %get3A_1412 : vector<16xf32>
    %get3A_1414 = arith.constant 1472 : index
    %get3A_1415 = tpu.vector_load %arg7[%get3A_1414] {strides = array<i32>} : memref<4864xf32, #tpu.memory_space<vmem>>, vector<16xf32>,
    %add3A_1416 = arith.addf %add3A_1413, %get3A_1415 : vector<16xf32>
    %get3A_1417 = arith.constant 1776 : index
    %get3A_1418 = tpu.vector_load %arg7[%get3A_1417] {strides = array<i32>} : memref<4864xf32, #tpu.memory_space<vmem>>, vector<16xf32>,
    %add3A_1419 = arith.addf %add3A_1416, %get3A_1418 : vector<16xf32>
    %get3A_1420 = arith.constant 2080 : index
    %get3A_1421 = tpu.vector_load %arg7[%get3A_1420] {strides = array<i32>} : memref<4864xf32, #tpu.memory_space<vmem>>, vector<16xf32>,
    %add3A_1422 = arith.addf %add3A_1419, %get3A_1421 : vector<16xf32>
    %get3A_1423 = arith.constant 2384 : index
    %get3A_1424 = tpu.vector_load %arg7[%get3A_1423] {strides = array<i32>} : memref<4864xf32, #tpu.memory_space<vmem>>, vector<16xf32>,
    %add3A_1425 = arith.addf %add3A_1422, %get3A_1424 : vector<16xf32>
    %get3A_1426 = arith.constant 2688 : index
    %get3A_1427 = tpu.vector_load %arg7[%get3A_1426] {strides = array<i32>} : memref<4864xf32, #tpu.memory_space<vmem>>, vector<16xf32>,
    %add3A_1428 = arith.addf %add3A_1425, %get3A_1427 : vector<16xf32>
    %get3A_1429 = arith.constant 2992 : index
    %get3A_1430 = tpu.vector_load %arg7[%get3A_1429] {strides = array<i32>} : memref<4864xf32, #tpu.memory_space<vmem>>, vector<16xf32>,
    %add3A_1431 = arith.addf %add3A_1428, %get3A_1430 : vector<16xf32>
    %get3A_1432 = arith.constant 3296 : index
    %get3A_1433 = tpu.vector_load %arg7[%get3A_1432] {strides = array<i32>} : memref<4864xf32, #tpu.memory_space<vmem>>, vector<16xf32>,
    %add3A_1434 = arith.addf %add3A_1431, %get3A_1433 : vector<16xf32>
    %get3A_1435 = arith.constant 3600 : index
    %get3A_1436 = tpu.vector_load %arg7[%get3A_1435] {strides = array<i32>} : memref<4864xf32, #tpu.memory_space<vmem>>, vector<16xf32>,
    %add3A_1437 = arith.addf %add3A_1434, %get3A_1436 : vector<16xf32>
    %get3A_1438 = arith.constant 3904 : index
    %get3A_1439 = tpu.vector_load %arg7[%get3A_1438] {strides = array<i32>} : memref<4864xf32, #tpu.memory_space<vmem>>, vector<16xf32>,
    %add3A_1440 = arith.addf %add3A_1437, %get3A_1439 : vector<16xf32>
    %get3A_1441 = arith.constant 4208 : index
    %get3A_1442 = tpu.vector_load %arg7[%get3A_1441] {strides = array<i32>} : memref<4864xf32, #tpu.memory_space<vmem>>, vector<16xf32>,
    %add3A_1443 = arith.addf %add3A_1440, %get3A_1442 : vector<16xf32>
    %get3A_1444 = arith.constant 4512 : index
    %get3A_1445 = tpu.vector_load %arg7[%get3A_1444] {strides = array<i32>} : memref<4864xf32, #tpu.memory_space<vmem>>, vector<16xf32>,
    %add3A_1446 = arith.addf %add3A_1443, %get3A_1445 : vector<16xf32>
    %get3A_1447 = arith.constant 4816 : index
    %get3A_1448 = tpu.vector_load %arg7[%get3A_1447] {strides = array<i32>} : memref<4864xf32, #tpu.memory_space<vmem>>, vector<16xf32>,
    %add3A_1449 = arith.addf %add3A_1446, %get3A_1448 : vector<16xf32>
    %swap3A_1450 = arith.constant 256 : index
    %swap3A_1451 = tpu.vector_load %arg8[%swap3A_1450] {strides = array<i32>} : memref<304xf32, #tpu.memory_space<vmem>>, vector<16xf32>,
    tpu.vector_store %arg8[%swap3A_1450], %add3A_1449 {strides = array<i32>} : memref<304xf32, #tpu.memory_space<vmem>>, vector<16xf32>,
    %get3A_1452 = arith.constant 272 : index
    %get3A_1453 = tpu.vector_load %arg7[%get3A_1452] {strides = array<i32>} : memref<4864xf32, #tpu.memory_space<vmem>>, vector<16xf32>,
    %get3A_1454 = arith.constant 576 : index
    %get3A_1455 = tpu.vector_load %arg7[%get3A_1454] {strides = array<i32>} : memref<4864xf32, #tpu.memory_space<vmem>>, vector<16xf32>,
    %add3A_1456 = arith.addf %get3A_1453, %get3A_1455 : vector<16xf32>
    %get3A_1457 = arith.constant 880 : index
    %get3A_1458 = tpu.vector_load %arg7[%get3A_1457] {strides = array<i32>} : memref<4864xf32, #tpu.memory_space<vmem>>, vector<16xf32>,
    %add3A_1459 = arith.addf %add3A_1456, %get3A_1458 : vector<16xf32>
    %get3A_1460 = arith.constant 1184 : index
    %get3A_1461 = tpu.vector_load %arg7[%get3A_1460] {strides = array<i32>} : memref<4864xf32, #tpu.memory_space<vmem>>, vector<16xf32>,
    %add3A_1462 = arith.addf %add3A_1459, %get3A_1461 : vector<16xf32>
    %get3A_1463 = arith.constant 1488 : index
    %get3A_1464 = tpu.vector_load %arg7[%get3A_1463] {strides = array<i32>} : memref<4864xf32, #tpu.memory_space<vmem>>, vector<16xf32>,
    %add3A_1465 = arith.addf %add3A_1462, %get3A_1464 : vector<16xf32>
    %get3A_1466 = arith.constant 1792 : index
    %get3A_1467 = tpu.vector_load %arg7[%get3A_1466] {strides = array<i32>} : memref<4864xf32, #tpu.memory_space<vmem>>, vector<16xf32>,
    %add3A_1468 = arith.addf %add3A_1465, %get3A_1467 : vector<16xf32>
    %get3A_1469 = arith.constant 2096 : index
    %get3A_1470 = tpu.vector_load %arg7[%get3A_1469] {strides = array<i32>} : memref<4864xf32, #tpu.memory_space<vmem>>, vector<16xf32>,
    %add3A_1471 = arith.addf %add3A_1468, %get3A_1470 : vector<16xf32>
    %get3A_1472 = arith.constant 2400 : index
    %get3A_1473 = tpu.vector_load %arg7[%get3A_1472] {strides = array<i32>} : memref<4864xf32, #tpu.memory_space<vmem>>, vector<16xf32>,
    %add3A_1474 = arith.addf %add3A_1471, %get3A_1473 : vector<16xf32>
    %get3A_1475 = arith.constant 2704 : index
    %get3A_1476 = tpu.vector_load %arg7[%get3A_1475] {strides = array<i32>} : memref<4864xf32, #tpu.memory_space<vmem>>, vector<16xf32>,
    %add3A_1477 = arith.addf %add3A_1474, %get3A_1476 : vector<16xf32>
    %get3A_1478 = arith.constant 3008 : index
    %get3A_1479 = tpu.vector_load %arg7[%get3A_1478] {strides = array<i32>} : memref<4864xf32, #tpu.memory_space<vmem>>, vector<16xf32>,
    %add3A_1480 = arith.addf %add3A_1477, %get3A_1479 : vector<16xf32>
    %get3A_1481 = arith.constant 3312 : index
    %get3A_1482 = tpu.vector_load %arg7[%get3A_1481] {strides = array<i32>} : memref<4864xf32, #tpu.memory_space<vmem>>, vector<16xf32>,
    %add3A_1483 = arith.addf %add3A_1480, %get3A_1482 : vector<16xf32>
    %get3A_1484 = arith.constant 3616 : index
    %get3A_1485 = tpu.vector_load %arg7[%get3A_1484] {strides = array<i32>} : memref<4864xf32, #tpu.memory_space<vmem>>, vector<16xf32>,
    %add3A_1486 = arith.addf %add3A_1483, %get3A_1485 : vector<16xf32>
    %get3A_1487 = arith.constant 3920 : index
    %get3A_1488 = tpu.vector_load %arg7[%get3A_1487] {strides = array<i32>} : memref<4864xf32, #tpu.memory_space<vmem>>, vector<16xf32>,
    %add3A_1489 = arith.addf %add3A_1486, %get3A_1488 : vector<16xf32>
    %get3A_1490 = arith.constant 4224 : index
    %get3A_1491 = tpu.vector_load %arg7[%get3A_1490] {strides = array<i32>} : memref<4864xf32, #tpu.memory_space<vmem>>, vector<16xf32>,
    %add3A_1492 = arith.addf %add3A_1489, %get3A_1491 : vector<16xf32>
    %get3A_1493 = arith.constant 4528 : index
    %get3A_1494 = tpu.vector_load %arg7[%get3A_1493] {strides = array<i32>} : memref<4864xf32, #tpu.memory_space<vmem>>, vector<16xf32>,
    %add3A_1495 = arith.addf %add3A_1492, %get3A_1494 : vector<16xf32>
    %get3A_1496 = arith.constant 4832 : index
    %get3A_1497 = tpu.vector_load %arg7[%get3A_1496] {strides = array<i32>} : memref<4864xf32, #tpu.memory_space<vmem>>, vector<16xf32>,
    %add3A_1498 = arith.addf %add3A_1495, %get3A_1497 : vector<16xf32>
    %swap3A_1499 = arith.constant 272 : index
    %swap3A_1500 = tpu.vector_load %arg8[%swap3A_1499] {strides = array<i32>} : memref<304xf32, #tpu.memory_space<vmem>>, vector<16xf32>,
    tpu.vector_store %arg8[%swap3A_1499], %add3A_1498 {strides = array<i32>} : memref<304xf32, #tpu.memory_space<vmem>>, vector<16xf32>,
    %get3A_1501 = arith.constant 288 : index
    %get3A_1502 = tpu.vector_load %arg7[%get3A_1501] {strides = array<i32>} : memref<4864xf32, #tpu.memory_space<vmem>>, vector<16xf32>,
    %get3A_1503 = arith.constant 592 : index
    %get3A_1504 = tpu.vector_load %arg7[%get3A_1503] {strides = array<i32>} : memref<4864xf32, #tpu.memory_space<vmem>>, vector<16xf32>,
    %add3A_1505 = arith.addf %get3A_1502, %get3A_1504 : vector<16xf32>
    %get3A_1506 = arith.constant 896 : index
    %get3A_1507 = tpu.vector_load %arg7[%get3A_1506] {strides = array<i32>} : memref<4864xf32, #tpu.memory_space<vmem>>, vector<16xf32>,
    %add3A_1508 = arith.addf %add3A_1505, %get3A_1507 : vector<16xf32>
    %get3A_1509 = arith.constant 1200 : index
    %get3A_1510 = tpu.vector_load %arg7[%get3A_1509] {strides = array<i32>} : memref<4864xf32, #tpu.memory_space<vmem>>, vector<16xf32>,
    %add3A_1511 = arith.addf %add3A_1508, %get3A_1510 : vector<16xf32>
    %get3A_1512 = arith.constant 1504 : index
    %get3A_1513 = tpu.vector_load %arg7[%get3A_1512] {strides = array<i32>} : memref<4864xf32, #tpu.memory_space<vmem>>, vector<16xf32>,
    %add3A_1514 = arith.addf %add3A_1511, %get3A_1513 : vector<16xf32>
    %get3A_1515 = arith.constant 1808 : index
    %get3A_1516 = tpu.vector_load %arg7[%get3A_1515] {strides = array<i32>} : memref<4864xf32, #tpu.memory_space<vmem>>, vector<16xf32>,
    %add3A_1517 = arith.addf %add3A_1514, %get3A_1516 : vector<16xf32>
    %get3A_1518 = arith.constant 2112 : index
    %get3A_1519 = tpu.vector_load %arg7[%get3A_1518] {strides = array<i32>} : memref<4864xf32, #tpu.memory_space<vmem>>, vector<16xf32>,
    %add3A_1520 = arith.addf %add3A_1517, %get3A_1519 : vector<16xf32>
    %get3A_1521 = arith.constant 2416 : index
    %get3A_1522 = tpu.vector_load %arg7[%get3A_1521] {strides = array<i32>} : memref<4864xf32, #tpu.memory_space<vmem>>, vector<16xf32>,
    %add3A_1523 = arith.addf %add3A_1520, %get3A_1522 : vector<16xf32>
    %get3A_1524 = arith.constant 2720 : index
    %get3A_1525 = tpu.vector_load %arg7[%get3A_1524] {strides = array<i32>} : memref<4864xf32, #tpu.memory_space<vmem>>, vector<16xf32>,
    %add3A_1526 = arith.addf %add3A_1523, %get3A_1525 : vector<16xf32>
    %get3A_1527 = arith.constant 3024 : index
    %get3A_1528 = tpu.vector_load %arg7[%get3A_1527] {strides = array<i32>} : memref<4864xf32, #tpu.memory_space<vmem>>, vector<16xf32>,
    %add3A_1529 = arith.addf %add3A_1526, %get3A_1528 : vector<16xf32>
    %get3A_1530 = arith.constant 3328 : index
    %get3A_1531 = tpu.vector_load %arg7[%get3A_1530] {strides = array<i32>} : memref<4864xf32, #tpu.memory_space<vmem>>, vector<16xf32>,
    %add3A_1532 = arith.addf %add3A_1529, %get3A_1531 : vector<16xf32>
    %get3A_1533 = arith.constant 3632 : index
    %get3A_1534 = tpu.vector_load %arg7[%get3A_1533] {strides = array<i32>} : memref<4864xf32, #tpu.memory_space<vmem>>, vector<16xf32>,
    %add3A_1535 = arith.addf %add3A_1532, %get3A_1534 : vector<16xf32>
    %get3A_1536 = arith.constant 3936 : index
    %get3A_1537 = tpu.vector_load %arg7[%get3A_1536] {strides = array<i32>} : memref<4864xf32, #tpu.memory_space<vmem>>, vector<16xf32>,
    %add3A_1538 = arith.addf %add3A_1535, %get3A_1537 : vector<16xf32>
    %get3A_1539 = arith.constant 4240 : index
    %get3A_1540 = tpu.vector_load %arg7[%get3A_1539] {strides = array<i32>} : memref<4864xf32, #tpu.memory_space<vmem>>, vector<16xf32>,
    %add3A_1541 = arith.addf %add3A_1538, %get3A_1540 : vector<16xf32>
    %get3A_1542 = arith.constant 4544 : index
    %get3A_1543 = tpu.vector_load %arg7[%get3A_1542] {strides = array<i32>} : memref<4864xf32, #tpu.memory_space<vmem>>, vector<16xf32>,
    %add3A_1544 = arith.addf %add3A_1541, %get3A_1543 : vector<16xf32>
    %get3A_1545 = arith.constant 4848 : index
    %get3A_1546 = tpu.vector_load %arg7[%get3A_1545] {strides = array<i32>} : memref<4864xf32, #tpu.memory_space<vmem>>, vector<16xf32>,
    %add3A_1547 = arith.addf %add3A_1544, %get3A_1546 : vector<16xf32>
    %swap3A_1548 = arith.constant 288 : index
    %swap3A_1549 = tpu.vector_load %arg8[%swap3A_1548] {strides = array<i32>} : memref<304xf32, #tpu.memory_space<vmem>>, vector<16xf32>,
    tpu.vector_store %arg8[%swap3A_1548], %add3A_1547 {strides = array<i32>} : memref<304xf32, #tpu.memory_space<vmem>>, vector<16xf32>,
    %mul3A_1550 = arith.constant 16 : i32
    %mul3A_1551 = arith.muli %arg0, %mul3A_1550 : i32
    %add3A_1552 = arith.addi %mul3A_1551, %arg1 : i32
    "tpu.region"() ({
      %run_scoped3A = tpu.sem_alloc : memref<!tpu.dma_semaphore, #tpu.memory_space<semaphore_mem>>
      %dma_start3A = arith.constant 0 : i32
      %dma_start3A_1553 = tpu.memref_slice %arg4[%add3A_1552, %dma_start3A] : memref<32x304xf32, #tpu.memory_space<hbm>> -> memref<1x304xf32, #tpu.memory_space<hbm>>
      %dma_start3A_1554 = tpu.memref_squeeze %dma_start3A_1553 : memref<1x304xf32, #tpu.memory_space<hbm>> -> memref<304xf32, #tpu.memory_space<hbm>>
      %dma_start3A_1555 = arith.constant 0 : i32
      %dma_start3A_1556 = tpu.memref_slice %arg4[%add3A_1552, %dma_start3A_1555] : memref<32x304xf32, #tpu.memory_space<hbm>> -> memref<1x304xf32, #tpu.memory_space<hbm>>
      %dma_start3A_1557 = tpu.memref_squeeze %dma_start3A_1556 : memref<1x304xf32, #tpu.memory_space<hbm>> -> memref<304xf32, #tpu.memory_space<hbm>>
      tpu.enqueue_dma source(%arg8 : memref<304xf32, #tpu.memory_space<vmem>>) target(%dma_start3A_1557 : memref<304xf32, #tpu.memory_space<hbm>>) target_semaphore(%run_scoped3A : memref<!tpu.dma_semaphore, #tpu.memory_space<semaphore_mem>>)
      %dma_wait3A = arith.constant 0 : i32
      %dma_wait3A_1558 = tpu.memref_slice %arg4[%add3A_1552, %dma_wait3A] : memref<32x304xf32, #tpu.memory_space<hbm>> -> memref<1x304xf32, #tpu.memory_space<hbm>>
      %dma_wait3A_1559 = tpu.memref_squeeze %dma_wait3A_1558 : memref<1x304xf32, #tpu.memory_space<hbm>> -> memref<304xf32, #tpu.memory_space<hbm>>
      %dma_wait3A_1560 = arith.constant 0 : i32
      %dma_wait3A_1561 = tpu.memref_slice %arg4[%add3A_1552, %dma_wait3A_1560] : memref<32x304xf32, #tpu.memory_space<hbm>> -> memref<1x304xf32, #tpu.memory_space<hbm>>
      %dma_wait3A_1562 = tpu.memref_squeeze %dma_wait3A_1561 : memref<1x304xf32, #tpu.memory_space<hbm>> -> memref<304xf32, #tpu.memory_space<hbm>>
      tpu.wait_dma2 semaphore(%run_scoped3A : memref<!tpu.dma_semaphore, #tpu.memory_space<semaphore_mem>>) src(%arg8 : memref<304xf32, #tpu.memory_space<vmem>>) dst(%dma_wait3A_1562 : memref<304xf32, #tpu.memory_space<hbm>>)
      tpu.yield
    }) : () -> ()
    return
  }
}

module attributes {stable_mosaic.version = 14 : i64} {
  func.func @_main_body(%arg0: i32, %arg1: memref<1x2048x256xf32, #tpu.memory_space<vmem>>, %arg2: memref<1x1x2048xf32, #tpu.memory_space<vmem>>, %arg3: memref<32x304xf32, #tpu.memory_space<vmem>>, %arg4: memref<128x289xf32, #tpu.memory_space<vmem>>, %arg5: memref<128x256xf32, #tpu.memory_space<vmem>>, %arg6: memref<1x256xf32, #tpu.memory_space<vmem>>, %arg7: memref<256x128xf32, #tpu.memory_space<vmem>>, %arg8: memref<1x128xf32, #tpu.memory_space<vmem>>, %arg9: memref<384x512xf32, #tpu.memory_space<vmem>>, %arg10: memref<1x512xf32, #tpu.memory_space<vmem>>, %arg11: memref<512x2xf32, #tpu.memory_space<vmem>>, %arg12: memref<2x1xf32, #tpu.memory_space<vmem>>, %arg13: memref<16x1xf32, #tpu.memory_space<vmem>>, %arg14: memref<1x8x128xf32, #tpu.memory_space<vmem>>, %arg15: memref<1x8x128xf32, #tpu.memory_space<vmem>>, %arg16: memref<16x512xf32, #tpu.memory_space<vmem>>, %arg17: memref<256x512xbf16, #tpu.memory_space<vmem>>, %arg18: memref<512x2xbf16, #tpu.memory_space<vmem>>, %arg19: memref<2x2048x512xbf16, #tpu.memory_space<vmem>>) attributes {dimension_semantics = [#tpu.dimension_semantics<arbitrary>], iteration_bounds = array<i64: 17>, scalar_prefetch = 0 : i64, scratch_operands = 4 : i64, tpu.core_type = #tpu.core_type<tc>, window_params = [{transform_indices = @transform_0, window_bounds = array<i64: 1, 2048, 256>}, {transform_indices = @transform_1, window_bounds = array<i64: 1, 1, 2048>}, {pipeline_mode = #tpu.pipeline_mode<synchronous>, transform_indices = @transform_2, window_bounds = array<i64: 32, 304>}, {pipeline_mode = #tpu.pipeline_mode<synchronous>, transform_indices = @transform_3, window_bounds = array<i64: 128, 289>}, {pipeline_mode = #tpu.pipeline_mode<synchronous>, transform_indices = @transform_4, window_bounds = array<i64: 128, 256>}, {pipeline_mode = #tpu.pipeline_mode<synchronous>, transform_indices = @transform_5, window_bounds = array<i64: 1, 256>}, {pipeline_mode = #tpu.pipeline_mode<synchronous>, transform_indices = @transform_6, window_bounds = array<i64: 256, 128>}, {pipeline_mode = #tpu.pipeline_mode<synchronous>, transform_indices = @transform_7, window_bounds = array<i64: 1, 128>}, {pipeline_mode = #tpu.pipeline_mode<synchronous>, transform_indices = @transform_8, window_bounds = array<i64: 384, 512>}, {pipeline_mode = #tpu.pipeline_mode<synchronous>, transform_indices = @transform_9, window_bounds = array<i64: 1, 512>}, {pipeline_mode = #tpu.pipeline_mode<synchronous>, transform_indices = @transform_10, window_bounds = array<i64: 512, 2>}, {pipeline_mode = #tpu.pipeline_mode<synchronous>, transform_indices = @transform_11, window_bounds = array<i64: 2, 1>}, {pipeline_mode = #tpu.pipeline_mode<synchronous>, transform_indices = @transform_12, window_bounds = array<i64: 16, 1>}, {transform_indices = @transform_13, window_bounds = array<i64: 1, 8, 128>}, {transform_indices = @transform_14, window_bounds = array<i64: 1, 8, 128>}]} {
    %eq3A = arith.constant 0 : i32
    %eq3A_0 = arith.cmpi eq, %arg0, %eq3A : i32
    %convert_element_type3A = arith.extui %eq3A_0 : i1 to i32
    %cond3A = arith.constant 0 : i32
    %cond3A_1 = arith.cmpi ne, %convert_element_type3A, %cond3A : i32
    scf.if %cond3A_1 {
      %get3A_101 = arith.constant 0 : index
      %get3A_102 = arith.constant 0 : index
      %get3A_103 = vector.load %arg3[%get3A_101, %get3A_102] : memref<32x304xf32, #tpu.memory_space<vmem>>, vector<16x289xf32>
      %get3A_104 = arith.constant 16 : index
      %get3A_105 = arith.constant 0 : index
      %get3A_106 = vector.load %arg3[%get3A_104, %get3A_105] : memref<32x304xf32, #tpu.memory_space<vmem>>, vector<16x289xf32>
      %add3A_107 = arith.addf %get3A_103, %get3A_106 : vector<16x289xf32>
      %get3A_108 = arith.constant 0 : index
      %get3A_109 = arith.constant 0 : index
      %get3A_110 = vector.load %arg4[%get3A_108, %get3A_109] : memref<128x289xf32, #tpu.memory_space<vmem>>, vector<128x289xf32>
      %dot_general3A_111 = arith.constant dense<0.000000e+00> : vector<16x128xf32>
      %dot_general3A_112 = tpu.matmul %add3A_107, %get3A_110, %dot_general3A_111 {dimension_numbers = #tpu.dot_dimension_numbers<[1], [1], [0], [0], [0, 0, 1, 0], [], []>, transpose_lhs_hint = false} : vector<16x289xf32>, vector<128x289xf32>, vector<16x128xf32> -> vector<16x128xf32>
      %mul3A_113 = arith.constant 4.8828125E-4 : f32
      %mul3A_114 = vector.broadcast %mul3A_113 : f32 to vector<16x128xf32>
      %mul3A_115 = arith.mulf %dot_general3A_112, %mul3A_114 : vector<16x128xf32>
      %get3A_116 = arith.constant 0 : index
      %get3A_117 = arith.constant 0 : index
      %get3A_118 = vector.load %arg5[%get3A_116, %get3A_117] : memref<128x256xf32, #tpu.memory_space<vmem>>, vector<128x256xf32>
      %dot_general3A_119 = arith.constant dense<0.000000e+00> : vector<16x256xf32>
      %dot_general3A_120 = tpu.matmul %mul3A_115, %get3A_118, %dot_general3A_119 {dimension_numbers = #tpu.dot_dimension_numbers<[1], [0], [0], [1], [0, 0, 1, 1], [], []>, transpose_lhs_hint = false} : vector<16x128xf32>, vector<128x256xf32>, vector<16x256xf32> -> vector<16x256xf32>
      %get3A_121 = arith.constant 0 : index
      %get3A_122 = arith.constant 0 : index
      %get3A_123 = vector.load %arg6[%get3A_121, %get3A_122] : memref<1x256xf32, #tpu.memory_space<vmem>>, vector<1x256xf32>
      %add3A_124 = vector.broadcast %get3A_123 : vector<1x256xf32> to vector<16x256xf32>
      %add3A_125 = arith.addf %dot_general3A_120, %add3A_124 : vector<16x256xf32>
      %gt3A = arith.constant 0.000000e+00 : f32
      %gt3A_126 = vector.broadcast %gt3A : f32 to vector<16x256xf32>
      %gt3A_127 = arith.cmpf ogt, %add3A_125, %gt3A_126 : vector<16x256xf32>
      %exp3A_128 = math.exp %add3A_125 : vector<16x256xf32>
      %sub3A_129 = arith.constant 1.000000e+00 : f32
      %sub3A_130 = vector.broadcast %sub3A_129 : f32 to vector<16x256xf32>
      %sub3A_131 = arith.subf %exp3A_128, %sub3A_130 : vector<16x256xf32>
      %mul3A_132 = arith.constant 1.67326319 : f32
      %mul3A_133 = vector.broadcast %mul3A_132 : f32 to vector<16x256xf32>
      %mul3A_134 = arith.mulf %mul3A_133, %sub3A_131 : vector<16x256xf32>
      %select_n3A = arith.select %gt3A_127, %add3A_125, %mul3A_134 : vector<16x256xi1>, vector<16x256xf32>
      %mul3A_135 = arith.constant 1.05070102 : f32
      %mul3A_136 = vector.broadcast %mul3A_135 : f32 to vector<16x256xf32>
      %mul3A_137 = arith.mulf %mul3A_136, %select_n3A : vector<16x256xf32>
      %get3A_138 = arith.constant 0 : index
      %get3A_139 = arith.constant 0 : index
      %get3A_140 = vector.load %arg7[%get3A_138, %get3A_139] : memref<256x128xf32, #tpu.memory_space<vmem>>, vector<256x128xf32>
      %dot_general3A_141 = arith.constant dense<0.000000e+00> : vector<16x128xf32>
      %dot_general3A_142 = tpu.matmul %mul3A_137, %get3A_140, %dot_general3A_141 {dimension_numbers = #tpu.dot_dimension_numbers<[1], [0], [0], [1], [0, 0, 1, 1], [], []>, transpose_lhs_hint = false} : vector<16x256xf32>, vector<256x128xf32>, vector<16x128xf32> -> vector<16x128xf32>
      %get3A_143 = arith.constant 0 : index
      %get3A_144 = arith.constant 0 : index
      %get3A_145 = vector.load %arg8[%get3A_143, %get3A_144] : memref<1x128xf32, #tpu.memory_space<vmem>>, vector<1x128xf32>
      %add3A_146 = vector.broadcast %get3A_145 : vector<1x128xf32> to vector<16x128xf32>
      %add3A_147 = arith.addf %dot_general3A_142, %add3A_146 : vector<16x128xf32>
      %get3A_148 = arith.constant 256 : index
      %get3A_149 = arith.constant 0 : index
      %get3A_150 = vector.load %arg9[%get3A_148, %get3A_149] : memref<384x512xf32, #tpu.memory_space<vmem>>, vector<128x512xf32>
      %dot_general3A_151 = arith.constant dense<0.000000e+00> : vector<16x512xf32>
      %dot_general3A_152 = tpu.matmul %add3A_147, %get3A_150, %dot_general3A_151 {dimension_numbers = #tpu.dot_dimension_numbers<[1], [0], [0], [1], [0, 0, 1, 1], [], []>, transpose_lhs_hint = false} : vector<16x128xf32>, vector<128x512xf32>, vector<16x512xf32> -> vector<16x512xf32>
      %get3A_153 = arith.constant 0 : index
      %get3A_154 = arith.constant 0 : index
      %get3A_155 = vector.load %arg10[%get3A_153, %get3A_154] : memref<1x512xf32, #tpu.memory_space<vmem>>, vector<1x512xf32>
      %add3A_156 = vector.broadcast %get3A_155 : vector<1x512xf32> to vector<16x512xf32>
      %add3A_157 = arith.addf %dot_general3A_152, %add3A_156 : vector<16x512xf32>
      %swap3A_158 = arith.constant 0 : index
      %swap3A_159 = arith.constant 0 : index
      %swap3A_160 = vector.load %arg16[%swap3A_158, %swap3A_159] : memref<16x512xf32, #tpu.memory_space<vmem>>, vector<16x512xf32>
      tpu.vector_store %arg16[%swap3A_158, %swap3A_159], %add3A_157 {strides = array<i32>} : memref<16x512xf32, #tpu.memory_space<vmem>>, vector<16x512xf32>,
      %get3A_161 = arith.constant 0 : index
      %get3A_162 = arith.constant 0 : index
      %get3A_163 = vector.load %arg9[%get3A_161, %get3A_162] : memref<384x512xf32, #tpu.memory_space<vmem>>, vector<256x512xf32>
      %convert_element_type3A_164 = arith.truncf %get3A_163 : vector<256x512xf32> to vector<256x512xbf16>
      %swap3A_165 = arith.constant 0 : index
      %swap3A_166 = arith.constant 0 : index
      %swap3A_167 = vector.load %arg17[%swap3A_165, %swap3A_166] : memref<256x512xbf16, #tpu.memory_space<vmem>>, vector<256x512xbf16>
      tpu.vector_store %arg17[%swap3A_165, %swap3A_166], %convert_element_type3A_164 {strides = array<i32>} : memref<256x512xbf16, #tpu.memory_space<vmem>>, vector<256x512xbf16>,
      %get3A_168 = arith.constant 0 : index
      %get3A_169 = arith.constant 0 : index
      %get3A_170 = vector.load %arg11[%get3A_168, %get3A_169] : memref<512x2xf32, #tpu.memory_space<vmem>>, vector<512x2xf32>
      %convert_element_type3A_171 = arith.truncf %get3A_170 : vector<512x2xf32> to vector<512x2xbf16>
      %swap3A_172 = arith.constant 0 : index
      %swap3A_173 = arith.constant 0 : index
      %swap3A_174 = vector.load %arg18[%swap3A_172, %swap3A_173] : memref<512x2xbf16, #tpu.memory_space<vmem>>, vector<512x2xbf16>
      tpu.vector_store %arg18[%swap3A_172, %swap3A_173], %convert_element_type3A_171 {strides = array<i32>} : memref<512x2xbf16, #tpu.memory_space<vmem>>, vector<512x2xbf16>,
    } else {
    }
    %rem3A = arith.constant 2 : i32
    %rem3A_2 = arith.remsi %arg0, %rem3A : i32
    %sub3A = arith.constant 1 : i32
    %sub3A_3 = arith.subi %sub3A, %rem3A_2 : i32
    %get3A = arith.index_cast %sub3A_3 : i32 to index
    %get3A_4 = arith.constant 0 : index
    %get3A_5 = arith.constant 0 : index
    %get3A_6 = vector.load %arg19[%get3A, %get3A_4, %get3A_5] : memref<2x2048x512xbf16, #tpu.memory_space<vmem>>, vector<1x2048x512xbf16>
    %get3A_7 = vector.shape_cast %get3A_6 : vector<1x2048x512xbf16> to vector<2048x512xbf16>
    %get3A_8 = arith.constant 0 : index
    %get3A_9 = arith.constant 0 : index
    %get3A_10 = vector.load %arg18[%get3A_8, %get3A_9] : memref<512x2xbf16, #tpu.memory_space<vmem>>, vector<512x2xbf16>
    %dot_general3A = arith.constant dense<0.000000e+00> : vector<2x2048xf32>
    %dot_general3A_11 = tpu.matmul %get3A_10, %get3A_7, %dot_general3A {dimension_numbers = #tpu.dot_dimension_numbers<[0], [1], [1], [0], [0, 1, 1, 0], [], []>, transpose_lhs_hint = false} : vector<512x2xbf16>, vector<2048x512xbf16>, vector<2x2048xf32> -> vector<2x2048xf32>
    %get3A_12 = arith.constant 0 : index
    %get3A_13 = arith.constant 0 : index
    %get3A_14 = arith.constant 0 : index
    %get3A_15 = vector.load %arg2[%get3A_12, %get3A_13, %get3A_14] : memref<1x1x2048xf32, #tpu.memory_space<vmem>>, vector<1x1x2048xf32>
    %get3A_16 = vector.shape_cast %get3A_15 : vector<1x1x2048xf32> to vector<1x2048xf32>
    %log3A = math.log %get3A_16 : vector<1x2048xf32>
    %slice3A = vector.extract_strided_slice %dot_general3A_11 {offsets = [0, 0], sizes = [1, 2048], strides = [1, 1]} : vector<2x2048xf32> to vector<1x2048xf32>
    %add3A = arith.addf %slice3A, %log3A : vector<1x2048xf32>
    %slice3A_17 = vector.extract_strided_slice %dot_general3A_11 {offsets = [1, 0], sizes = [1, 2048], strides = [1, 1]} : vector<2x2048xf32> to vector<1x2048xf32>
    %mul3A = arith.constant 2.000000e+00 : f32
    %mul3A_18 = vector.broadcast %mul3A : f32 to vector<1x2048xf32>
    %mul3A_19 = arith.mulf %mul3A_18, %log3A : vector<1x2048xf32>
    %add3A_20 = arith.addf %slice3A_17, %mul3A_19 : vector<1x2048xf32>
    %reduce_max3A = arith.constant dense<0xFF800000> : vector<1xf32>
    %reduce_max3A_21 = vector.multi_reduction <maximumf>, %add3A, %reduce_max3A [1] : vector<1x2048xf32> to vector<1xf32>
    %broadcast_in_dim3A = vector.shape_cast %reduce_max3A_21 : vector<1xf32> to vector<1x1xf32>
    %sub3A_22 = vector.broadcast %broadcast_in_dim3A : vector<1x1xf32> to vector<1x2048xf32>
    %sub3A_23 = arith.subf %add3A, %sub3A_22 : vector<1x2048xf32>
    %exp3A = math.exp %sub3A_23 : vector<1x2048xf32>
    %reduce_sum3A = arith.constant dense<0.000000e+00> : vector<1xf32>
    %reduce_sum3A_24 = vector.multi_reduction <add>, %exp3A, %reduce_sum3A [1] : vector<1x2048xf32> to vector<1xf32>
    %broadcast_in_dim3A_25 = vector.shape_cast %reduce_sum3A_24 : vector<1xf32> to vector<1x1xf32>
    %log3A_26 = math.log %broadcast_in_dim3A_25 : vector<1x1xf32>
    %add3A_27 = arith.addf %broadcast_in_dim3A, %log3A_26 : vector<1x1xf32>
    %reduce_max3A_28 = arith.constant dense<0xFF800000> : vector<1xf32>
    %reduce_max3A_29 = vector.multi_reduction <maximumf>, %add3A_20, %reduce_max3A_28 [1] : vector<1x2048xf32> to vector<1xf32>
    %broadcast_in_dim3A_30 = vector.shape_cast %reduce_max3A_29 : vector<1xf32> to vector<1x1xf32>
    %sub3A_31 = vector.broadcast %broadcast_in_dim3A_30 : vector<1x1xf32> to vector<1x2048xf32>
    %sub3A_32 = arith.subf %add3A_20, %sub3A_31 : vector<1x2048xf32>
    %exp3A_33 = math.exp %sub3A_32 : vector<1x2048xf32>
    %reduce_sum3A_34 = arith.constant dense<0.000000e+00> : vector<1xf32>
    %reduce_sum3A_35 = vector.multi_reduction <add>, %exp3A_33, %reduce_sum3A_34 [1] : vector<1x2048xf32> to vector<1xf32>
    %broadcast_in_dim3A_36 = vector.shape_cast %reduce_sum3A_35 : vector<1xf32> to vector<1x1xf32>
    %log3A_37 = math.log %broadcast_in_dim3A_36 : vector<1x1xf32>
    %add3A_38 = arith.addf %broadcast_in_dim3A_30, %log3A_37 : vector<1x1xf32>
    %get3A_39 = arith.constant 0 : index
    %get3A_40 = arith.constant 0 : index
    %get3A_41 = vector.load %arg12[%get3A_39, %get3A_40] : memref<2x1xf32, #tpu.memory_space<vmem>>, vector<1x1xf32>
    %add3A_42 = arith.addf %add3A_27, %get3A_41 : vector<1x1xf32>
    %get3A_43 = arith.constant 1 : index
    %get3A_44 = arith.constant 0 : index
    %get3A_45 = vector.load %arg12[%get3A_43, %get3A_44] : memref<2x1xf32, #tpu.memory_space<vmem>>, vector<1x1xf32>
    %add3A_46 = arith.addf %add3A_38, %get3A_45 : vector<1x1xf32>
    %sub3A_47 = arith.constant 1 : i32
    %sub3A_48 = arith.subi %arg0, %sub3A_47 : i32
    %max3A = arith.constant 0 : i32
    %max3A_49 = arith.maxsi %sub3A_48, %max3A : i32
    %get3A_50 = arith.index_cast %max3A_49 : i32 to index
    %get3A_51 = arith.constant 0 : index
    %get3A_52 = vector.load %arg13[%get3A_50, %get3A_51] : memref<16x1xf32, #tpu.memory_space<vmem>>, vector<1x1xf32>
    %log3A_53 = math.log %get3A_52 : vector<1x1xf32>
    %sub3A_54 = arith.subf %log3A_53, %add3A_42 : vector<1x1xf32>
    %mul3A_55 = arith.constant 3.000000e+00 : f32
    %mul3A_56 = vector.broadcast %mul3A_55 : f32 to vector<1x1xf32>
    %mul3A_57 = arith.mulf %mul3A_56, %add3A_42 : vector<1x1xf32>
    %sub3A_58 = arith.subf %log3A_53, %mul3A_57 : vector<1x1xf32>
    %sub3A_59 = arith.subf %sub3A_58, %add3A_46 : vector<1x1xf32>
    %broadcast_in_dim3A_60 = vector.shape_cast %sub3A_54 : vector<1x1xf32> to vector<1x1x1xf32>
    %broadcast_in_dim3A_61 = vector.shape_cast %broadcast_in_dim3A_60 : vector<1x1x1xf32> to vector<1x1x1xf32>
    %broadcast_in_dim3A_62 = vector.broadcast %broadcast_in_dim3A_61 : vector<1x1x1xf32> to vector<1x8x128xf32>
    %swap3A = arith.constant 0 : index
    %swap3A_63 = arith.constant 0 : index
    %swap3A_64 = arith.constant 0 : index
    %swap3A_65 = vector.load %arg14[%swap3A, %swap3A_63, %swap3A_64] : memref<1x8x128xf32, #tpu.memory_space<vmem>>, vector<1x8x128xf32>
    tpu.vector_store %arg14[%swap3A, %swap3A_63, %swap3A_64], %broadcast_in_dim3A_62 {strides = array<i32>} : memref<1x8x128xf32, #tpu.memory_space<vmem>>, vector<1x8x128xf32>,
    %broadcast_in_dim3A_66 = vector.shape_cast %sub3A_59 : vector<1x1xf32> to vector<1x1x1xf32>
    %broadcast_in_dim3A_67 = vector.shape_cast %broadcast_in_dim3A_66 : vector<1x1x1xf32> to vector<1x1x1xf32>
    %broadcast_in_dim3A_68 = vector.broadcast %broadcast_in_dim3A_67 : vector<1x1x1xf32> to vector<1x8x128xf32>
    %swap3A_69 = arith.constant 0 : index
    %swap3A_70 = arith.constant 0 : index
    %swap3A_71 = arith.constant 0 : index
    %swap3A_72 = vector.load %arg15[%swap3A_69, %swap3A_70, %swap3A_71] : memref<1x8x128xf32, #tpu.memory_space<vmem>>, vector<1x8x128xf32>
    tpu.vector_store %arg15[%swap3A_69, %swap3A_70, %swap3A_71], %broadcast_in_dim3A_68 {strides = array<i32>} : memref<1x8x128xf32, #tpu.memory_space<vmem>>, vector<1x8x128xf32>,
    %get3A_73 = arith.constant 0 : index
    %get3A_74 = arith.constant 0 : index
    %get3A_75 = arith.constant 0 : index
    %get3A_76 = vector.load %arg1[%get3A_73, %get3A_74, %get3A_75] : memref<1x2048x256xf32, #tpu.memory_space<vmem>>, vector<1x2048x256xf32>
    %get3A_77 = vector.shape_cast %get3A_76 : vector<1x2048x256xf32> to vector<2048x256xf32>
    %convert_element_type3A_78 = arith.truncf %get3A_77 : vector<2048x256xf32> to vector<2048x256xbf16>
    %get3A_79 = arith.constant 0 : index
    %get3A_80 = arith.constant 0 : index
    %get3A_81 = vector.load %arg17[%get3A_79, %get3A_80] : memref<256x512xbf16, #tpu.memory_space<vmem>>, vector<256x512xbf16>
    %dot_general3A_82 = arith.constant dense<0.000000e+00> : vector<2048x512xf32>
    %dot_general3A_83 = tpu.matmul %convert_element_type3A_78, %get3A_81, %dot_general3A_82 {dimension_numbers = #tpu.dot_dimension_numbers<[1], [0], [0], [1], [0, 0, 1, 1], [], []>, transpose_lhs_hint = false} : vector<2048x256xbf16>, vector<256x512xbf16>, vector<2048x512xf32> -> vector<2048x512xf32>
    %min3A = arith.constant 15 : i32
    %min3A_84 = arith.minsi %arg0, %min3A : i32
    %get3A_85 = arith.index_cast %min3A_84 : i32 to index
    %get3A_86 = arith.constant 0 : index
    %get3A_87 = vector.load %arg16[%get3A_85, %get3A_86] : memref<16x512xf32, #tpu.memory_space<vmem>>, vector<1x512xf32>
    %convert_element_type3A_88 = arith.truncf %get3A_87 : vector<1x512xf32> to vector<1x512xbf16>
    %convert_element_type3A_89 = arith.truncf %dot_general3A_83 : vector<2048x512xf32> to vector<2048x512xbf16>
    %add3A_90 = vector.broadcast %convert_element_type3A_88 : vector<1x512xbf16> to vector<2048x512xbf16>
    %add3A_91 = arith.addf %convert_element_type3A_89, %add3A_90 : vector<2048x512xbf16>
    %max3A_92 = arith.constant 0.000000e+00 : bf16
    %max3A_93 = vector.broadcast %max3A_92 : bf16 to vector<2048x512xbf16>
    %max3A_94 = arith.maximumf %add3A_91, %max3A_93 : vector<2048x512xbf16>
    %swap3A_95 = arith.index_cast %rem3A_2 : i32 to index
    %swap3A_96 = arith.constant 0 : index
    %swap3A_97 = arith.constant 0 : index
    %swap3A_98 = vector.load %arg19[%swap3A_95, %swap3A_96, %swap3A_97] : memref<2x2048x512xbf16, #tpu.memory_space<vmem>>, vector<1x2048x512xbf16>
    %swap3A_99 = vector.shape_cast %swap3A_98 : vector<1x2048x512xbf16> to vector<2048x512xbf16>
    %swap3A_100 = vector.shape_cast %max3A_94 : vector<2048x512xbf16> to vector<1x2048x512xbf16>
    tpu.vector_store %arg19[%swap3A_95, %swap3A_96, %swap3A_97], %swap3A_100 {strides = array<i32>} : memref<2x2048x512xbf16, #tpu.memory_space<vmem>>, vector<1x2048x512xbf16>,
    return
  }
  func.func @transform_0(%arg0: i32) -> (i32, i32, i32) {
    %min3A = arith.constant 15 : i32
    %min3A_0 = arith.minsi %arg0, %min3A : i32
    %c0_i32 = arith.constant 0 : i32
    %c0_i32_1 = arith.constant 0 : i32
    %c0_i32_2 = arith.constant 0 : i32
    return %min3A_0, %c0_i32, %c0_i32_1 : i32, i32, i32
  }
  func.func @transform_1(%arg0: i32) -> (i32, i32, i32) {
    %sub3A = arith.constant 1 : i32
    %sub3A_0 = arith.subi %arg0, %sub3A : i32
    %max3A = arith.constant 0 : i32
    %max3A_1 = arith.maxsi %sub3A_0, %max3A : i32
    %c0_i32 = arith.constant 0 : i32
    %c0_i32_2 = arith.constant 0 : i32
    %c0_i32_3 = arith.constant 0 : i32
    return %max3A_1, %c0_i32, %c0_i32_2 : i32, i32, i32
  }
  func.func @transform_2(%arg0: i32) -> (i32, i32) {
    %c0_i32 = arith.constant 0 : i32
    %c0_i32_0 = arith.constant 0 : i32
    %c0_i32_1 = arith.constant 0 : i32
    return %c0_i32, %c0_i32_0 : i32, i32
  }
  func.func @transform_3(%arg0: i32) -> (i32, i32) {
    %c0_i32 = arith.constant 0 : i32
    %c0_i32_0 = arith.constant 0 : i32
    %c0_i32_1 = arith.constant 0 : i32
    return %c0_i32, %c0_i32_0 : i32, i32
  }
  func.func @transform_4(%arg0: i32) -> (i32, i32) {
    %c0_i32 = arith.constant 0 : i32
    %c0_i32_0 = arith.constant 0 : i32
    %c0_i32_1 = arith.constant 0 : i32
    return %c0_i32, %c0_i32_0 : i32, i32
  }
  func.func @transform_5(%arg0: i32) -> (i32, i32) {
    %c0_i32 = arith.constant 0 : i32
    %c0_i32_0 = arith.constant 0 : i32
    %c0_i32_1 = arith.constant 0 : i32
    return %c0_i32, %c0_i32_0 : i32, i32
  }
  func.func @transform_6(%arg0: i32) -> (i32, i32) {
    %c0_i32 = arith.constant 0 : i32
    %c0_i32_0 = arith.constant 0 : i32
    %c0_i32_1 = arith.constant 0 : i32
    return %c0_i32, %c0_i32_0 : i32, i32
  }
  func.func @transform_7(%arg0: i32) -> (i32, i32) {
    %c0_i32 = arith.constant 0 : i32
    %c0_i32_0 = arith.constant 0 : i32
    %c0_i32_1 = arith.constant 0 : i32
    return %c0_i32, %c0_i32_0 : i32, i32
  }
  func.func @transform_8(%arg0: i32) -> (i32, i32) {
    %c0_i32 = arith.constant 0 : i32
    %c0_i32_0 = arith.constant 0 : i32
    %c0_i32_1 = arith.constant 0 : i32
    return %c0_i32, %c0_i32_0 : i32, i32
  }
  func.func @transform_9(%arg0: i32) -> (i32, i32) {
    %c0_i32 = arith.constant 0 : i32
    %c0_i32_0 = arith.constant 0 : i32
    %c0_i32_1 = arith.constant 0 : i32
    return %c0_i32, %c0_i32_0 : i32, i32
  }
  func.func @transform_10(%arg0: i32) -> (i32, i32) {
    %c0_i32 = arith.constant 0 : i32
    %c0_i32_0 = arith.constant 0 : i32
    %c0_i32_1 = arith.constant 0 : i32
    return %c0_i32, %c0_i32_0 : i32, i32
  }
  func.func @transform_11(%arg0: i32) -> (i32, i32) {
    %c0_i32 = arith.constant 0 : i32
    %c0_i32_0 = arith.constant 0 : i32
    %c0_i32_1 = arith.constant 0 : i32
    return %c0_i32, %c0_i32_0 : i32, i32
  }
  func.func @transform_12(%arg0: i32) -> (i32, i32) {
    %c0_i32 = arith.constant 0 : i32
    %c0_i32_0 = arith.constant 0 : i32
    %c0_i32_1 = arith.constant 0 : i32
    return %c0_i32, %c0_i32_0 : i32, i32
  }
  func.func @transform_13(%arg0: i32) -> (i32, i32, i32) {
    %sub3A = arith.constant 1 : i32
    %sub3A_0 = arith.subi %arg0, %sub3A : i32
    %max3A = arith.constant 0 : i32
    %max3A_1 = arith.maxsi %sub3A_0, %max3A : i32
    %c0_i32 = arith.constant 0 : i32
    %c0_i32_2 = arith.constant 0 : i32
    %c0_i32_3 = arith.constant 0 : i32
    return %max3A_1, %c0_i32, %c0_i32_2 : i32, i32, i32
  }
  func.func @transform_14(%arg0: i32) -> (i32, i32, i32) {
    %sub3A = arith.constant 1 : i32
    %sub3A_0 = arith.subi %arg0, %sub3A : i32
    %max3A = arith.constant 0 : i32
    %max3A_1 = arith.maxsi %sub3A_0, %max3A : i32
    %c0_i32 = arith.constant 0 : i32
    %c0_i32_2 = arith.constant 0 : i32
    %c0_i32_3 = arith.constant 0 : i32
    return %max3A_1, %c0_i32, %c0_i32_2 : i32, i32, i32
  }
}

</mosaic_0001>

<sc_bundles>
// kernel: kernel.4.cloned.1.call-start
scs
__scs_entry_jumppad:
0x0: {  	(pc) =	sbr.rel $0x88, $3  }
0x1: {  	(tag) =	ssettag $0x0;
	lr =	simm.s32 $0x1  }
0x2: {  	[smem:$0x3F91] =	sst lr;
	_ =	strace $0xD0000000  }
0x3: {  	_ = 	snop  }
0x4: {  	_ = 	snop  }
0x5: {  	_ = 	snop  }
0x6: {  	_ = 	snop  }
0x7: {  	_ = 	snop  }
__scs_overlays_trampoline_lowered:
0x8: {  	[smem:$0x3FA0] =	sst s0  }
0x9: {  	[smem:$0x3FA1] =	sst s1  }
0xa: {  	[smem:$0x3FA2] =	sst s2  }
0xb: {  	[smem:$0x3FA3] =	sst s3  }
0xc: {  	[smem:$0x3FA4] =	sst s4  }
0xd: {  	[smem:$0x3FA5] =	sst s5  }
0xe: {  	[smem:$0x3FA6] =	sst s6  }
0xf: {  	[smem:$0x3FA7] =	sst s7  }
0x10: {  	[smem:$0x3FA8] =	sst s8  }
0x11: {  	[smem:$0x3FA9] =	sst s9;
	s0 =	simm.s32 @!p0 $0x0  }
0x12: {  	s1 =	sld [smem:$0x3F8F];
	s0 =	simm.s32 @p0 $0x1  }
0x13: {  	[smem:$0x3FAA] =	sst s0;
	s0 =	simm.s32 @!p1 $0x0  }
0x14: {  	s2 =	sld [smem:$0x3F8E];
	s0 =	simm.s32 @p1 $0x1  }
0x15: {  	[smem:$0x3FAB] =	sst s0;
	s0 =	simm.s32 @!p2 $0x0  }
0x16: {  	s3 =	sld [smem:$0x3FDB];
	s0 =	simm.s32 @p2 $0x1  }
0x17: {  	s4 =	simm.s32 $0x1BF5;
	[smem:$0x3FAD] =	sst s0  }
0x18: {  	s0 =	sld [smem:$0x3F90];
	_ =	swait.ge [sflag:s4], $0x0  }
0x19: {  	s7 =	sld [smem:$0x3F91]  }
0x1a: {  	s8 =	sadd.s32 $0xFFFFE003, lr  }
0x1b: {  	s9 =	sadd.s32 $0xFFFFFEF7, lr;
	s5 =	simm.s32 $0xFFFFFFFF;
	p2 =	slt.u32 s8, $0xFFFFF086  }
0x1c: {  	p1 =	slt.u32 s9, $0xF7A;
	s5 =	simm.s32 @!p2 $0x0  }
0x1d: {  	s5 =	simm.s32 @p1 $0x1;
	p0 =	seq.s32 s7, s2  }
0x1e: {  	s7 =	smul.u32 @!p0 $0xF7A, s2;
	p2 =	seq.s32 @!p0 s5, $0x0  }
0x1f: {  	s9 =	smul.u32 $0xF7A, s1;
	s8 =	simm.s32 @!p0 $0x1BF5;
	p2 =	por !p2, p0  }
0x20: {  	[sflag:s8] =	ssyncset.s32 @!p0 $0xFFFFF086;
	s6 =	sadd.s32 @!p0 s3, s7;
	s7 =	simm.s32 @!p0 $0x108  }
0x21: {  	s3 =	sadd.s32 s3, s9;
	s6 =	sadd.s32 @!p0 $0x88, s6;
	s7 =	simm.s32 @p2 $0x1082  }
0x22: {  	[simem:s7], [sflag:s8] =	dma.local @!p0 [hbm:s6], $0xF7A  }
0x23: {  	s9 =	sor.u32 $0xD0000000, s2;
	s6 =	simm.s32 $0x108;
	_ =	swait.ge @!p0 [sflag:s8], $0x0  }
0x24: {  	s3 =	sadd.s32 $0x88, s3;
	s6 =	simm.s32 @!p1 $0x1082;
	[sflag:s4] =	ssyncset.s32 $0xFFFFF086  }
0x25: {  	[simem:s6], [sflag:s4] =	dma.local [hbm:s3], $0xF7A  }
0x26: {  	[smem:$0x3F91] =	sst s1;
	(tag) =	ssettag s2;
	_ =	strace s9  }
0x27: {  	s1 =	sld [smem:$0x3FA1]  }
0x28: {  	s2 =	sld [smem:$0x3FA2]  }
0x29: {  	s4 =	sld [smem:$0x3FA4]  }
0x2a: {  	p0 =	seq.s32 s5, $0x0;
	s5 =	sld [smem:$0x3FA5]  }
0x2b: {  	s6 =	sld [smem:$0x3FA6]  }
0x2c: {  	s7 =	sld [smem:$0x3FA7]  }
0x2d: {  	s3 =	simm.s32 $0x108;
	s8 =	sld [smem:$0x3FA8]  }
0x2e: {  	s3 =	simm.s32 @!p0 $0x1082;
	s9 =	sld [smem:$0x3FA9]  }
0x2f: {  	lr =	sadd.s32 s0, s3;
	s0 =	sld [smem:$0x3FA0]  }
0x30: {  	s3 =	sld [smem:$0x3FA3]  }
0x31: {  	[smem:$0x3FAC] =	sst s10  }
0x32: {  	s10 =	sld [smem:$0x3FAA];
	_ =	sdelay $0x3  }
0x33: {  	p0 =	seq.s32 s10, $0x1;
	s10 =	sld [smem:$0x3FAC];
	_ =	sdelay $0x3  }
0x34: {  	[smem:$0x3FAC] =	sst s10  }
0x35: {  	s10 =	sld [smem:$0x3FAB];
	_ =	sdelay $0x3  }
0x36: {  	p1 =	seq.s32 s10, $0x1;
	s10 =	sld [smem:$0x3FAC];
	_ =	sdelay $0x3  }
0x37: {  	[smem:$0x3FAC] =	sst s10  }
0x38: {  	s10 =	sld [smem:$0x3FAD]  }
0x39: {  	_ = 	snop;
	(pc) =	sbr.ind lr, $3  }
0x3a: {  	_ = 	snop  }
0x3b: {  	_ = 	snop  }
0x3c: {  	p2 =	seq.s32 s10, $0x1;
	s10 =	sld [smem:$0x3FAC]  }
0x3d: {  	_ =	shalt  }
0x3e: {  	_ =	shalt  }
0x3f: {  	_ =	shalt  }
0x40: {  	_ =	shalt  }
0x41: {  	_ =	shalt  }
0x42: {  	_ =	shalt  }
0x43: {  	_ =	shalt  }
0x44: {  	_ =	shalt  }
0x45: {  	_ =	shalt  }
0x46: {  	_ =	shalt  }
0x47: {  	_ =	shalt  }
0x48: {  	_ =	shalt  }
0x49: {  	_ =	shalt  }
0x4a: {  	_ =	shalt  }
0x4b: {  	_ =	shalt  }
0x4c: {  	_ =	shalt  }
0x4d: {  	_ =	shalt  }
0x4e: {  	_ =	shalt  }
0x4f: {  	_ =	shalt  }
0x50: {  	_ =	shalt  }
0x51: {  	_ =	shalt  }
0x52: {  	_ =	shalt  }
0x53: {  	_ =	shalt  }
0x54: {  	_ =	shalt  }
0x55: {  	_ =	shalt  }
0x56: {  	_ =	shalt  }
0x57: {  	_ =	shalt  }
0x58: {  	_ =	shalt  }
0x59: {  	_ =	shalt  }
0x5a: {  	_ =	shalt  }
0x5b: {  	_ =	shalt  }
0x5c: {  	_ =	shalt  }
0x5d: {  	_ =	shalt  }
0x5e: {  	_ =	shalt  }
0x5f: {  	_ =	shalt  }
0x60: {  	_ =	shalt  }
0x61: {  	_ =	shalt  }
0x62: {  	_ =	shalt  }
0x63: {  	_ =	shalt  }
0x64: {  	_ =	shalt  }
0x65: {  	_ =	shalt  }
0x66: {  	_ =	shalt  }
0x67: {  	_ =	shalt  }
0x68: {  	_ =	shalt  }
0x69: {  	_ =	shalt  }
0x6a: {  	_ =	shalt  }
0x6b: {  	_ =	shalt  }
0x6c: {  	_ =	shalt  }
0x6d: {  	_ =	shalt  }
0x6e: {  	_ =	shalt  }
0x6f: {  	_ =	shalt  }
0x70: {  	_ =	shalt  }
0x71: {  	_ =	shalt  }
0x72: {  	_ =	shalt  }
0x73: {  	_ =	shalt  }
0x74: {  	_ =	shalt  }
0x75: {  	_ =	shalt  }
0x76: {  	_ =	shalt  }
0x77: {  	_ =	shalt  }
0x78: {  	_ =	shalt  }
0x79: {  	_ =	shalt  }
0x7a: {  	_ =	shalt  }
0x7b: {  	_ =	shalt  }
0x7c: {  	_ =	shalt  }
0x7d: {  	_ =	shalt  }
0x7e: {  	_ =	shalt  }
0x7f: {  	_ =	shalt  }
0x80: {  	_ =	shalt  }
0x81: {  	_ =	shalt  }
0x82: {  	_ =	shalt  }
0x83: {  	_ =	shalt  }
0x84: {  	_ =	shalt  }
0x85: {  	_ =	shalt  }
0x86: {  	_ =	shalt  }
0x87: {  	_ =	shalt  }
.Lfunc_end0:
.L_simem_size_0:
called_computation_lowered:
.L_overlay_start_0:
0x88: {  	s2 =	sld [smem:$0x3FD9]  }
0x89: {  	s3 =	sld [smem:$0x3FFE];
	_ =	sdelay $0x1  }
0x8a: {  	s1 =	srdreg.scid  }
0x8b: {  	s0 =	sand.u32 $0x1, s1  }
0x8c: {  	s17 =	sshll.u32 s0, $0xA;
	s2 =	sadd.s32 s3, s2  }
0x8d: {  	s2 =	sadd.s32 s2, s17  }
0x8e: {  	[smem:$0x3FB8] =	sst s2  }
0x8f: {  	_ = 	snop  }
0x90: {  	s2 =	sld [smem:$0x3FC5]  }
0x91: {  	s18 =	sld [smem:$0x3FC4];
	(tm) =	ssettm $0x1  }
0x92: {  	s4 =	sld [smem:$0x3FFB];
	_ =	sdelay $0x3  }
0x93: {  	_ =	strace s4  }
0x94: {  	s4 =	sld [smem:$0x3FFC];
	_ =	sdelay $0x3  }
0x95: {  	_ =	strace s4  }
0x96: {  	s4 =	sld [smem:$0x3FFD];
	_ =	sdelay $0x3  }
0x97: {  	_ =	strace s4  }
0x98: {  	_ =	strace $0x8FFFFFFF  }
0x99: {  	s19 =	sld [smem:$0x3FDB];
	_ =	sdelay $0x1  }
0x9a: {  	s5 =	simm.s32 $_scs_section_size  }
0x9b: {  	s6 =	simm.s32 $_size__tile_overlayer_lowered;
	s7 =	simm.s32 $_tile_overlayer_lowered  }
0x9c: {  	s22 =	simm.s32 $0x1BFF;
	s21 =	sshll.u32 s7, $0x1;
	s4 =	sadd.s32 s5, s19  }
0x9d: {  	s8 =	simm.s32 $0x0;
	s20 =	sshll.u32 s6, $0x1;
	s6 =	sadd.s32 s21, s4  }
0x9e: {  	[timem:s8], [sflag:s22] =	dma.local [hbm:s6], s20  }
0x9f: {  	_ =	swait.ge [sflag:s22], s20  }
0xa0: {  	s5 =	ssub.s32 $0x0, s20;
	[sflag:s22] =	ssyncset.done $0x0  }
0xa1: {  	[sflag:s22] =	ssyncadd.s32 s5;
	_ =	sdelay $0x1  }
0xa2: {  	s23 =	simm.s32 $0x1B8B  }
0xa3: {  	_ =	swait.ge [sflag:s23], $0x1  }
0xa4: {  	[sflag:s23] =	ssyncset.done $0x0  }
0xa5: {  	s25 =	simm.s32 $0x1B8E;
	s24 =	sld [smem:$0x3FFE];
	[sflag:s23] =	ssyncadd.s32 $0xFFFFFFFF  }
0xa6: {  	s26 =	simm.s32 $execute0_lowered;
	[smem:$0x3FD2] =	sst s25  }
0xa7: {  	s6 =	sshll.u32 s26, $0x1;
	_ =	strace $0x80000046;
	[dreg:$0x1] =	wrdreg $0xFFFFFFFF  }
0xa8: {  	s28 =	simm.s32 $_size_execute0_lowered;
	s4 =	sadd.s32 s4, s6;
	[dreg:$0x0] =	wrdreg $0x0  }
0xa9: {  	s6 =	sshll.u32 s28, $0x1;
	[dreg:$0x2] =	wrdreg s4  }
0xaa: {  	[dreg:$0x3] =	wrdreg s6  }
0xab: {  	[dreg:$0x4] =	wrdreg $0xC0  }
0xac: {  	_ =	task [dreg:s8], $0x5FFFF  }
0xad: {  	[dreg:$0x1] =	wrdreg $0xFFFFFFFF  }
0xae: {  	[dreg:$0x0] =	wrdreg $0x60  }
0xaf: {  	[dreg:$0x2] =	wrdreg s18  }
0xb0: {  	[dreg:$0x3] =	wrdreg s2  }
0xb1: {  	[dreg:$0x4] =	wrdreg s24  }
0xb2: {  	[dreg:$0x5] =	wrdreg $0x9  }
0xb3: {  	_ =	task.clear_ibuf [dreg:s8], $0x6FFFF;
	_ =	strace $0x90000046  }
0xb4: {  	s29 =	simm.s32 $0x9;
	_ =	strace $0x80000048  }
0xb5: {  	_ =	swait.ge [sflag:s29], $0x1  }
0xb6: {  	[sflag:s29] =	ssyncadd.s32 $0xFFFFFFFF  }
0xb7: {  	_ =	strace $0x90000048  }
0xb8: {  	_ =	sfence  }
0xb9: {  	s30 =	sld [smem:$0x0];
	_ =	sdelay $0x2  }
0xba: {  	s31 =	sshll.u32 s1, $0xD;
	s1 =	sshrl.u32 s1, $0x2  }
0xbb: {  	s3 =	sand.u32 $0x4000, s31;
	s1 =	sadd.s32 s1, s30  }
0xbc: {  	s0 =	sor.u32 s3, s0;
	s1 =	sshll.u32 s1, $0x11  }
0xbd: {  	s0 =	sor.u32 s1, s0  }
0xbe: {  	s0 =	sadd.s32 $0x8F2B, s0  }
0xbf: {  	[sflag:s0] =	ssyncadd.remote.s32 $0x1  }
0xc0: {  	_ =	sfence.sel $0xFFFF  }
0xc1: {  	[dreg:$0x0] =	wrdreg $0xFFFFFFFF;
	(pc) =	sbr.abs _section_cstart, $3  }
0xc2: {  	[dreg:$0x1] =	wrdreg $0xFFFFFFFF  }
0xc3: {  	_ =	task.clear_ibuf [dreg:s8], $0x2FFFF;
	_ =	strace $0x9FFFFFFF  }
0xc4: {  	(tm) =	ssettm $0x7FFFFFFF  }
0xc5: {  	_ =	shalt  }
tec
execute0_lowered:
.L_overlay_start_1:
0x0: {  	(tag) =	ssettag $0x1  }
0x1: {  	s3 =	rddreg [dreg:$0x0]  }
0x2: {  	s4 =	rddreg [dreg:$0x1]  }
0x3: {  	s5 =	rddreg [dreg:$0x2]  }
0x4: {  	s1 =	srdreg.scid;
	s0 =	rddreg [dreg:$0x3]  }
0x5: {  	s2 =	simm.s32 $0x0;
	s11 =	simm.s32 $0x1B00;
	s12 =	simm.s32 $0x0  }
0x6: {  	s6 =	sand.u32 $0x1, s1;
	s1 =	stileid.u32;
	[smem:$0x7FF] =	sst s2  }
0x7: {  	s7 =	sshll.u32 s6, $0x4;
	s8 =	sshll.u32 s1, $0x7;
	s9 =	sshll.u32 s1, $0xB  }
0x8: {  	s10 =	sshll.u32 s6, $0xD;
	_ =	strace $0x80000047;
	s7 =	sor.u32 s1, s7  }
0x9: {  	s6 =	ssub.s32 $0x2, s6;
	s9 =	sand.u32 $0x4000, s9;
	s7 =	sshrl.u32 s7, $0x3  }
0xa: {  	s8 =	sand.u32 $0x380, s8;
	s31 =	sshrl.u32 s6, $0x1;
	s7 =	smul.u32 $0xC00, s7  }
0xb: {  	s9 =	sor.u32 s10, s9;
	s6 =	ssub.s32 s6, s31;
	s10 =	simm.s32 $0x800  }
0xc: {  	s6 =	smax.u32 s6, $0x1;
	s7 =	sor.u32 s8, s7;
	s8 =	sor.u32 s8, s9  }
0xd: {  	s9 =	simm.s32 $0x1;
	s7 =	sshrl.u32 s7, $0x3;
	s8 =	sshrl.u32 s8, $0x3  }
0xe: {  	v1 =	vlaneseq.u32;
	s5 =	sadd.s32 s7, s5;
	s3 =	sadd.s32 s3, s8;
	s4 =	sadd.s32 s4, s8  }
0xf: {  	v0 =	vimm.f32 $0.0e+00;
	v2 =	vimm.f32 $1.000000000e+00;
	v1 =	vmul.u32 $0x130, v1;
	s7 =	simm.s32 $0x80;
	s8 =	simm.s32 $0x400;
	s5 =	sadd.s32 $0x600, s5  }
.LBB2_1:
0x10: {  	[tilespmem:s2], [sflag:$0x1] =	stream.strided.gather [hbm4b:s3+s7], $0x400, s8, s7, $0x38;
	[tilespmem:$0x1C80] =	vst v63  }
0x11: {  	_ =	swait.ge [sflag:s9], $0x400  }
0x12: {  	[sflag:s9] =	ssyncset.done $0x0  }
0x13: {  	[sflag:s9] =	ssyncadd.s32 $0xFFFFFC00  }
0x14: {  	[tilespmem:s8], [sflag:$0x1] =	stream.strided.gather [hbm4b:s4+s7], $0x400, s8, s7, $0x38;
	[tilespmem:$0x1C80] =	vst v63  }
0x15: {  	_ =	swait.ge [sflag:s9], $0x400  }
0x16: {  	[sflag:s9] =	ssyncset.done $0x0  }
0x17: {  	[sflag:s9] =	ssyncadd.s32 $0xFFFFFC00  }
0x18: {  	[tilespmem:$0x800] =	vst v0  }
0x19: {  	[tilespmem:$0x810] =	vst v0  }
0x1a: {  	[tilespmem:$0x820] =	vst v0  }
0x1b: {  	[tilespmem:$0x830] =	vst v0  }
0x1c: {  	[tilespmem:$0x840] =	vst v0  }
0x1d: {  	[tilespmem:$0x850] =	vst v0  }
0x1e: {  	[tilespmem:$0x860] =	vst v0  }
0x1f: {  	[tilespmem:$0x870] =	vst v0  }
0x20: {  	[tilespmem:$0x880] =	vst v0  }
0x21: {  	[tilespmem:$0x890] =	vst v0  }
0x22: {  	[tilespmem:$0x8A0] =	vst v0  }
0x23: {  	[tilespmem:$0x8B0] =	vst v0  }
0x24: {  	[tilespmem:$0x8C0] =	vst v0  }
0x25: {  	[tilespmem:$0x8D0] =	vst v0  }
0x26: {  	[tilespmem:$0x8E0] =	vst v0  }
0x27: {  	[tilespmem:$0x8F0] =	vst v0  }
0x28: {  	[tilespmem:$0x900] =	vst v0  }
0x29: {  	[tilespmem:$0x910] =	vst v0  }
0x2a: {  	[tilespmem:$0x920] =	vst v0  }
0x2b: {  	[tilespmem:$0x930] =	vst v0  }
0x2c: {  	[tilespmem:$0x940] =	vst v0  }
0x2d: {  	[tilespmem:$0x950] =	vst v0  }
0x2e: {  	[tilespmem:$0x960] =	vst v0  }
0x2f: {  	[tilespmem:$0x970] =	vst v0  }
0x30: {  	[tilespmem:$0x980] =	vst v0  }
0x31: {  	[tilespmem:$0x990] =	vst v0  }
0x32: {  	[tilespmem:$0x9A0] =	vst v0  }
0x33: {  	[tilespmem:$0x9B0] =	vst v0  }
0x34: {  	[tilespmem:$0x9C0] =	vst v0  }
0x35: {  	[tilespmem:$0x9D0] =	vst v0  }
0x36: {  	[tilespmem:$0x9E0] =	vst v0  }
0x37: {  	[tilespmem:$0x9F0] =	vst v0  }
0x38: {  	[tilespmem:$0xA00] =	vst v0  }
0x39: {  	[tilespmem:$0xA10] =	vst v0  }
0x3a: {  	[tilespmem:$0xA20] =	vst v0  }
0x3b: {  	[tilespmem:$0xA30] =	vst v0  }
0x3c: {  	[tilespmem:$0xA40] =	vst v0  }
0x3d: {  	[tilespmem:$0xA50] =	vst v0  }
0x3e: {  	[tilespmem:$0xA60] =	vst v0  }
0x3f: {  	[tilespmem:$0xA70] =	vst v0  }
0x40: {  	[tilespmem:$0xA80] =	vst v0  }
0x41: {  	[tilespmem:$0xA90] =	vst v0  }
0x42: {  	[tilespmem:$0xAA0] =	vst v0  }
0x43: {  	[tilespmem:$0xAB0] =	vst v0  }
0x44: {  	[tilespmem:$0xAC0] =	vst v0  }
0x45: {  	[tilespmem:$0xAD0] =	vst v0  }
0x46: {  	[tilespmem:$0xAE0] =	vst v0  }
0x47: {  	[tilespmem:$0xAF0] =	vst v0  }
0x48: {  	[tilespmem:$0xB00] =	vst v0  }
0x49: {  	[tilespmem:$0xB10] =	vst v0  }
0x4a: {  	[tilespmem:$0xB20] =	vst v0  }
0x4b: {  	[tilespmem:$0xB30] =	vst v0  }
0x4c: {  	[tilespmem:$0xB40] =	vst v0  }
0x4d: {  	[tilespmem:$0xB50] =	vst v0  }
0x4e: {  	[tilespmem:$0xB60] =	vst v0  }
0x4f: {  	[tilespmem:$0xB70] =	vst v0  }
0x50: {  	[tilespmem:$0xB80] =	vst v0  }
0x51: {  	[tilespmem:$0xB90] =	vst v0  }
0x52: {  	[tilespmem:$0xBA0] =	vst v0  }
0x53: {  	[tilespmem:$0xBB0] =	vst v0  }
0x54: {  	[tilespmem:$0xBC0] =	vst v0  }
0x55: {  	[tilespmem:$0xBD0] =	vst v0  }
0x56: {  	[tilespmem:$0xBE0] =	vst v0  }
0x57: {  	[tilespmem:$0xBF0] =	vst v0  }
0x58: {  	[tilespmem:$0xC00] =	vst v0  }
0x59: {  	[tilespmem:$0xC10] =	vst v0  }
0x5a: {  	[tilespmem:$0xC20] =	vst v0  }
0x5b: {  	[tilespmem:$0xC30] =	vst v0  }
0x5c: {  	[tilespmem:$0xC40] =	vst v0  }
0x5d: {  	[tilespmem:$0xC50] =	vst v0  }
0x5e: {  	[tilespmem:$0xC60] =	vst v0  }
0x5f: {  	[tilespmem:$0xC70] =	vst v0  }
0x60: {  	[tilespmem:$0xC80] =	vst v0  }
0x61: {  	[tilespmem:$0xC90] =	vst v0  }
0x62: {  	[tilespmem:$0xCA0] =	vst v0  }
0x63: {  	[tilespmem:$0xCB0] =	vst v0  }
0x64: {  	[tilespmem:$0xCC0] =	vst v0  }
0x65: {  	[tilespmem:$0xCD0] =	vst v0  }
0x66: {  	[tilespmem:$0xCE0] =	vst v0  }
0x67: {  	[tilespmem:$0xCF0] =	vst v0  }
0x68: {  	[tilespmem:$0xD00] =	vst v0  }
0x69: {  	[tilespmem:$0xD10] =	vst v0  }
0x6a: {  	[tilespmem:$0xD20] =	vst v0  }
0x6b: {  	[tilespmem:$0xD30] =	vst v0  }
0x6c: {  	[tilespmem:$0xD40] =	vst v0  }
0x6d: {  	[tilespmem:$0xD50] =	vst v0  }
0x6e: {  	[tilespmem:$0xD60] =	vst v0  }
0x6f: {  	[tilespmem:$0xD70] =	vst v0  }
0x70: {  	[tilespmem:$0xD80] =	vst v0  }
0x71: {  	[tilespmem:$0xD90] =	vst v0  }
0x72: {  	[tilespmem:$0xDA0] =	vst v0  }
0x73: {  	[tilespmem:$0xDB0] =	vst v0  }
0x74: {  	[tilespmem:$0xDC0] =	vst v0  }
0x75: {  	[tilespmem:$0xDD0] =	vst v0  }
0x76: {  	[tilespmem:$0xDE0] =	vst v0  }
0x77: {  	[tilespmem:$0xDF0] =	vst v0  }
0x78: {  	[tilespmem:$0xE00] =	vst v0  }
0x79: {  	[tilespmem:$0xE10] =	vst v0  }
0x7a: {  	[tilespmem:$0xE20] =	vst v0  }
0x7b: {  	[tilespmem:$0xE30] =	vst v0  }
0x7c: {  	[tilespmem:$0xE40] =	vst v0  }
0x7d: {  	[tilespmem:$0xE50] =	vst v0  }
0x7e: {  	[tilespmem:$0xE60] =	vst v0  }
0x7f: {  	[tilespmem:$0xE70] =	vst v0  }
0x80: {  	[tilespmem:$0xE80] =	vst v0  }
0x81: {  	[tilespmem:$0xE90] =	vst v0  }
0x82: {  	[tilespmem:$0xEA0] =	vst v0  }
0x83: {  	[tilespmem:$0xEB0] =	vst v0  }
0x84: {  	[tilespmem:$0xEC0] =	vst v0  }
0x85: {  	[tilespmem:$0xED0] =	vst v0  }
0x86: {  	[tilespmem:$0xEE0] =	vst v0  }
0x87: {  	[tilespmem:$0xEF0] =	vst v0  }
0x88: {  	[tilespmem:$0xF00] =	vst v0  }
0x89: {  	[tilespmem:$0xF10] =	vst v0  }
0x8a: {  	[tilespmem:$0xF20] =	vst v0  }
0x8b: {  	[tilespmem:$0xF30] =	vst v0  }
0x8c: {  	[tilespmem:$0xF40] =	vst v0  }
0x8d: {  	[tilespmem:$0xF50] =	vst v0  }
0x8e: {  	[tilespmem:$0xF60] =	vst v0  }
0x8f: {  	[tilespmem:$0xF70] =	vst v0  }
0x90: {  	[tilespmem:$0xF80] =	vst v0  }
0x91: {  	[tilespmem:$0xF90] =	vst v0  }
0x92: {  	[tilespmem:$0xFA0] =	vst v0  }
0x93: {  	[tilespmem:$0xFB0] =	vst v0  }
0x94: {  	[tilespmem:$0xFC0] =	vst v0  }
0x95: {  	[tilespmem:$0xFD0] =	vst v0  }
0x96: {  	[tilespmem:$0xFE0] =	vst v0  }
0x97: {  	[tilespmem:$0xFF0] =	vst v0  }
0x98: {  	[tilespmem:$0x1000] =	vst v0  }
0x99: {  	[tilespmem:$0x1010] =	vst v0  }
0x9a: {  	[tilespmem:$0x1020] =	vst v0  }
0x9b: {  	[tilespmem:$0x1030] =	vst v0  }
0x9c: {  	[tilespmem:$0x1040] =	vst v0  }
0x9d: {  	[tilespmem:$0x1050] =	vst v0  }
0x9e: {  	[tilespmem:$0x1060] =	vst v0  }
0x9f: {  	[tilespmem:$0x1070] =	vst v0  }
0xa0: {  	[tilespmem:$0x1080] =	vst v0  }
0xa1: {  	[tilespmem:$0x1090] =	vst v0  }
0xa2: {  	[tilespmem:$0x10A0] =	vst v0  }
0xa3: {  	[tilespmem:$0x10B0] =	vst v0  }
0xa4: {  	[tilespmem:$0x10C0] =	vst v0  }
0xa5: {  	[tilespmem:$0x10D0] =	vst v0  }
0xa6: {  	[tilespmem:$0x10E0] =	vst v0  }
0xa7: {  	[tilespmem:$0x10F0] =	vst v0  }
0xa8: {  	[tilespmem:$0x1100] =	vst v0  }
0xa9: {  	[tilespmem:$0x1110] =	vst v0  }
0xaa: {  	[tilespmem:$0x1120] =	vst v0  }
0xab: {  	[tilespmem:$0x1130] =	vst v0  }
0xac: {  	[tilespmem:$0x1140] =	vst v0  }
0xad: {  	[tilespmem:$0x1150] =	vst v0  }
0xae: {  	[tilespmem:$0x1160] =	vst v0  }
0xaf: {  	[tilespmem:$0x1170] =	vst v0  }
0xb0: {  	[tilespmem:$0x1180] =	vst v0  }
0xb1: {  	[tilespmem:$0x1190] =	vst v0  }
0xb2: {  	[tilespmem:$0x11A0] =	vst v0  }
0xb3: {  	[tilespmem:$0x11B0] =	vst v0  }
0xb4: {  	[tilespmem:$0x11C0] =	vst v0  }
0xb5: {  	[tilespmem:$0x11D0] =	vst v0  }
0xb6: {  	[tilespmem:$0x11E0] =	vst v0  }
0xb7: {  	[tilespmem:$0x11F0] =	vst v0  }
0xb8: {  	[tilespmem:$0x1200] =	vst v0  }
0xb9: {  	[tilespmem:$0x1210] =	vst v0  }
0xba: {  	[tilespmem:$0x1220] =	vst v0  }
0xbb: {  	[tilespmem:$0x1230] =	vst v0  }
0xbc: {  	[tilespmem:$0x1240] =	vst v0  }
0xbd: {  	[tilespmem:$0x1250] =	vst v0  }
0xbe: {  	[tilespmem:$0x1260] =	vst v0  }
0xbf: {  	[tilespmem:$0x1270] =	vst v0  }
0xc0: {  	[tilespmem:$0x1280] =	vst v0  }
0xc1: {  	[tilespmem:$0x1290] =	vst v0  }
0xc2: {  	[tilespmem:$0x12A0] =	vst v0  }
0xc3: {  	[tilespmem:$0x12B0] =	vst v0  }
0xc4: {  	[tilespmem:$0x12C0] =	vst v0  }
0xc5: {  	[tilespmem:$0x12D0] =	vst v0  }
0xc6: {  	[tilespmem:$0x12E0] =	vst v0  }
0xc7: {  	[tilespmem:$0x12F0] =	vst v0  }
0xc8: {  	[tilespmem:$0x1300] =	vst v0  }
0xc9: {  	[tilespmem:$0x1310] =	vst v0  }
0xca: {  	[tilespmem:$0x1320] =	vst v0  }
0xcb: {  	[tilespmem:$0x1330] =	vst v0  }
0xcc: {  	[tilespmem:$0x1340] =	vst v0  }
0xcd: {  	[tilespmem:$0x1350] =	vst v0  }
0xce: {  	[tilespmem:$0x1360] =	vst v0  }
0xcf: {  	[tilespmem:$0x1370] =	vst v0  }
0xd0: {  	[tilespmem:$0x1380] =	vst v0  }
0xd1: {  	[tilespmem:$0x1390] =	vst v0  }
0xd2: {  	[tilespmem:$0x13A0] =	vst v0  }
0xd3: {  	[tilespmem:$0x13B0] =	vst v0  }
0xd4: {  	[tilespmem:$0x13C0] =	vst v0  }
0xd5: {  	[tilespmem:$0x13D0] =	vst v0  }
0xd6: {  	[tilespmem:$0x13E0] =	vst v0  }
0xd7: {  	[tilespmem:$0x13F0] =	vst v0  }
0xd8: {  	[tilespmem:$0x1400] =	vst v0  }
0xd9: {  	[tilespmem:$0x1410] =	vst v0  }
0xda: {  	[tilespmem:$0x1420] =	vst v0  }
0xdb: {  	[tilespmem:$0x1430] =	vst v0  }
0xdc: {  	[tilespmem:$0x1440] =	vst v0  }
0xdd: {  	[tilespmem:$0x1450] =	vst v0  }
0xde: {  	[tilespmem:$0x1460] =	vst v0  }
0xdf: {  	[tilespmem:$0x1470] =	vst v0  }
0xe0: {  	[tilespmem:$0x1480] =	vst v0  }
0xe1: {  	[tilespmem:$0x1490] =	vst v0  }
0xe2: {  	[tilespmem:$0x14A0] =	vst v0  }
0xe3: {  	[tilespmem:$0x14B0] =	vst v0  }
0xe4: {  	[tilespmem:$0x14C0] =	vst v0  }
0xe5: {  	[tilespmem:$0x14D0] =	vst v0  }
0xe6: {  	[tilespmem:$0x14E0] =	vst v0  }
0xe7: {  	[tilespmem:$0x14F0] =	vst v0  }
0xe8: {  	[tilespmem:$0x1500] =	vst v0  }
0xe9: {  	[tilespmem:$0x1510] =	vst v0  }
0xea: {  	[tilespmem:$0x1520] =	vst v0  }
0xeb: {  	[tilespmem:$0x1530] =	vst v0  }
0xec: {  	[tilespmem:$0x1540] =	vst v0  }
0xed: {  	[tilespmem:$0x1550] =	vst v0  }
0xee: {  	[tilespmem:$0x1560] =	vst v0  }
0xef: {  	[tilespmem:$0x1570] =	vst v0  }
0xf0: {  	[tilespmem:$0x1580] =	vst v0  }
0xf1: {  	[tilespmem:$0x1590] =	vst v0  }
0xf2: {  	[tilespmem:$0x15A0] =	vst v0  }
0xf3: {  	[tilespmem:$0x15B0] =	vst v0  }
0xf4: {  	[tilespmem:$0x15C0] =	vst v0  }
0xf5: {  	[tilespmem:$0x15D0] =	vst v0  }
0xf6: {  	[tilespmem:$0x15E0] =	vst v0  }
0xf7: {  	[tilespmem:$0x15F0] =	vst v0  }
0xf8: {  	[tilespmem:$0x1600] =	vst v0  }
0xf9: {  	[tilespmem:$0x1610] =	vst v0  }
0xfa: {  	[tilespmem:$0x1620] =	vst v0  }
0xfb: {  	[tilespmem:$0x1630] =	vst v0  }
0xfc: {  	[tilespmem:$0x1640] =	vst v0  }
0xfd: {  	[tilespmem:$0x1650] =	vst v0  }
0xfe: {  	[tilespmem:$0x1660] =	vst v0  }
0xff: {  	[tilespmem:$0x1670] =	vst v0  }
0x100: {  	[tilespmem:$0x1680] =	vst v0  }
0x101: {  	[tilespmem:$0x1690] =	vst v0  }
0x102: {  	[tilespmem:$0x16A0] =	vst v0  }
0x103: {  	[tilespmem:$0x16B0] =	vst v0  }
0x104: {  	[tilespmem:$0x16C0] =	vst v0  }
0x105: {  	[tilespmem:$0x16D0] =	vst v0  }
0x106: {  	[tilespmem:$0x16E0] =	vst v0  }
0x107: {  	[tilespmem:$0x16F0] =	vst v0  }
0x108: {  	[tilespmem:$0x1700] =	vst v0  }
0x109: {  	[tilespmem:$0x1710] =	vst v0  }
0x10a: {  	[tilespmem:$0x1720] =	vst v0  }
0x10b: {  	[tilespmem:$0x1730] =	vst v0  }
0x10c: {  	[tilespmem:$0x1740] =	vst v0  }
0x10d: {  	[tilespmem:$0x1750] =	vst v0  }
0x10e: {  	[tilespmem:$0x1760] =	vst v0  }
0x10f: {  	[tilespmem:$0x1770] =	vst v0  }
0x110: {  	[tilespmem:$0x1780] =	vst v0  }
0x111: {  	[tilespmem:$0x1790] =	vst v0  }
0x112: {  	[tilespmem:$0x17A0] =	vst v0  }
0x113: {  	[tilespmem:$0x17B0] =	vst v0  }
0x114: {  	[tilespmem:$0x17C0] =	vst v0  }
0x115: {  	[tilespmem:$0x17D0] =	vst v0  }
0x116: {  	[tilespmem:$0x17E0] =	vst v0  }
0x117: {  	[tilespmem:$0x17F0] =	vst v0  }
0x118: {  	[tilespmem:$0x1800] =	vst v0  }
0x119: {  	[tilespmem:$0x1810] =	vst v0  }
0x11a: {  	[tilespmem:$0x1820] =	vst v0  }
0x11b: {  	[tilespmem:$0x1830] =	vst v0  }
0x11c: {  	[tilespmem:$0x1840] =	vst v0  }
0x11d: {  	[tilespmem:$0x1850] =	vst v0  }
0x11e: {  	[tilespmem:$0x1860] =	vst v0  }
0x11f: {  	[tilespmem:$0x1870] =	vst v0  }
0x120: {  	[tilespmem:$0x1880] =	vst v0  }
0x121: {  	[tilespmem:$0x1890] =	vst v0  }
0x122: {  	[tilespmem:$0x18A0] =	vst v0  }
0x123: {  	[tilespmem:$0x18B0] =	vst v0  }
0x124: {  	[tilespmem:$0x18C0] =	vst v0  }
0x125: {  	[tilespmem:$0x18D0] =	vst v0  }
0x126: {  	[tilespmem:$0x18E0] =	vst v0  }
0x127: {  	[tilespmem:$0x18F0] =	vst v0  }
0x128: {  	[tilespmem:$0x1900] =	vst v0  }
0x129: {  	[tilespmem:$0x1910] =	vst v0  }
0x12a: {  	[tilespmem:$0x1920] =	vst v0  }
0x12b: {  	[tilespmem:$0x1930] =	vst v0  }
0x12c: {  	[tilespmem:$0x1940] =	vst v0  }
0x12d: {  	[tilespmem:$0x1950] =	vst v0  }
0x12e: {  	[tilespmem:$0x1960] =	vst v0  }
0x12f: {  	[tilespmem:$0x1970] =	vst v0  }
0x130: {  	[tilespmem:$0x1980] =	vst v0  }
0x131: {  	[tilespmem:$0x1990] =	vst v0  }
0x132: {  	[tilespmem:$0x19A0] =	vst v0  }
0x133: {  	[tilespmem:$0x19B0] =	vst v0  }
0x134: {  	[tilespmem:$0x19C0] =	vst v0  }
0x135: {  	[tilespmem:$0x19D0] =	vst v0  }
0x136: {  	[tilespmem:$0x19E0] =	vst v0  }
0x137: {  	[tilespmem:$0x19F0] =	vst v0  }
0x138: {  	[tilespmem:$0x1A00] =	vst v0  }
0x139: {  	[tilespmem:$0x1A10] =	vst v0  }
0x13a: {  	[tilespmem:$0x1A20] =	vst v0  }
0x13b: {  	[tilespmem:$0x1A30] =	vst v0  }
0x13c: {  	[tilespmem:$0x1A40] =	vst v0  }
0x13d: {  	[tilespmem:$0x1A50] =	vst v0  }
0x13e: {  	[tilespmem:$0x1A60] =	vst v0  }
0x13f: {  	[tilespmem:$0x1A70] =	vst v0  }
0x140: {  	[tilespmem:$0x1A80] =	vst v0  }
0x141: {  	[tilespmem:$0x1A90] =	vst v0  }
0x142: {  	[tilespmem:$0x1AA0] =	vst v0  }
0x143: {  	[tilespmem:$0x1AB0] =	vst v0  }
0x144: {  	[tilespmem:$0x1AC0] =	vst v0  }
0x145: {  	[tilespmem:$0x1AD0] =	vst v0  }
0x146: {  	[tilespmem:$0x1AE0] =	vst v0  }
0x147: {  	s13 =	simm.s32 $0xFFFFFFF8;
	s14 =	simm.s32 $0x40;
	s15 =	simm.s32 $0x440;
	[tilespmem:$0x1AF0] =	vst v0  }
.LBB2_2:
0x148: {  	v3 =	vld [tilespmem:s14+$0xFFFFFFC0];
	_ =	sdelay $0x1  }
0x149: {  	v4 =	vld [tilespmem:s15+$0xFFFFFFC0];
	_ =	sdelay $0x2  }
0x14a: {  	v3 =	vmul.u32 $0x11, v3;
	_ =	sdelay $0x1  }
0x14b: {  	v3 =	vadd.s32 v3, v4  }
0x14c: {  	v3 =	vadd.s32 v1, v3;
	_ =	sdelay $0x4  }
0x14d: {  	[tilespmem:v3+s10+$0x0] =	vst.idx.add.f32.msk $0xffff, v2  }
0x14e: {  	v3 =	vld [tilespmem:s14+$0xFFFFFFD0];
	_ =	sdelay $0x1  }
0x14f: {  	v57 =	vld [tilespmem:s15+$0xFFFFFFD0];
	_ =	sdelay $0x2  }
0x150: {  	v3 =	vmul.u32 $0x11, v3;
	_ =	sdelay $0x1  }
0x151: {  	v3 =	vadd.s32 v3, v57  }
0x152: {  	v3 =	vadd.s32 v1, v3;
	_ =	sdelay $0x4  }
0x153: {  	[tilespmem:v3+s10+$0x0] =	vst.idx.add.f32.msk $0xffff, v2  }
0x154: {  	v3 =	vld [tilespmem:s14+$0xFFFFFFE0];
	_ =	sdelay $0x1  }
0x155: {  	v58 =	vld [tilespmem:s15+$0xFFFFFFE0];
	_ =	sdelay $0x2  }
0x156: {  	v3 =	vmul.u32 $0x11, v3;
	_ =	sdelay $0x1  }
0x157: {  	v3 =	vadd.s32 v3, v58  }
0x158: {  	v3 =	vadd.s32 v1, v3;
	_ =	sdelay $0x4  }
0x159: {  	[tilespmem:v3+s10+$0x0] =	vst.idx.add.f32.msk $0xffff, v2  }
0x15a: {  	v3 =	vld [tilespmem:s14+$0xFFFFFFF0];
	_ =	sdelay $0x1  }
0x15b: {  	v59 =	vld [tilespmem:s15+$0xFFFFFFF0];
	_ =	sdelay $0x2  }
0x15c: {  	v3 =	vmul.u32 $0x11, v3;
	_ =	sdelay $0x1  }
0x15d: {  	v3 =	vadd.s32 v3, v59  }
0x15e: {  	v3 =	vadd.s32 v1, v3;
	_ =	sdelay $0x4  }
0x15f: {  	[tilespmem:v3+s10+$0x0] =	vst.idx.add.f32.msk $0xffff, v2  }
0x160: {  	v3 =	vld [tilespmem:s14+$0x0];
	_ =	sdelay $0x1  }
0x161: {  	v60 =	vld [tilespmem:s15+$0x0];
	_ =	sdelay $0x2  }
0x162: {  	v3 =	vmul.u32 $0x11, v3;
	_ =	sdelay $0x1  }
0x163: {  	v3 =	vadd.s32 v3, v60  }
0x164: {  	v3 =	vadd.s32 v1, v3;
	_ =	sdelay $0x4  }
0x165: {  	[tilespmem:v3+s10+$0x0] =	vst.idx.add.f32.msk $0xffff, v2  }
0x166: {  	v3 =	vld [tilespmem:s14+$0x10];
	_ =	sdelay $0x1  }
0x167: {  	v61 =	vld [tilespmem:s15+$0x10];
	_ =	sdelay $0x2  }
0x168: {  	v3 =	vmul.u32 $0x11, v3;
	_ =	sdelay $0x1  }
0x169: {  	v3 =	vadd.s32 v3, v61  }
0x16a: {  	v3 =	vadd.s32 v1, v3;
	_ =	sdelay $0x4  }
0x16b: {  	[tilespmem:v3+s10+$0x0] =	vst.idx.add.f32.msk $0xffff, v2  }
0x16c: {  	v3 =	vld [tilespmem:s14+$0x20];
	_ =	sdelay $0x1  }
0x16d: {  	v62 =	vld [tilespmem:s15+$0x20];
	_ =	sdelay $0x2  }
0x16e: {  	v3 =	vmul.u32 $0x11, v3;
	_ =	sdelay $0x1  }
0x16f: {  	v3 =	vadd.s32 v3, v62  }
0x170: {  	v3 =	vadd.s32 v1, v3;
	_ =	sdelay $0x4  }
0x171: {  	[tilespmem:v3+s10+$0x0] =	vst.idx.add.f32.msk $0xffff, v2  }
0x172: {  	v3 =	vld [tilespmem:s14+$0x30];
	_ =	sdelay $0x1  }
0x173: {  	v63 =	vld [tilespmem:s15+$0x30];
	_ =	sdelay $0x2  }
0x174: {  	v3 =	vmul.u32 $0x11, v3;
	_ =	sdelay $0x1  }
0x175: {  	s13 =	sadd.s32 $0x8, s13;
	v3 =	vadd.s32 v3, v63  }
0x176: {  	p0 =	slt.u32 s13, $0x38;
	v3 =	vadd.s32 v1, v3  }
.Ltmp0:
0x177: {  	_ = 	snop;
	(pc) =	sbr.rel @p0 .LBB2_2-.Ltmp0, $2  }
0x178: {  	_ =	sdelay $0x2  }
0x179: {  	s14 =	sadd.s32 $0x80, s14;
	s15 =	sadd.s32 $0x80, s15;
	[tilespmem:v3+s10+$0x0] =	vst.idx.add.f32.msk $0xffff, v2  }
0x17a: {  	v3 =	vld [tilespmem:$0x1180];
	_ =	sdelay $0x4  }
0x17b: {  	[tilespmem:$0x1F820] =	vst v3;
	v3 =	vld [tilespmem:$0x12B0]  }
0x17c: {  	v23 =	vld [tilespmem:$0x800]  }
0x17d: {  	v20 =	vld [tilespmem:$0x930]  }
0x17e: {  	v47 =	vld [tilespmem:$0xA60]  }
0x17f: {  	v29 =	vld [tilespmem:$0xB90]  }
0x180: {  	[tilespmem:$0x1F830] =	vst v3;
	v3 =	vld [tilespmem:$0x13E0]  }
0x181: {  	v33 =	vld [tilespmem:$0xCC0]  }
0x182: {  	v40 =	vld [tilespmem:$0xDF0]  }
0x183: {  	v46 =	vld [tilespmem:$0xF20]  }
0x184: {  	v56 =	vld [tilespmem:$0x1050]  }
0x185: {  	[tilespmem:$0x1F840] =	vst v3;
	v3 =	vld [tilespmem:$0x1510]  }
0x186: {  	v11 =	vld [tilespmem:$0x810]  }
0x187: {  	v9 =	vld [tilespmem:$0x940]  }
0x188: {  	v13 =	vld [tilespmem:$0xA70]  }
0x189: {  	v16 =	vld [tilespmem:$0xBA0]  }
0x18a: {  	[tilespmem:$0x1F850] =	vst v3;
	v3 =	vld [tilespmem:$0x1640]  }
0x18b: {  	v28 =	vld [tilespmem:$0xCD0]  }
0x18c: {  	v39 =	vld [tilespmem:$0xE00]  }
0x18d: {  	v50 =	vld [tilespmem:$0xF30]  }
0x18e: {  	v61 =	vld [tilespmem:$0x1060]  }
0x18f: {  	[tilespmem:$0x1F860] =	vst v3;
	v3 =	vld [tilespmem:$0x1770]  }
0x190: {  	v37 =	vld [tilespmem:$0x1190]  }
0x191: {  	v44 =	vld [tilespmem:$0x12C0]  }
0x192: {  	v52 =	vld [tilespmem:$0x13F0]  }
0x193: {  	v60 =	vld [tilespmem:$0x1520]  }
0x194: {  	[tilespmem:$0x1F880] =	vst v3;
	v3 =	vld [tilespmem:$0x18A0]  }
0x195: {  	v4 =	vld [tilespmem:$0x820]  }
0x196: {  	v5 =	vld [tilespmem:$0xA80]  }
0x197: {  	v6 =	vld [tilespmem:$0xBB0]  }
0x198: {  	v7 =	vld [tilespmem:$0xCE0]  }
0x199: {  	[tilespmem:$0x1F8A0] =	vst v3;
	v3 =	vld [tilespmem:$0x19D0]  }
0x19a: {  	v12 =	vld [tilespmem:$0xE10]  }
0x19b: {  	v15 =	vld [tilespmem:$0xF40]  }
0x19c: {  	v18 =	vld [tilespmem:$0x1070]  }
0x19d: {  	v22 =	vld [tilespmem:$0x11A0]  }
0x19e: {  	[tilespmem:$0x1F8C0] =	vst v3;
	v3 =	vld [tilespmem:$0x1650]  }
0x19f: {  	v26 =	vld [tilespmem:$0x12D0]  }
0x1a0: {  	v30 =	vld [tilespmem:$0x1400]  }
0x1a1: {  	v35 =	vld [tilespmem:$0x1530]  }
0x1a2: {  	v43 =	vld [tilespmem:$0x1660]  }
0x1a3: {  	[tilespmem:$0x1F870] =	vst v3;
	v3 =	vld [tilespmem:$0x1780]  }
0x1a4: {  	v8 =	vld [tilespmem:$0x19F0]  }
0x1a5: {  	v45 =	vld [tilespmem:$0xA90]  }
0x1a6: {  	v48 =	vld [tilespmem:$0xBC0]  }
0x1a7: {  	v49 =	vld [tilespmem:$0xCF0]  }
0x1a8: {  	[tilespmem:$0x1F890] =	vst v3;
	v3 =	vld [tilespmem:$0x18B0]  }
0x1a9: {  	v53 =	vld [tilespmem:$0xE20];
	[tilespmem:$0x1F8E0] =	vst v8  }
0x1aa: {  	v54 =	vld [tilespmem:$0xF50];
	[tilespmem:$0x1F8F0] =	vst v45  }
0x1ab: {  	v58 =	vld [tilespmem:$0x1080];
	[tilespmem:$0x1F900] =	vst v48  }
0x1ac: {  	v59 =	vld [tilespmem:$0x11B0];
	[tilespmem:$0x1F910] =	vst v49  }
0x1ad: {  	[tilespmem:$0x1F8B0] =	vst v3;
	v3 =	vld [tilespmem:$0x19E0]  }
0x1ae: {  	v62 =	vld [tilespmem:$0x12E0];
	[tilespmem:$0x1F920] =	vst v53  }
0x1af: {  	v51 =	vld [tilespmem:$0x1790];
	[tilespmem:$0x1F940] =	vst v54  }
0x1b0: {  	v55 =	vld [tilespmem:$0x18C0];
	[tilespmem:$0x1F960] =	vst v58  }
0x1b1: {  	v63 =	vld [tilespmem:$0x830];
	[tilespmem:$0x1F980] =	vst v59  }
0x1b2: {  	v57 =	vld [tilespmem:$0x960];
	[tilespmem:$0x1F8D0] =	vst v3  }
0x1b3: {  	v3 =	vld [tilespmem:$0x950];
	[tilespmem:$0x1F9B0] =	vst v62  }
0x1b4: {  	v58 =	vld [tilespmem:$0x1A10];
	_ =	sdelay $0x4  }
0x1b5: {  	[tilespmem:$0x1FB30] =	vst v58;
	v58 =	vld [tilespmem:$0x1570];
	_ =	sdelay $0x4  }
0x1b6: {  	[tilespmem:$0x1FA80] =	vst v58;
	v58 =	vld [tilespmem:$0x16A0];
	_ =	sdelay $0x4  }
0x1b7: {  	[tilespmem:$0x1FAC0] =	vst v58;
	v58 =	vld [tilespmem:$0x17D0];
	_ =	sdelay $0x4  }
0x1b8: {  	[tilespmem:$0x1FB00] =	vst v58;
	v58 =	vld [tilespmem:$0x1900];
	_ =	sdelay $0x4  }
0x1b9: {  	[tilespmem:$0x1FB40] =	vst v58;
	v58 =	vld [tilespmem:$0x1A30];
	_ =	sdelay $0x4  }
0x1ba: {  	[tilespmem:$0x1FB80] =	vst v58;
	v58 =	vld [tilespmem:$0x870];
	_ =	sdelay $0x4  }
0x1bb: {  	[tilespmem:$0x1FB60] =	vst v58;
	v58 =	vld [tilespmem:$0x9A0];
	_ =	sdelay $0x4  }
0x1bc: {  	[tilespmem:$0x1FB70] =	vst v58;
	v58 =	vld [tilespmem:$0xAD0];
	_ =	sdelay $0x4  }
0x1bd: {  	[tilespmem:$0x1FBB0] =	vst v58;
	v58 =	vld [tilespmem:$0xC00];
	_ =	sdelay $0x4  }
0x1be: {  	[tilespmem:$0x1FBE0] =	vst v58;
	v58 =	vld [tilespmem:$0xD30];
	_ =	sdelay $0x4  }
0x1bf: {  	[tilespmem:$0x1FC10] =	vst v58;
	v58 =	vld [tilespmem:$0xE60];
	_ =	sdelay $0x4  }
0x1c0: {  	[tilespmem:$0x1FC40] =	vst v58;
	v58 =	vld [tilespmem:$0xF90];
	_ =	sdelay $0x4  }
0x1c1: {  	[tilespmem:$0x1FC70] =	vst v58;
	v58 =	vld [tilespmem:$0x10C0];
	_ =	sdelay $0x4  }
0x1c2: {  	[tilespmem:$0x1FCA0] =	vst v58;
	v58 =	vld [tilespmem:$0x11F0];
	_ =	sdelay $0x4  }
0x1c3: {  	[tilespmem:$0x1FCD0] =	vst v58;
	v58 =	vld [tilespmem:$0x1320];
	_ =	sdelay $0x4  }
0x1c4: {  	[tilespmem:$0x1FD00] =	vst v58;
	v58 =	vld [tilespmem:$0x1450];
	_ =	sdelay $0x4  }
0x1c5: {  	[tilespmem:$0x1FD30] =	vst v58;
	v58 =	vld [tilespmem:$0x1580];
	_ =	sdelay $0x4  }
0x1c6: {  	[tilespmem:$0x1FD60] =	vst v58;
	v58 =	vld [tilespmem:$0x16B0];
	_ =	sdelay $0x4  }
0x1c7: {  	[tilespmem:$0x1FD90] =	vst v58;
	v58 =	vld [tilespmem:$0x17E0];
	_ =	sdelay $0x4  }
0x1c8: {  	[tilespmem:$0x1FDC0] =	vst v58;
	v58 =	vld [tilespmem:$0x1910];
	_ =	sdelay $0x4  }
0x1c9: {  	[tilespmem:$0x1FE00] =	vst v58;
	v58 =	vld [tilespmem:$0x1A40];
	_ =	sdelay $0x4  }
0x1ca: {  	[tilespmem:$0x1FE30] =	vst v58;
	v58 =	vld [tilespmem:$0x880];
	_ =	sdelay $0x4  }
0x1cb: {  	[tilespmem:$0x1FB90] =	vst v58;
	v58 =	vld [tilespmem:$0x9B0];
	_ =	sdelay $0x4  }
0x1cc: {  	[tilespmem:$0x1FBA0] =	vst v58;
	v58 =	vld [tilespmem:$0xAE0];
	_ =	sdelay $0x4  }
0x1cd: {  	[tilespmem:$0x1FBD0] =	vst v58;
	v58 =	vld [tilespmem:$0xC10];
	_ =	sdelay $0x4  }
0x1ce: {  	[tilespmem:$0x1FC00] =	vst v58;
	v58 =	vld [tilespmem:$0xD40];
	_ =	sdelay $0x4  }
0x1cf: {  	[tilespmem:$0x1FC30] =	vst v58;
	v58 =	vld [tilespmem:$0xE70];
	_ =	sdelay $0x4  }
0x1d0: {  	[tilespmem:$0x1FC60] =	vst v58;
	v58 =	vld [tilespmem:$0xFA0];
	_ =	sdelay $0x3  }
0x1d1: {  	v8 =	vld [tilespmem:$0x1410]  }
0x1d2: {  	[tilespmem:$0x1FC90] =	vst v58;
	v58 =	vld [tilespmem:$0x10D0]  }
0x1d3: {  	v14 =	vld [tilespmem:$0x1540]  }
0x1d4: {  	v17 =	vld [tilespmem:$0x1670]  }
0x1d5: {  	v19 =	vld [tilespmem:$0x17A0]  }
0x1d6: {  	v21 =	vld [tilespmem:$0x18D0]  }
0x1d7: {  	[tilespmem:$0x1FCC0] =	vst v58;
	v58 =	vld [tilespmem:$0x1200]  }
0x1d8: {  	v24 =	vld [tilespmem:$0x1A00]  }
0x1d9: {  	v36 =	vld [tilespmem:$0x840]  }
0x1da: {  	v34 =	vld [tilespmem:$0x970]  }
0x1db: {  	v41 =	vld [tilespmem:$0xAA0]  }
0x1dc: {  	[tilespmem:$0x1FCF0] =	vst v58;
	v58 =	vld [tilespmem:$0x1330]  }
0x1dd: {  	v49 =	vld [tilespmem:$0xBD0]  }
0x1de: {  	v59 =	vld [tilespmem:$0xD00]  }
0x1df: {  	v25 =	vld [tilespmem:$0xE30]  }
0x1e0: {  	v27 =	vld [tilespmem:$0xF60]  }
0x1e1: {  	[tilespmem:$0x1FD20] =	vst v58;
	v58 =	vld [tilespmem:$0x1460]  }
0x1e2: {  	v31 =	vld [tilespmem:$0x1090]  }
0x1e3: {  	v32 =	vld [tilespmem:$0x11C0]  }
0x1e4: {  	v38 =	vld [tilespmem:$0x12F0]  }
0x1e5: {  	v42 =	vld [tilespmem:$0x1420]  }
0x1e6: {  	[tilespmem:$0x1FD50] =	vst v58;
	v58 =	vld [tilespmem:$0x1590]  }
0x1e7: {  	v45 =	vld [tilespmem:$0x1550]  }
0x1e8: {  	v48 =	vld [tilespmem:$0x1680]  }
0x1e9: {  	v53 =	vld [tilespmem:$0x17B0]  }
0x1ea: {  	v54 =	vld [tilespmem:$0x18E0]  }
0x1eb: {  	v11 =	vadd.f32 v9, v11;
	[tilespmem:$0x1FD80] =	vst v58;
	v58 =	vld [tilespmem:$0x16C0]  }
0x1ec: {  	v62 =	vld [tilespmem:$0x10A0]  }
0x1ed: {  	v20 =	vadd.f32 v20, v23;
	v13 =	vadd.f32 v13, v11;
	v10 =	vld [tilespmem:$0x860]  }
0x1ee: {  	v9 =	vld [tilespmem:$0x8A0]  }
0x1ef: {  	v20 =	vadd.f32 v47, v20;
	v13 =	vadd.f32 v16, v13;
	v47 =	vld [tilespmem:$0x9D0]  }
0x1f0: {  	[tilespmem:$0x1FDB0] =	vst v58;
	v58 =	vld [tilespmem:$0x17F0]  }
0x1f1: {  	v23 =	vadd.f32 v28, v13;
	v28 =	vld [tilespmem:$0xE90]  }
0x1f2: {  	v3 =	vadd.f32 v3, v4;
	v4 =	vld [tilespmem:$0xC30]  }
0x1f3: {  	[tilespmem:$0x1FAD0] =	vst v21;
	v21 =	vld [tilespmem:$0x850]  }
0x1f4: {  	[tilespmem:$0x1FA90] =	vst v19;
	v19 =	vld [tilespmem:$0x980]  }
0x1f5: {  	[tilespmem:$0x1FDE0] =	vst v58;
	v58 =	vld [tilespmem:$0x1920]  }
0x1f6: {  	[tilespmem:$0x1F930] =	vst v25;
	v25 =	vld [tilespmem:$0xAB0]  }
0x1f7: {  	[tilespmem:$0x1F970] =	vst v31;
	v31 =	vld [tilespmem:$0xBE0]  }
0x1f8: {  	[tilespmem:$0x1F9D0] =	vst v38;
	v38 =	vld [tilespmem:$0xD10]  }
0x1f9: {  	[tilespmem:$0x1FA30] =	vst v45;
	v45 =	vld [tilespmem:$0xE40]  }
0x1fa: {  	[tilespmem:$0x1FE20] =	vst v58;
	v58 =	vld [tilespmem:$0x1A50]  }
0x1fb: {  	[tilespmem:$0x1FAB0] =	vst v53;
	v53 =	vld [tilespmem:$0xF70]  }
0x1fc: {  	[tilespmem:$0x1FA10] =	vst v14;
	v14 =	vld [tilespmem:$0x11D0]  }
0x1fd: {  	[tilespmem:$0x1FA50] =	vst v17;
	v17 =	vld [tilespmem:$0x1300]  }
0x1fe: {  	[tilespmem:$0x1FB10] =	vst v24;
	v24 =	vld [tilespmem:$0x1430]  }
0x1ff: {  	[tilespmem:$0x1FE50] =	vst v58;
	v58 =	vld [tilespmem:$0x890]  }
0x200: {  	[tilespmem:$0x1F950] =	vst v27;
	v27 =	vld [tilespmem:$0x1560]  }
0x201: {  	[tilespmem:$0x1F9A0] =	vst v32;
	v32 =	vld [tilespmem:$0x1690]  }
0x202: {  	[tilespmem:$0x1FA00] =	vst v42;
	v42 =	vld [tilespmem:$0x17C0]  }
0x203: {  	[tilespmem:$0x1FA70] =	vst v48;
	v48 =	vld [tilespmem:$0x18F0]  }
0x204: {  	[tilespmem:$0x1FBC0] =	vst v58;
	v58 =	vld [tilespmem:$0xAF0]  }
0x205: {  	[tilespmem:$0x1FAF0] =	vst v54;
	v54 =	vld [tilespmem:$0x1A20]  }
0x206: {  	[tilespmem:$0x1F9E0] =	vst v8;
	v8 =	vld [tilespmem:$0x990]  }
0x207: {  	[tilespmem:$0x1F990] =	vst v62;
	v62 =	vld [tilespmem:$0x1310]  }
0x208: {  	v3 =	vadd.f32 v5, v3;
	v5 =	vld [tilespmem:$0xD60]  }
0x209: {  	[tilespmem:$0x1FBF0] =	vst v58;
	v58 =	vld [tilespmem:$0xC20]  }
0x20a: {  	v3 =	vadd.f32 v6, v3;
	v6 =	vadd.f32 v39, v23;
	v39 =	vld [tilespmem:$0x10F0]  }
0x20b: {  	[tilespmem:$0x1F9C0] =	vst v14;
	v14 =	vld [tilespmem:$0xAC0]  }
0x20c: {  	[tilespmem:$0x1F9F0] =	vst v17;
	v17 =	vld [tilespmem:$0xBF0]  }
0x20d: {  	[tilespmem:$0x1FA20] =	vst v24;
	v24 =	vld [tilespmem:$0xD20]  }
0x20e: {  	[tilespmem:$0x1FC20] =	vst v58;
	v58 =	vld [tilespmem:$0xD50]  }
0x20f: {  	[tilespmem:$0x1FA60] =	vst v27;
	v27 =	vld [tilespmem:$0xE50]  }
0x210: {  	[tilespmem:$0x1FAA0] =	vst v32;
	v32 =	vld [tilespmem:$0xF80]  }
0x211: {  	[tilespmem:$0x1FAE0] =	vst v42;
	v42 =	vld [tilespmem:$0x10B0]  }
0x212: {  	[tilespmem:$0x1FB20] =	vst v48;
	v48 =	vld [tilespmem:$0x11E0]  }
0x213: {  	[tilespmem:$0x1FC50] =	vst v58;
	v58 =	vld [tilespmem:$0xE80]  }
0x214: {  	[tilespmem:$0x1FB50] =	vst v54;
	v54 =	vld [tilespmem:$0x1440]  }
0x215: {  	v7 =	vadd.f32 v7, v3;
	v3 =	vld [tilespmem:$0xFC0]  }
0x216: {  	v6 =	vadd.f32 v50, v6;
	v50 =	vld [tilespmem:$0x1350]  }
0x217: {  	v8 =	vadd.f32 v8, v10;
	v10 =	vld [tilespmem:$0x1950]  }
0x218: {  	v7 =	vadd.f32 v12, v7;
	[tilespmem:$0x1FC80] =	vst v58;
	v58 =	vld [tilespmem:$0xFB0]  }
0x219: {  	v6 =	vadd.f32 v61, v6;
	v61 =	vld [tilespmem:$0x15B0]  }
0x21a: {  	v7 =	vadd.f32 v15, v7;
	v15 =	vld [tilespmem:$0x1810]  }
0x21b: {  	v6 =	vadd.f32 v37, v6;
	v37 =	vld [tilespmem:$0x1F860]  }
0x21c: {  	[tilespmem:$0x1FA40] =	vst v54;
	v54 =	vld [tilespmem:$0x9C0]  }
0x21d: {  	[tilespmem:$0x1FCB0] =	vst v58;
	v58 =	vld [tilespmem:$0x10E0]  }
0x21e: {  	v8 =	vadd.f32 v14, v8;
	v7 =	vadd.f32 v18, v7;
	v18 =	vld [tilespmem:$0x1A70]  }
0x21f: {  	v16 =	vadd.f32 v44, v6;
	v44 =	vld [tilespmem:$0x1F870]  }
0x220: {  	v8 =	vadd.f32 v17, v8;
	v17 =	vld [tilespmem:$0x1FA60]  }
0x221: {  	v7 =	vadd.f32 v22, v7;
	v22 =	vld [tilespmem:$0x1F840]  }
0x222: {  	[tilespmem:$0x1FCE0] =	vst v58;
	v58 =	vld [tilespmem:$0x1210]  }
0x223: {  	v12 =	vadd.f32 v52, v16;
	v52 =	vld [tilespmem:$0x9E0]  }
0x224: {  	v16 =	vld [tilespmem:$0xFD0]  }
0x225: {  	v8 =	vadd.f32 v24, v8;
	v24 =	vld [tilespmem:$0x1FAB0]  }
0x226: {  	v23 =	vadd.f32 v26, v7;
	v26 =	vld [tilespmem:$0x8B0]  }
0x227: {  	[tilespmem:$0x1FD10] =	vst v58;
	v58 =	vld [tilespmem:$0x1340]  }
0x228: {  	v12 =	vadd.f32 v60, v12;
	v60 =	vld [tilespmem:$0x1F880]  }
0x229: {  	v7 =	vld [tilespmem:$0x1850]  }
0x22a: {  	[tilespmem:$0x1FE90] =	vst v18;
	v18 =	vld [tilespmem:$0x1F890]  }
0x22b: {  	v8 =	vadd.f32 v27, v8;
	v27 =	vld [tilespmem:$0x1110]  }
0x22c: {  	[tilespmem:$0x1FD40] =	vst v58;
	v58 =	vld [tilespmem:$0x1470]  }
0x22d: {  	v13 =	vadd.f32 v30, v23;
	v30 =	vld [tilespmem:$0xB10]  }
0x22e: {  	v23 =	vld [tilespmem:$0x1F8A0]  }
0x22f: {  	v12 =	vadd.f32 v44, v12;
	v44 =	vld [tilespmem:$0x15C0]  }
0x230: {  	[tilespmem:$0x1FEE0] =	vst v16;
	v16 =	vld [tilespmem:$0x1F900]  }
0x231: {  	[tilespmem:$0x1FD70] =	vst v58;
	v58 =	vld [tilespmem:$0x15A0]  }
0x232: {  	v8 =	vadd.f32 v32, v8;
	v32 =	vld [tilespmem:$0xEC0]  }
0x233: {  	v13 =	vadd.f32 v35, v13;
	[tilespmem:$0x1FE80] =	vst v26;
	v26 =	vld [tilespmem:$0x1230]  }
0x234: {  	v8 =	vadd.f32 v42, v8;
	v42 =	vld [tilespmem:$0x1700]  }
0x235: {  	v13 =	vadd.f32 v43, v13;
	v43 =	vadd.f32 v57, v63;
	v57 =	vld [tilespmem:$0x16F0]  }
0x236: {  	[tilespmem:$0x1FDA0] =	vst v58;
	v58 =	vld [tilespmem:$0x16D0]  }
0x237: {  	v63 =	vld [tilespmem:$0x1820]  }
0x238: {  	[tilespmem:$0x1FEA0] =	vst v30;
	v30 =	vld [tilespmem:$0x1360]  }
0x239: {  	[tilespmem:$0x1FF30] =	vst v44;
	v44 =	vld [tilespmem:$0xEB0]  }
0x23a: {  	v8 =	vadd.f32 v48, v8;
	v48 =	vld [tilespmem:$0xA00]  }
0x23b: {  	[tilespmem:$0x1FDD0] =	vst v58;
	v58 =	vld [tilespmem:$0x1800]  }
0x23c: {  	v13 =	vadd.f32 v51, v13;
	v51 =	vld [tilespmem:$0x1F8E0]  }
0x23d: {  	v8 =	vadd.f32 v62, v8;
	v62 =	vld [tilespmem:$0x1FA20]  }
0x23e: {  	v35 =	vadd.f32 v55, v13;
	v55 =	vadd.f32 v34, v36;
	v36 =	vld [tilespmem:$0x9F0]  }
0x23f: {  	[tilespmem:$0x1FF00] =	vst v26;
	v26 =	vld [tilespmem:$0x1F940]  }
0x240: {  	[tilespmem:$0x1FE10] =	vst v58;
	v58 =	vld [tilespmem:$0x1930]  }
0x241: {  	v34 =	vld [tilespmem:$0x1F970]  }
0x242: {  	[tilespmem:$0x1FF50] =	vst v63;
	v63 =	vld [tilespmem:$0x1A90]  }
0x243: {  	v13 =	vld [tilespmem:$0x1FA40]  }
0x244: {  	[tilespmem:$0x1FF40] =	vst v57;
	v57 =	vld [tilespmem:$0x1F9F0]  }
0x245: {  	[tilespmem:$0x1FE40] =	vst v58;
	v58 =	vld [tilespmem:$0x1A60]  }
0x246: {  	[tilespmem:$0x1FF10] =	vst v30;
	v30 =	vld [tilespmem:$0x1F960]  }
0x247: {  	[tilespmem:$0x1FF80] =	vst v63;
	v63 =	vld [tilespmem:$0x1FB40]  }
0x248: {  	v8 =	vadd.f32 v13, v8;
	v13 =	vld [tilespmem:$0x1FB70]  }
0x249: {  	v9 =	vadd.f32 v47, v9;
	v47 =	vld [tilespmem:$0x1FC30]  }
0x24a: {  	[tilespmem:$0x1FE70] =	vst v58;
	v58 =	vadd.f32 v29, v20;
	v20 =	vld [tilespmem:$0xB00]  }
0x24b: {  	v29 =	vld [tilespmem:$0x1F820]  }
0x24c: {  	v11 =	vadd.f32 v33, v58;
	v33 =	vld [tilespmem:$0x16E0]  }
0x24d: {  	v58 =	vld [tilespmem:$0x1940]  }
0x24e: {  	v11 =	vadd.f32 v40, v11;
	v40 =	vld [tilespmem:$0x1F830]  }
0x24f: {  	v20 =	vadd.f32 v20, v9;
	v9 =	vld [tilespmem:$0x1FD00]  }
0x250: {  	v11 =	vadd.f32 v46, v11;
	v46 =	vld [tilespmem:$0x1220]  }
0x251: {  	[tilespmem:$0x1FDF0] =	vst v33;
	v33 =	vld [tilespmem:$0xC40]  }
0x252: {  	[tilespmem:$0x1FE60] =	vst v58;
	v58 =	vld [tilespmem:$0xEA0];
	v4 =	vadd.f32 v4, v20  }
0x253: {  	v20 =	vld [tilespmem:$0x8E0];
	v11 =	vadd.f32 v56, v11  }
0x254: {  	v56 =	vld [tilespmem:$0x1480];
	v4 =	vadd.f32 v5, v4  }
0x255: {  	v11 =	vadd.f32 v29, v11;
	v29 =	vld [tilespmem:$0x1F850]  }
0x256: {  	v4 =	vadd.f32 v28, v4;
	v28 =	vld [tilespmem:$0x1FCF0]  }
0x257: {  	v11 =	vadd.f32 v40, v11;
	v40 =	vld [tilespmem:$0xD70]  }
0x258: {  	[tilespmem:$0x1FEB0] =	vst v33;
	v33 =	vld [tilespmem:$0x1F8C0]  }
0x259: {  	[tilespmem:$0x1FED0] =	vst v58;
	v58 =	vld [tilespmem:$0x1F8F0];
	v3 =	vadd.f32 v3, v4  }
0x25a: {  	v11 =	vadd.f32 v22, v11;
	v22 =	vld [tilespmem:$0x1100]  }
0x25b: {  	v3 =	vadd.f32 v39, v3;
	v39 =	vld [tilespmem:$0x1260]  }
0x25c: {  	v11 =	vadd.f32 v29, v11;
	v29 =	vld [tilespmem:$0x1F8B0]  }
0x25d: {  	[tilespmem:$0x1FEC0] =	vst v40;
	v40 =	vld [tilespmem:$0x1F8D0]  }
0x25e: {  	v3 =	vadd.f32 v46, v3;
	v46 =	vld [tilespmem:$0x14C0]  }
0x25f: {  	v11 =	vadd.f32 v37, v11;
	v37 =	vld [tilespmem:$0x1490]  }
0x260: {  	[tilespmem:$0x1FEF0] =	vst v22;
	v22 =	vld [tilespmem:$0x1F910]  }
0x261: {  	v12 =	vadd.f32 v18, v12;
	v3 =	vadd.f32 v50, v3;
	v50 =	vld [tilespmem:$0x1720]  }
0x262: {  	v11 =	vadd.f32 v60, v11;
	v60 =	vadd.f32 v19, v21;
	v21 =	vld [tilespmem:$0x1A80]  }
0x263: {  	v12 =	vadd.f32 v29, v12;
	v29 =	vld [tilespmem:$0x1F950]  }
0x264: {  	v3 =	vadd.f32 v56, v3;
	v56 =	vld [tilespmem:$0x1FDF0]  }
0x265: {  	v11 =	vadd.f32 v23, v11;
	v23 =	vld [tilespmem:$0x1F920]  }
0x266: {  	v19 =	vadd.f32 v25, v60;
	v25 =	vld [tilespmem:$0x1F930]  }
0x267: {  	v60 =	vld [tilespmem:$0x1960]  }
0x268: {  	[tilespmem:$0x1FF20] =	vst v37;
	v37 =	vld [tilespmem:$0x8C0]  }
0x269: {  	v3 =	vadd.f32 v61, v3;
	v61 =	vld [tilespmem:$0x8F0]  }
0x26a: {  	v6 =	vadd.f32 v33, v11;
	v33 =	vld [tilespmem:$0xD80]  }
0x26b: {  	v11 =	vadd.f32 v41, v55;
	v41 =	vld [tilespmem:$0x1240]  }
0x26c: {  	v55 =	vld [tilespmem:$0x1F9E0]  }
0x26d: {  	[tilespmem:$0x1FF70] =	vst v21;
	v21 =	vld [tilespmem:$0x1FA80]  }
0x26e: {  	[tilespmem:$0x1FF90] =	vst v6;
	v6 =	vadd.f32 v40, v12;
	v40 =	vld [tilespmem:$0x1F990]  }
0x26f: {  	v11 =	vadd.f32 v49, v11;
	v49 =	vld [tilespmem:$0x1F9B0]  }
0x270: {  	v12 =	vadd.f32 v58, v43;
	v58 =	vld [tilespmem:$0x1FA00]  }
0x271: {  	v3 =	vadd.f32 v56, v3;
	v56 =	vld [tilespmem:$0x1FE30]  }
0x272: {  	[tilespmem:$0x1FFA0] =	vst v6;
	v6 =	vadd.f32 v51, v35;
	v35 =	vld [tilespmem:$0xB20]  }
0x273: {  	v51 =	vld [tilespmem:$0x1F9C0]  }
0x274: {  	v11 =	vadd.f32 v59, v11;
	v59 =	vld [tilespmem:$0x1FA10]  }
0x275: {  	v18 =	vadd.f32 v16, v12;
	v16 =	vld [tilespmem:$0x1FA50]  }
0x276: {  	v12 =	vadd.f32 v31, v19;
	v19 =	vld [tilespmem:$0x1FA70]  }
0x277: {  	v3 =	vadd.f32 v15, v3;
	v15 =	vld [tilespmem:$0x1FE60]  }
0x278: {  	[tilespmem:$0x1FF60] =	vst v10;
	v10 =	vadd.f32 v22, v18;
	v18 =	vld [tilespmem:$0xC50]  }
0x279: {  	v12 =	vadd.f32 v38, v12;
	v38 =	vld [tilespmem:$0x1F980]  }
0x27a: {  	v22 =	vld [tilespmem:$0x1FA90]  }
0x27b: {  	v11 =	vadd.f32 v25, v11;
	v25 =	vld [tilespmem:$0x1FAC0]  }
0x27c: {  	v8 =	vadd.f32 v21, v8;
	v21 =	vld [tilespmem:$0x1250]  }
0x27d: {  	v11 =	vadd.f32 v29, v11;
	v29 =	vld [tilespmem:$0xFE0]  }
0x27e: {  	v12 =	vadd.f32 v45, v12;
	v45 =	vld [tilespmem:$0x1F9A0]  }
0x27f: {  	v10 =	vadd.f32 v23, v10;
	v23 =	vld [tilespmem:$0x1FAA0]  }
0x280: {  	v3 =	vadd.f32 v15, v3;
	v15 =	vld [tilespmem:$0x1FE80]  }
0x281: {  	v11 =	vadd.f32 v34, v11;
	v34 =	vld [tilespmem:$0x1370]  }
0x282: {  	v31 =	vadd.f32 v53, v12;
	v53 =	vld [tilespmem:$0x1F9D0]  }
0x283: {  	v12 =	vld [tilespmem:$0x1FA30]  }
0x284: {  	v10 =	vadd.f32 v26, v10;
	v26 =	vld [tilespmem:$0x1FAD0]  }
0x285: {  	v43 =	vadd.f32 v40, v31;
	v40 =	vld [tilespmem:$0x15D0]  }
0x286: {  	v10 =	vadd.f32 v30, v10;
	v30 =	vld [tilespmem:$0x1FAE0]  }
0x287: {  	v31 =	vld [tilespmem:$0x1FAF0]  }
0x288: {  	v11 =	vadd.f32 v45, v11;
	v45 =	vld [tilespmem:$0x8D0]  }
0x289: {  	v10 =	vadd.f32 v38, v10;
	v38 =	vld [tilespmem:$0x14A0]  }
0x28a: {  	v14 =	vadd.f32 v51, v43;
	v51 =	vld [tilespmem:$0x1830]  }
0x28b: {  	v43 =	vld [tilespmem:$0x1FB00]  }
0x28c: {  	v11 =	vadd.f32 v53, v11;
	v53 =	vld [tilespmem:$0xC60]  }
0x28d: {  	v10 =	vadd.f32 v49, v10;
	v49 =	vld [tilespmem:$0xB30]  }
0x28e: {  	v14 =	vadd.f32 v57, v14;
	v57 =	vld [tilespmem:$0x1FB10]  }
0x28f: {  	v11 =	vadd.f32 v58, v11;
	v58 =	vld [tilespmem:$0x1FB20]  }
0x290: {  	v10 =	vadd.f32 v55, v10;
	v55 =	vld [tilespmem:$0xD90]  }
0x291: {  	v8 =	vadd.f32 v25, v8;
	v14 =	vadd.f32 v62, v14;
	v62 =	vld [tilespmem:$0x1FB30]  }
0x292: {  	v48 =	vadd.f32 v48, v45;
	v45 =	vld [tilespmem:$0x14D0]  }
0x293: {  	v8 =	vadd.f32 v43, v8;
	v43 =	vld [tilespmem:$0xFF0]  }
0x294: {  	v11 =	vadd.f32 v12, v11;
	v12 =	vld [tilespmem:$0x1FB60]  }
0x295: {  	v14 =	vadd.f32 v17, v14;
	v17 =	vld [tilespmem:$0x1380]  }
0x296: {  	v10 =	vadd.f32 v59, v10;
	v11 =	vadd.f32 v19, v11;
	v19 =	vld [tilespmem:$0x1970]  }
0x297: {  	v14 =	vadd.f32 v23, v14;
	v23 =	vld [tilespmem:$0x1FB90]  }
0x298: {  	v10 =	vadd.f32 v16, v10;
	v16 =	vld [tilespmem:$0x1840]  }
0x299: {  	v11 =	vadd.f32 v24, v11;
	v24 =	vld [tilespmem:$0x1FBA0]  }
0x29a: {  	v14 =	vadd.f32 v30, v14;
	v30 =	vld [tilespmem:$0x1120]  }
0x29b: {  	v10 =	vadd.f32 v22, v10;
	v22 =	vld [tilespmem:$0x1FB80]  }
0x29c: {  	v11 =	vadd.f32 v31, v11;
	v31 =	vld [tilespmem:$0x1FBC0]  }
0x29d: {  	v10 =	vadd.f32 v26, v10;
	v26 =	vld [tilespmem:$0x1FBB0]  }
0x29e: {  	v59 =	vadd.f32 v58, v14;
	v58 =	vld [tilespmem:$0x1FBD0]  }
0x29f: {  	v14 =	vadd.f32 v13, v12;
	v12 =	vld [tilespmem:$0x1FCA0]  }
0x2a0: {  	v13 =	vld [tilespmem:$0x1FCB0]  }
0x2a1: {  	[tilespmem:$0x1FFB0] =	vst v6;
	v6 =	vadd.f32 v57, v10;
	v25 =	vadd.f32 v24, v23;
	v23 =	vld [tilespmem:$0x14B0]  }
0x2a2: {  	v24 =	vld [tilespmem:$0x1FC10]  }
0x2a3: {  	[tilespmem:$0x1FFC0] =	vst v6;
	v6 =	vadd.f32 v62, v11;
	v11 =	vld [tilespmem:$0x1FB50]  }
0x2a4: {  	v62 =	vld [tilespmem:$0x1FBF0]  }
0x2a5: {  	v57 =	vadd.f32 v54, v31;
	v31 =	vld [tilespmem:$0x15E0]  }
0x2a6: {  	v54 =	vld [tilespmem:$0x1FC40]  }
0x2a7: {  	v10 =	vadd.f32 v26, v14;
	v26 =	vld [tilespmem:$0x1710]  }
0x2a8: {  	[tilespmem:$0x1FFD0] =	vst v6;
	v6 =	vadd.f32 v11, v59;
	v59 =	vld [tilespmem:$0x1FBE0]  }
0x2a9: {  	v8 =	vadd.f32 v63, v8;
	v63 =	vadd.f32 v62, v57;
	v57 =	vld [tilespmem:$0x1FC50]  }
0x2aa: {  	v62 =	vld [tilespmem:$0x1FC80]  }
0x2ab: {  	v11 =	vld [tilespmem:$0x1FC90]  }
0x2ac: {  	[tilespmem:$0x1FFE0] =	vst v6;
	v6 =	vadd.f32 v22, v8;
	v22 =	vld [tilespmem:$0x1FC00]  }
0x2ad: {  	v8 =	vadd.f32 v58, v25;
	v25 =	vld [tilespmem:$0x1FC20]  }
0x2ae: {  	v58 =	vld [tilespmem:$0x1FC60]  }
0x2af: {  	[tilespmem:$0x1FFF0] =	vst v6;
	v6 =	vld [tilespmem:$0x1390]  }
0x2b0: {  	v10 =	vadd.f32 v59, v10;
	v59 =	vld [tilespmem:$0x1FC70]  }
0x2b1: {  	v8 =	vadd.f32 v22, v8;
	v22 =	vld [tilespmem:$0x1AA0]  }
0x2b2: {  	v10 =	vadd.f32 v24, v10;
	v24 =	vld [tilespmem:$0x1FCD0]  }
0x2b3: {  	v14 =	vadd.f32 v25, v63;
	v25 =	vld [tilespmem:$0x1FCE0]  }
0x2b4: {  	v8 =	vadd.f32 v47, v8;
	v47 =	vld [tilespmem:$0xA10]  }
0x2b5: {  	v10 =	vadd.f32 v54, v10;
	v14 =	vadd.f32 v57, v14;
	v54 =	vld [tilespmem:$0xB40]  }
0x2b6: {  	v57 =	vld [tilespmem:$0xC70];
	v8 =	vadd.f32 v58, v8  }
0x2b7: {  	v5 =	vadd.f32 v59, v10;
	v63 =	vadd.f32 v62, v14;
	v58 =	vld [tilespmem:$0xDA0]  }
0x2b8: {  	v14 =	vld [tilespmem:$0x1FCC0];
	v8 =	vadd.f32 v11, v8  }
0x2b9: {  	v5 =	vadd.f32 v12, v5;
	v10 =	vadd.f32 v13, v63;
	v11 =	vld [tilespmem:$0x1FD20]  }
0x2ba: {  	v12 =	vld [tilespmem:$0x1FD30]  }
0x2bb: {  	v4 =	vadd.f32 v24, v5;
	v5 =	vadd.f32 v25, v10;
	v10 =	vld [tilespmem:$0x1FD10]  }
0x2bc: {  	v13 =	vld [tilespmem:$0x1FD40]  }
0x2bd: {  	v24 =	vld [tilespmem:$0x1FD60]  }
0x2be: {  	v25 =	vld [tilespmem:$0x1FD70];
	v8 =	vadd.f32 v14, v8  }
0x2bf: {  	v14 =	vld [tilespmem:$0x1FD50];
	v4 =	vadd.f32 v9, v4  }
0x2c0: {  	v8 =	vadd.f32 v28, v8;
	v28 =	vld [tilespmem:$0x1FD80];
	v5 =	vadd.f32 v10, v5  }
0x2c1: {  	v4 =	vadd.f32 v12, v4;
	v12 =	vld [tilespmem:$0x1FD90]  }
0x2c2: {  	v5 =	vadd.f32 v13, v5;
	v13 =	vld [tilespmem:$0x1FDA0]  }
0x2c3: {  	v8 =	vadd.f32 v11, v8;
	v4 =	vadd.f32 v24, v4;
	v24 =	vld [tilespmem:$0x1FDC0]  }
0x2c4: {  	v5 =	vadd.f32 v25, v5;
	v25 =	vld [tilespmem:$0x1FDD0]  }
0x2c5: {  	v8 =	vadd.f32 v14, v8;
	v14 =	vld [tilespmem:$0x1FDB0]  }
0x2c6: {  	v59 =	vld [tilespmem:$0xED0];
	v4 =	vadd.f32 v12, v4  }
0x2c7: {  	v8 =	vadd.f32 v28, v8;
	v28 =	vld [tilespmem:$0x1FDE0];
	v5 =	vadd.f32 v13, v5  }
0x2c8: {  	v4 =	vadd.f32 v24, v4;
	v24 =	vld [tilespmem:$0x1FE10]  }
0x2c9: {  	v5 =	vadd.f32 v25, v5;
	v25 =	vld [tilespmem:$0x1FE20]  }
0x2ca: {  	v62 =	vld [tilespmem:$0x1000];
	v8 =	vadd.f32 v14, v8  }
0x2cb: {  	v13 =	vld [tilespmem:$0x1FE00]  }
0x2cc: {  	v63 =	vld [tilespmem:$0x1130];
	v8 =	vadd.f32 v28, v8  }
0x2cd: {  	v5 =	vadd.f32 v24, v5;
	v24 =	vld [tilespmem:$0x1FE40]  }
0x2ce: {  	v8 =	vadd.f32 v25, v8;
	v25 =	vld [tilespmem:$0x1FE50]  }
0x2cf: {  	v9 =	vld [tilespmem:$0xC80]  }
0x2d0: {  	v14 =	vld [tilespmem:$0xA20];
	v4 =	vadd.f32 v13, v4  }
0x2d1: {  	v10 =	vld [tilespmem:$0x15F0]  }
0x2d2: {  	v28 =	vld [tilespmem:$0xB50];
	v56 =	vadd.f32 v56, v4  }
0x2d3: {  	v4 =	vadd.f32 v24, v5;
	v24 =	vadd.f32 v25, v8;
	v25 =	vld [tilespmem:$0x1FE70]  }
0x2d4: {  	v11 =	vld [tilespmem:$0x1980]  }
0x2d5: {  	v12 =	vld [tilespmem:$0x1AB0];
	v14 =	vadd.f32 v14, v61  }
0x2d6: {  	v13 =	vld [tilespmem:$0xDB0]  }
0x2d7: {  	v14 =	vadd.f32 v28, v14;
	v28 =	vld [tilespmem:$0x12A0]  }
0x2d8: {  	v25 =	vadd.f32 v25, v4;
	v4 =	vadd.f32 v52, v15;
	v52 =	vld [tilespmem:$0x1FE90]  }
0x2d9: {  	v5 =	vld [tilespmem:$0xEE0]  }
0x2da: {  	v9 =	vadd.f32 v9, v14;
	[tilespmem:$0x1B70] =	vst v56;
	v56 =	vld [tilespmem:$0x1890]  }
0x2db: {  	v8 =	vld [tilespmem:$0x1010]  }
0x2dc: {  	v9 =	vadd.f32 v13, v9;
	v15 =	vld [tilespmem:$0x1140]  }
0x2dd: {  	v52 =	vadd.f32 v52, v3;
	v3 =	vadd.f32 v36, v37;
	v37 =	vld [tilespmem:$0x1270]  }
0x2de: {  	v5 =	vadd.f32 v5, v9;
	v36 =	vld [tilespmem:$0x1FEA0]  }
0x2df: {  	v3 =	vadd.f32 v35, v3;
	v35 =	vadd.f32 v47, v20;
	v47 =	vld [tilespmem:$0x1FEB0]  }
0x2e0: {  	v5 =	vadd.f32 v8, v5;
	v20 =	vld [tilespmem:$0x1600]  }
0x2e1: {  	v18 =	vadd.f32 v18, v3;
	v3 =	vld [tilespmem:$0x1730]  }
0x2e2: {  	v5 =	vadd.f32 v15, v5;
	v54 =	vadd.f32 v54, v35;
	v35 =	vld [tilespmem:$0x1860]  }
0x2e3: {  	v4 =	vadd.f32 v36, v4;
	v36 =	vld [tilespmem:$0x13A0]  }
0x2e4: {  	v5 =	vadd.f32 v37, v5;
	v37 =	vld [tilespmem:$0x13D0]  }
0x2e5: {  	v4 =	vadd.f32 v47, v4;
	v47 =	vadd.f32 v49, v48;
	v49 =	vld [tilespmem:$0x1FEC0]  }
0x2e6: {  	v48 =	vadd.f32 v57, v54;
	v54 =	vld [tilespmem:$0x1FED0]  }
0x2e7: {  	v57 =	vld [tilespmem:$0x1FEE0];
	v47 =	vadd.f32 v53, v47  }
0x2e8: {  	v53 =	vadd.f32 v33, v18;
	v18 =	vld [tilespmem:$0x1990];
	v48 =	vadd.f32 v58, v48  }
0x2e9: {  	v33 =	vld [tilespmem:$0x1AC0]  }
0x2ea: {  	v58 =	vadd.f32 v59, v48;
	v48 =	vld [tilespmem:$0xB60]  }
0x2eb: {  	v59 =	vld [tilespmem:$0x1FEF0]  }
0x2ec: {  	v44 =	vadd.f32 v44, v53;
	v53 =	vld [tilespmem:$0x1FF50]  }
0x2ed: {  	v47 =	vadd.f32 v55, v47;
	v55 =	vld [tilespmem:$0x1FF60]  }
0x2ee: {  	v4 =	vadd.f32 v49, v4;
	v49 =	vld [tilespmem:$0x900]  }
0x2ef: {  	v32 =	vadd.f32 v32, v47;
	v47 =	vld [tilespmem:$0xA30]  }
0x2f0: {  	v29 =	vadd.f32 v29, v44;
	v44 =	vld [tilespmem:$0xDC0]  }
0x2f1: {  	v4 =	vadd.f32 v54, v4;
	v54 =	vld [tilespmem:$0x910]  }
0x2f2: {  	v32 =	vadd.f32 v43, v32;
	v43 =	vld [tilespmem:$0xC90]  }
0x2f3: {  	v4 =	vadd.f32 v57, v4;
	v57 =	vadd.f32 v62, v58;
	v58 =	vld [tilespmem:$0x1FF00]  }
0x2f4: {  	v27 =	vadd.f32 v27, v29;
	v62 =	vld [tilespmem:$0x1FF20]  }
0x2f5: {  	v30 =	vadd.f32 v30, v32;
	v32 =	vld [tilespmem:$0xEF0]  }
0x2f6: {  	v27 =	vadd.f32 v41, v27;
	v41 =	vld [tilespmem:$0x1020]  }
0x2f7: {  	v4 =	vadd.f32 v59, v4;
	v59 =	vld [tilespmem:$0x1FF10]  }
0x2f8: {  	v29 =	vadd.f32 v63, v57;
	v63 =	vld [tilespmem:$0x1FF30]  }
0x2f9: {  	v57 =	vld [tilespmem:$0xA40]  }
0x2fa: {  	v47 =	vadd.f32 v47, v49;
	v49 =	vld [tilespmem:$0xCA0]  }
0x2fb: {  	v21 =	vadd.f32 v21, v30;
	v30 =	vld [tilespmem:$0x1150]  }
0x2fc: {  	v27 =	vadd.f32 v34, v27;
	v34 =	vld [tilespmem:$0x1280]  }
0x2fd: {  	v29 =	vadd.f32 v39, v29;
	v39 =	vld [tilespmem:$0x1FF90]  }
0x2fe: {  	v17 =	vadd.f32 v17, v21;
	v21 =	vld [tilespmem:$0x13B0]  }
0x2ff: {  	v27 =	vadd.f32 v38, v27;
	v38 =	vld [tilespmem:$0x1740]  }
0x300: {  	v4 =	vadd.f32 v58, v4;
	v58 =	vld [tilespmem:$0x920]  }
0x301: {  	v6 =	vadd.f32 v6, v29;
	v29 =	vld [tilespmem:$0x14E0]  }
0x302: {  	v17 =	vadd.f32 v23, v17;
	v23 =	vld [tilespmem:$0x1610]  }
0x303: {  	v4 =	vadd.f32 v59, v4;
	v59 =	vld [tilespmem:$0x1FF70]  }
0x304: {  	v27 =	vadd.f32 v40, v27;
	v40 =	vld [tilespmem:$0x14F0]  }
0x305: {  	v6 =	vadd.f32 v46, v6;
	v46 =	vld [tilespmem:$0x1FF40]  }
0x306: {  	v5 =	vadd.f32 v36, v5;
	v17 =	vadd.f32 v31, v17;
	v31 =	vld [tilespmem:$0x1870]  }
0x307: {  	v4 =	vadd.f32 v62, v4;
	v27 =	vadd.f32 v42, v27;
	v62 =	vld [tilespmem:$0x1FF80]  }
0x308: {  	v5 =	vadd.f32 v45, v5;
	v42 =	vld [tilespmem:$0x1500]  }
0x309: {  	v6 =	vadd.f32 v10, v6;
	v10 =	vld [tilespmem:$0x19A0];
	v27 =	vadd.f32 v51, v27  }
0x30a: {  	v4 =	vadd.f32 v63, v4;
	v17 =	vadd.f32 v26, v17;
	v63 =	vld [tilespmem:$0xB70]  }
0x30b: {  	v6 =	vadd.f32 v50, v6;
	v27 =	vadd.f32 v60, v27;
	v60 =	vld [tilespmem:$0xA50]  }
0x30c: {  	v5 =	vadd.f32 v20, v5;
	v26 =	vld [tilespmem:$0x1AD0];
	v4 =	vadd.f32 v46, v4  }
0x30d: {  	v16 =	vadd.f32 v16, v17;
	v46 =	vld [tilespmem:$0xB80];
	v6 =	vadd.f32 v7, v6  }
0x30e: {  	v51 =	vld [tilespmem:$0xDD0];
	v17 =	vadd.f32 v57, v54;
	v4 =	vadd.f32 v53, v4  }
0x30f: {  	v50 =	vld [tilespmem:$0xCB0];
	v27 =	vadd.f32 v62, v27;
	v6 =	vadd.f32 v11, v6  }
0x310: {  	v54 =	vld [tilespmem:$0xF00];
	v11 =	vadd.f32 v63, v17;
	v7 =	vadd.f32 v60, v58  }
0x311: {  	v53 =	vld [tilespmem:$0xDE0];
	v6 =	vadd.f32 v12, v6;
	v12 =	vadd.f32 v48, v47  }
0x312: {  	v57 =	vld [tilespmem:$0x1030];
	v11 =	vadd.f32 v49, v11;
	v7 =	vadd.f32 v46, v7  }
0x313: {  	v4 =	vadd.f32 v55, v4;
	v55 =	vld [tilespmem:$0xF10];
	v12 =	vadd.f32 v43, v12  }
0x314: {  	v60 =	vld [tilespmem:$0x1160];
	v58 =	vadd.f32 v51, v11;
	v7 =	vadd.f32 v50, v7  }
0x315: {  	v4 =	vadd.f32 v59, v4;
	v59 =	vld [tilespmem:$0x1040];
	v12 =	vadd.f32 v44, v12  }
0x316: {  	v62 =	vld [tilespmem:$0x1170];
	v61 =	vadd.f32 v54, v58;
	v7 =	vadd.f32 v53, v7  }
0x317: {  	v3 =	vadd.f32 v3, v5;
	v63 =	vld [tilespmem:$0x1290];
	v12 =	vadd.f32 v32, v12  }
0x318: {  	v47 =	vld [tilespmem:$0x1630];
	v8 =	vadd.f32 v57, v61;
	v7 =	vadd.f32 v55, v7  }
0x319: {  	v3 =	vadd.f32 v35, v3;
	v32 =	vld [tilespmem:$0x13C0];
	v12 =	vadd.f32 v41, v12  }
0x31a: {  	v48 =	vld [tilespmem:$0x1FFD0];
	v8 =	vadd.f32 v60, v8;
	v7 =	vadd.f32 v59, v7  }
0x31b: {  	v3 =	vadd.f32 v18, v3;
	v49 =	vld [tilespmem:$0x1750];
	v12 =	vadd.f32 v30, v12  }
0x31c: {  	v43 =	vld [tilespmem:$0x1FFB0];
	v8 =	vadd.f32 v63, v8;
	v7 =	vadd.f32 v62, v7  }
0x31d: {  	[tilespmem:$0x1B80] =	vst v24;
	v3 =	vadd.f32 v33, v3;
	v44 =	vld [tilespmem:$0x1620];
	v12 =	vadd.f32 v34, v12  }
0x31e: {  	[tilespmem:$0x1B90] =	vst v25;
	v46 =	vld [tilespmem:$0x1FFC0];
	v8 =	vadd.f32 v32, v8;
	v7 =	vadd.f32 v28, v7  }
0x31f: {  	[tilespmem:$0x1BA0] =	vst v52;
	v16 =	vadd.f32 v19, v16;
	v51 =	vld [tilespmem:$0x1760];
	v12 =	vadd.f32 v21, v12  }
0x320: {  	[tilespmem:$0x1BF0] =	vst v3;
	v50 =	vld [tilespmem:$0x1FFE0];
	v8 =	vadd.f32 v40, v8;
	v7 =	vadd.f32 v37, v7  }
0x321: {  	[tilespmem:$0x1B00] =	vst v39;
	v16 =	vadd.f32 v22, v16;
	v54 =	vld [tilespmem:$0x1880];
	v12 =	vadd.f32 v29, v12  }
0x322: {  	[tilespmem:$0x1BC0] =	vst v27;
	v58 =	vld [tilespmem:$0x19C0];
	v55 =	vadd.f32 v44, v8;
	v7 =	vadd.f32 v42, v7  }
0x323: {  	[tilespmem:$0x1BD0] =	vst v16;
	v57 =	vld [tilespmem:$0x19B0];
	v12 =	vadd.f32 v23, v12  }
0x324: {  	[tilespmem:$0x1BE0] =	vst v6;
	v53 =	vld [tilespmem:$0x1FFF0];
	v5 =	vadd.f32 v49, v55;
	v7 =	vadd.f32 v47, v7  }
0x325: {  	[tilespmem:$0x1BB0] =	vst v4;
	v59 =	vld [tilespmem:$0x1AE0];
	v12 =	vadd.f32 v38, v12  }
0x326: {  	[tilespmem:$0x1B40] =	vst v48;
	v41 =	vld [tilespmem:$0x1FFA0];
	v60 =	vadd.f32 v54, v5;
	v7 =	vadd.f32 v51, v7  }
0x327: {  	v61 =	vld [tilespmem:$0x1AF0];
	[tilespmem:$0x1B20] =	vst v43;
	v12 =	vadd.f32 v31, v12  }
0x328: {  	[tilespmem:$0x1B30] =	vst v46;
	v4 =	vadd.f32 v57, v60;
	v7 =	vadd.f32 v56, v7  }
0x329: {  	[tilespmem:$0x1B50] =	vst v50;
	v10 =	vadd.f32 v10, v12  }
0x32a: {  	[tilespmem:$0x1B60] =	vst v53;
	v3 =	vadd.f32 v59, v4;
	v7 =	vadd.f32 v58, v7  }
0x32b: {  	[tilespmem:$0x1B10] =	vst v41;
	v62 =	vadd.f32 v26, v10  }
0x32c: {  	s12 =	sadd.s32 $0x1, s12;
	[tilespmem:$0x1C10] =	vst v3;
	v63 =	vadd.f32 v61, v7  }
0x32d: {  	p0 =	sne.s32 s12, s6;
	[tilespmem:$0x1C00] =	vst v62  }
.Ltmp1:
0x32e: {  	[tilespmem:$0x1C20] =	vst v63;
	(pc) =	sbr.rel @p0 .LBB2_1-.Ltmp1, $4  }
0x32f: {  	[hbm4b:s5+s7] =	stream.strided.scatter [tilespmem:s11], [sflag:$0x1], $0x180, s8, s7, $0x38;
	[tilespmem:$0x1C80] =	vst v63  }
0x330: {  	_ =	swait.ge [sflag:s9], $0x180  }
0x331: {  	[sflag:s9] =	ssyncset.done $0x0  }
0x332: {  	[sflag:s9] =	ssyncadd.s32 $0xFFFFFE80  }
0x333: {  	_ =	sfence.sel $0x180000  }
0x334: {  	[bflag:$0x0] =	sbarrier.arrive $0xFFFF  }
0x335: {  	p0 =	sne.s32 s1, $0x0;
	_ =	strace $0x90000047  }
0x336: {  	s0 =	sadd.s32 @!p0 $0x100000, s0;
	[bflag:$0x2] =	sbarrier.arrive $0xFFFF  }
0x337: {  	[sflag:s0] =	ssyncadd.tile.s32 @!p0 $0x1;
	_ =	shalt  }
.Lfunc_end2:
_tile_overlayer_lowered:
.L_overlay_start_2:
0x338: {  	(tag) =	ssettag $0x2  }
0x339: {  	s0 =	rddreg [dreg:$0x0];
	s2 =	stileid.u32  }
0x33a: {  	s1 =	rddreg [dreg:$0x1];
	p0 =	sne.s32 s2, $0x0  }
0x33b: {  	s3 =	rddreg [dreg:$0x2];
	[bflag:$0x3] =	sbarrier.arrive $0xFFFF;
	s2 =	simm.s32 @!p0 $0x1C01  }
0x33c: {  	[timem:s3], [sflag:s2] =	dma.local @!p0 [hbm:s0], s1  }
0x33d: {  	s0 =	simm.s32 @!p0 $0x1  }
0x33e: {  	_ =	swait.ge @!p0 [sflag:s0], s1  }
0x33f: {  	s1 =	ssub.s32 @!p0 $0x0, s1;
	[sflag:s0] =	ssyncset.done @!p0 $0x0  }
0x340: {  	[sflag:s0] =	ssyncadd.s32 @!p0 s1  }
0x341: {  	[bflag:$0x3] =	sbarrier.arrive $0xFFFF  }
0x342: {  	_ =	shalt  }

</sc_bundles>
